<compile_context>
chip_gen: v7x
topology: tpu7x:2x2x1
jax: 0.10.2.dev20260603
libtpu: 0.0.44.dev20260713+nightly
codegen_flags: <defaults>
</compile_context>

<pallas_src>
import jax
import jax.numpy as jnp
from jax import lax
from jax.experimental import pallas as pl
from jax.experimental.pallas import tpu as pltpu
from jax.experimental.pallas import tpu_sc as plsc

N_FEATURE = 256
DEPTH = 8
N_TREE = 500
N_BATCH = 4096
N_INTERNAL = 2 ** DEPTH - 1
N_LEAF = 2 ** DEPTH

NUM_CORES = 2
NUM_SUBCORES = 16
NUM_WORKERS = NUM_CORES * NUM_SUBCORES
ROWS_PER_WORKER = N_BATCH // NUM_WORKERS
LANES = 16
GROUPS = ROWS_PER_WORKER // LANES

TCHUNK = 20
NCHUNKS = N_TREE // TCHUNK
TSIZE = 272
TWORDS = TCHUNK * TSIZE
VWORDS = TCHUNK * N_LEAF
X_STRIDE = N_FEATURE + 1


def _forest_body(x_hbm, feat_hbm, thr_hbm, val_hbm, out_hbm,
                 x_v, feat_v, thr_v, val_v, out_v, sem_tree):
    wid = lax.axis_index("c") * NUM_SUBCORES + lax.axis_index("s")
    base = wid * ROWS_PER_WORKER

    pltpu.sync_copy(x_hbm.at[pl.ds(base * X_STRIDE,
                                   ROWS_PER_WORKER * X_STRIDE)], x_v)

    def chunk_copies(c, slot):
        src = pl.ds(c * TWORDS, TWORDS)
        dst = pl.ds(slot * TWORDS, TWORDS)
        vsrc = pl.ds(c * VWORDS, VWORDS)
        vdst = pl.ds(slot * VWORDS, VWORDS)
        mk = pltpu.make_async_copy
        return (mk(feat_hbm.at[src], feat_v.at[dst], sem_tree),
                mk(thr_hbm.at[src], thr_v.at[dst], sem_tree),
                mk(val_hbm.at[vsrc], val_v.at[vdst], sem_tree))

    def start_chunk(c, slot):
        for cp in chunk_copies(c, slot):
            cp.start()

    def wait_chunk(c, slot):
        for cp in chunk_copies(c, slot):
            cp.wait()

    start_chunk(0, 0)

    iota = lax.iota(jnp.int32, LANES)
    rbase_x = [(iota + g * LANES) * X_STRIDE for g in range(GROUPS)]
    rbase_o = [(iota + g * LANES) * N_TREE for g in range(GROUPS)]

    def chunk_body(c, _):
        slot = lax.rem(c, 2)
        nslot = lax.rem(c + 1, 2)

        wait_chunk(c, slot)

        @pl.when(c + 1 < NCHUNKS)
        def _():
            start_chunk(c + 1, nslot)

        def take(vec, idx):
            return vec.at[idx].get(mode="promise_in_bounds")

        def tree_body(t):
            tb = (slot * TCHUNK + t) * TSIZE
            feat_a = feat_v[pl.ds(tb, LANES)]
            thr_a = thr_v[pl.ds(tb, LANES)]
            feat_b = feat_v[pl.ds(tb + LANES, LANES)]
            thr_b = thr_v[pl.ds(tb + LANES, LANES)]
            tb1 = jnp.full((LANES,), tb + 1, dtype=jnp.int32)
            go_l = jnp.full((LANES,), 1, dtype=jnp.int32)
            go_r = jnp.full((LANES,), 2, dtype=jnp.int32)
            vb = jnp.full((LANES,), (slot * TCHUNK + t) * N_LEAF - N_INTERNAL,
                          dtype=jnp.int32)
            tglob = jnp.full((LANES,), c * TCHUNK + t, dtype=jnp.int32)
            zero = jnp.full((LANES,), 0, dtype=jnp.int32)

            nodes = [zero] * GROUPS

            def descend(nodes, fs, ths):
                xvs = [plsc.load_gather(x_v, [rbase_x[g] + fs[g]])
                       for g in range(GROUPS)]
                return [nodes[g] + nodes[g]
                        + jnp.where(xvs[g] > ths[g], go_r, go_l)
                        for g in range(GROUPS)]

            for _d in range(4):
                fs = [take(feat_a, nodes[g]) for g in range(GROUPS)]
                ths = [take(thr_a, nodes[g]) for g in range(GROUPS)]
                nodes = descend(nodes, fs, ths)
            lidx = [nodes[g] - 15 for g in range(GROUPS)]
            fs = [take(feat_b, lidx[g]) for g in range(GROUPS)]
            ths = [take(thr_b, lidx[g]) for g in range(GROUPS)]
            nodes = descend(nodes, fs, ths)
            for _d in range(5, DEPTH):
                idxs = [nodes[g] + tb1 for g in range(GROUPS)]
                fs = [plsc.load_gather(feat_v, [idxs[g]])
                      for g in range(GROUPS)]
                ths = [plsc.load_gather(thr_v, [idxs[g]])
                       for g in range(GROUPS)]
                nodes = descend(nodes, fs, ths)
            vs = [plsc.load_gather(val_v, [nodes[g] + vb])
                  for g in range(GROUPS)]
            for g in range(GROUPS):
                plsc.store_scatter(out_v, [rbase_o[g] + tglob],
                                   jnp.maximum(vs[g], 0.0))

        plsc.parallel_loop(0, TCHUNK, unroll=2)(tree_body)
        return ()

    lax.fori_loop(0, NCHUNKS, chunk_body, ())

    pltpu.sync_copy(out_v, out_hbm.at[pl.ds(base * N_TREE,
                                            ROWS_PER_WORKER * N_TREE)])


@jax.jit
def _forest_sc(x, feat, thr, val):
    mesh = plsc.VectorSubcoreMesh(core_axis_name="c", subcore_axis_name="s",
                                  num_cores=NUM_CORES,
                                  num_subcores=NUM_SUBCORES)
    return pl.kernel(
        _forest_body,
        out_type=jax.ShapeDtypeStruct((N_BATCH * N_TREE,), jnp.float32),
        mesh=mesh,
        scratch_types=[
            pltpu.VMEM((ROWS_PER_WORKER * X_STRIDE,), jnp.float32),
            pltpu.VMEM((2 * TWORDS,), jnp.int32),
            pltpu.VMEM((2 * TWORDS,), jnp.float32),
            pltpu.VMEM((2 * VWORDS,), jnp.float32),
            pltpu.VMEM((ROWS_PER_WORKER * N_TREE,), jnp.float32),
            pltpu.SemaphoreType.DMA,
        ],
        compiler_params=pltpu.CompilerParams(use_tc_tiling_on_sc=False,
                                             needs_layout_passes=False),
    )(x, feat, thr, val)


def kernel(x, feature, threshold, children_left, children_right, value):
    del children_left, children_right
    def retile(a):
        z1 = jnp.zeros((N_TREE, 1), a.dtype)
        z15 = jnp.zeros((N_TREE, 15), a.dtype)
        return jnp.concatenate(
            [a[:, :15], z1, a[:, 15:N_LEAF], z15], axis=1).reshape(-1)

    feat = retile(feature.astype(jnp.int32))
    thr = retile(threshold)
    val = value[:, N_INTERNAL:, 0].reshape(-1)
    xp = jnp.pad(x, ((0, 0), (0, 1)))
    out = _forest_sc(xp.reshape(-1), feat, thr, val)
    return out.reshape(N_BATCH, N_TREE, 1)

# --- scband reference (transcript-rebuilt; emitter-appended) ---
"""Pipeline reference for scband-exhaustive-ensemble-35424890257691 (READ-ONLY COPY).

The authoritative reference and input builder live on the scoring server;
editing this copy changes nothing except your own understanding.
"""

import jax, jax.numpy as jnp
import numpy as np

N_FEATURE = 256
DEPTH = 8
N_TREE = 500
N_BATCH = 4096
N_OUTPUT = 1


def setup_inputs(seed: int = 0) -> dict:
    key = jax.random.key(seed)
    k1, k2, k3, k4 = jax.random.split(key, 4)
    n_node = 2 ** (DEPTH + 1) - 1
    n_internal = 2 ** DEPTH - 1
    idx = np.arange(n_node)
    cl = np.where(idx < n_internal, 2 * idx + 1, -1).astype(np.int32)
    cr = np.where(idx < n_internal, 2 * idx + 2, -1).astype(np.int32)
    children_left = jnp.tile(jnp.asarray(cl)[None, :], (N_TREE, 1))
    children_right = jnp.tile(jnp.asarray(cr)[None, :], (N_TREE, 1))
    feat_rand = jax.random.randint(k1, (N_TREE, n_node), 0, N_FEATURE)
    is_internal = jnp.asarray(idx)[None, :] < n_internal
    feature = jnp.where(is_internal, feat_rand, -1)
    threshold = jnp.where(is_internal, jax.random.normal(k2, (N_TREE, n_node), dtype=jnp.float32), 0.0)
    value = jax.random.normal(k3, (N_TREE, n_node, N_OUTPUT), dtype=jnp.float32)
    x = jax.random.normal(k4, (N_BATCH, N_FEATURE), dtype=jnp.float32)
    return {"x": x, "feature": feature, "threshold": threshold,
            "children_left": children_left, "children_right": children_right,
            "value": value}


def reference(x, feature, threshold, children_left, children_right, value):
    n_batch = x.shape[0]
    n_tree, n_node = feature.shape
    n_output = value.shape[-1]
    # pad x with a zero column; leaf nodes (feature == -1) index this column
    xp = jnp.pad(x, ((0, 0), (0, 1)), mode="constant", constant_values=0.0)
    node = jnp.zeros((n_batch, n_tree), dtype=children_left.dtype)
    for _ in range(DEPTH):
        feat = jnp.take_along_axis(feature, node.T, axis=1).T
        feat = jnp.where(feat < 0, N_FEATURE, feat)
        xval = jnp.take_along_axis(xp, feat, axis=1)
        split = jnp.take_along_axis(threshold, node.T, axis=1).T
        lchild = jnp.take_along_axis(children_left, node.T, axis=1).T
        rchild = jnp.take_along_axis(children_right, node.T, axis=1).T
        check = xval <= split
        new_node = jnp.where(check, lchild, rchild)
        leaf_mask = new_node > -1  # TREE_LEAF = -1
        node = jnp.where(leaf_mask, new_node, node)
    # _gather_value
    node_exp = jnp.broadcast_to(node[:, :, None], (n_batch, n_tree, n_output))
    val = jnp.take_along_axis(value, jnp.transpose(node_exp, (1, 0, 2)), axis=1)
    val = jnp.transpose(val, (1, 0, 2))
    out = jax.nn.relu(val)  # activation
    return out

if __name__ == "__main__":
    import jax
    _d = setup_inputs()
    print(jax.jit(kernel)(*tuple(_d.values())))

</pallas_src>

<mosaic_0001>
#map = affine_map<(d0, d1) -> (0)>
module attributes {stable_mosaic.version = 14 : i64} {
  func.func @_forest_body(%arg0: i32, %arg1: i32, %arg2: memref<1052672xf32, #tpu.memory_space<hbm>>, %arg3: memref<136000xi32, #tpu.memory_space<hbm>>, %arg4: memref<136000xf32, #tpu.memory_space<hbm>>, %arg5: memref<128000xf32, #tpu.memory_space<hbm>>, %arg6: memref<2048000xf32, #tpu.memory_space<hbm>>, %arg7: memref<32896xf32, #tpu.memory_space<vmem>>, %arg8: memref<10880xi32, #tpu.memory_space<vmem>>, %arg9: memref<10880xf32, #tpu.memory_space<vmem>>, %arg10: memref<10240xf32, #tpu.memory_space<vmem>>, %arg11: memref<64000xf32, #tpu.memory_space<vmem>>, %arg12: memref<!tpu.dma_semaphore, #tpu.memory_space<semaphore_mem>>) attributes {dimension_semantics = [#tpu.dimension_semantics<core_parallel>, #tpu.dimension_semantics<subcore_parallel>], iteration_bounds = array<i64: 2, 16>, scalar_prefetch = 0 : i64, scratch_operands = 6 : i64, tpu.core_type = #tpu.core_type<sc_vector_subcore>, window_params = [{transform_indices = #map}, {transform_indices = #map}, {transform_indices = #map}, {transform_indices = #map}, {transform_indices = #map}]} {
    %mul3A = arith.constant 16 : i32
    %mul3A_0 = arith.muli %arg0, %mul3A : i32
    %add3A = arith.addi %mul3A_0, %arg1 : i32
    %mul3A_1 = arith.constant 128 : i32
    %mul3A_2 = arith.muli %add3A, %mul3A_1 : i32
    %mul3A_3 = arith.constant 257 : i32
    %mul3A_4 = arith.muli %mul3A_2, %mul3A_3 : i32
    "tpu.region"() ({
      %run_scoped3A = tpu.sem_alloc : memref<!tpu.dma_semaphore, #tpu.memory_space<semaphore_mem>>
      %dma_start3A_130 = tpu.memref_slice %arg2[%mul3A_4] : memref<1052672xf32, #tpu.memory_space<hbm>> -> memref<32896xf32, #tpu.memory_space<hbm>>
      %dma_start3A_131 = tpu.memref_slice %arg2[%mul3A_4] : memref<1052672xf32, #tpu.memory_space<hbm>> -> memref<32896xf32, #tpu.memory_space<hbm>>
      tpu.enqueue_dma source(%dma_start3A_131 : memref<32896xf32, #tpu.memory_space<hbm>>) target(%arg7 : memref<32896xf32, #tpu.memory_space<vmem>>) target_semaphore(%run_scoped3A : memref<!tpu.dma_semaphore, #tpu.memory_space<semaphore_mem>>)
      %dma_wait3A = tpu.memref_slice %arg2[%mul3A_4] : memref<1052672xf32, #tpu.memory_space<hbm>> -> memref<32896xf32, #tpu.memory_space<hbm>>
      %dma_wait3A_132 = tpu.memref_slice %arg2[%mul3A_4] : memref<1052672xf32, #tpu.memory_space<hbm>> -> memref<32896xf32, #tpu.memory_space<hbm>>
      tpu.wait_dma2 semaphore(%run_scoped3A : memref<!tpu.dma_semaphore, #tpu.memory_space<semaphore_mem>>) src(%dma_wait3A_132 : memref<32896xf32, #tpu.memory_space<hbm>>) dst(%arg7 : memref<32896xf32, #tpu.memory_space<vmem>>)
      tpu.yield
    }) : () -> ()
    %dma_start3A = arith.constant 0 : i32
    %dma_start3A_5 = tpu.memref_slice %arg8[%dma_start3A] : memref<10880xi32, #tpu.memory_space<vmem>> -> memref<5440xi32, #tpu.memory_space<vmem>>
    %dma_start3A_6 = arith.constant 0 : i32
    %dma_start3A_7 = tpu.memref_slice %arg3[%dma_start3A_6] : memref<136000xi32, #tpu.memory_space<hbm>> -> memref<5440xi32, #tpu.memory_space<hbm>>
    %dma_start3A_8 = arith.constant 0 : i32
    %dma_start3A_9 = tpu.memref_slice %arg8[%dma_start3A_8] : memref<10880xi32, #tpu.memory_space<vmem>> -> memref<5440xi32, #tpu.memory_space<vmem>>
    %dma_start3A_10 = arith.constant 0 : i32
    %dma_start3A_11 = tpu.memref_slice %arg3[%dma_start3A_10] : memref<136000xi32, #tpu.memory_space<hbm>> -> memref<5440xi32, #tpu.memory_space<hbm>>
    tpu.enqueue_dma source(%dma_start3A_11 : memref<5440xi32, #tpu.memory_space<hbm>>) target(%dma_start3A_9 : memref<5440xi32, #tpu.memory_space<vmem>>) target_semaphore(%arg12 : memref<!tpu.dma_semaphore, #tpu.memory_space<semaphore_mem>>)
    %dma_start3A_12 = arith.constant 0 : i32
    %dma_start3A_13 = tpu.memref_slice %arg9[%dma_start3A_12] : memref<10880xf32, #tpu.memory_space<vmem>> -> memref<5440xf32, #tpu.memory_space<vmem>>
    %dma_start3A_14 = arith.constant 0 : i32
    %dma_start3A_15 = tpu.memref_slice %arg4[%dma_start3A_14] : memref<136000xf32, #tpu.memory_space<hbm>> -> memref<5440xf32, #tpu.memory_space<hbm>>
    %dma_start3A_16 = arith.constant 0 : i32
    %dma_start3A_17 = tpu.memref_slice %arg9[%dma_start3A_16] : memref<10880xf32, #tpu.memory_space<vmem>> -> memref<5440xf32, #tpu.memory_space<vmem>>
    %dma_start3A_18 = arith.constant 0 : i32
    %dma_start3A_19 = tpu.memref_slice %arg4[%dma_start3A_18] : memref<136000xf32, #tpu.memory_space<hbm>> -> memref<5440xf32, #tpu.memory_space<hbm>>
    tpu.enqueue_dma source(%dma_start3A_19 : memref<5440xf32, #tpu.memory_space<hbm>>) target(%dma_start3A_17 : memref<5440xf32, #tpu.memory_space<vmem>>) target_semaphore(%arg12 : memref<!tpu.dma_semaphore, #tpu.memory_space<semaphore_mem>>)
    %dma_start3A_20 = arith.constant 0 : i32
    %dma_start3A_21 = tpu.memref_slice %arg10[%dma_start3A_20] : memref<10240xf32, #tpu.memory_space<vmem>> -> memref<5120xf32, #tpu.memory_space<vmem>>
    %dma_start3A_22 = arith.constant 0 : i32
    %dma_start3A_23 = tpu.memref_slice %arg5[%dma_start3A_22] : memref<128000xf32, #tpu.memory_space<hbm>> -> memref<5120xf32, #tpu.memory_space<hbm>>
    %dma_start3A_24 = arith.constant 0 : i32
    %dma_start3A_25 = tpu.memref_slice %arg10[%dma_start3A_24] : memref<10240xf32, #tpu.memory_space<vmem>> -> memref<5120xf32, #tpu.memory_space<vmem>>
    %dma_start3A_26 = arith.constant 0 : i32
    %dma_start3A_27 = tpu.memref_slice %arg5[%dma_start3A_26] : memref<128000xf32, #tpu.memory_space<hbm>> -> memref<5120xf32, #tpu.memory_space<hbm>>
    tpu.enqueue_dma source(%dma_start3A_27 : memref<5120xf32, #tpu.memory_space<hbm>>) target(%dma_start3A_25 : memref<5120xf32, #tpu.memory_space<vmem>>) target_semaphore(%arg12 : memref<!tpu.dma_semaphore, #tpu.memory_space<semaphore_mem>>)
    %iota3A = tpu.iota {dimensions = array<i32: 0>} : vector<16xi32>
    %add3A_28 = arith.constant 0 : i32
    %add3A_29 = vector.broadcast %add3A_28 : i32 to vector<16xi32>
    %add3A_30 = arith.addi %iota3A, %add3A_29 : vector<16xi32>
    %mul3A_31 = arith.constant 257 : i32
    %mul3A_32 = vector.broadcast %mul3A_31 : i32 to vector<16xi32>
    %mul3A_33 = arith.muli %add3A_30, %mul3A_32 : vector<16xi32>
    %add3A_34 = arith.constant 16 : i32
    %add3A_35 = vector.broadcast %add3A_34 : i32 to vector<16xi32>
    %add3A_36 = arith.addi %iota3A, %add3A_35 : vector<16xi32>
    %mul3A_37 = arith.constant 257 : i32
    %mul3A_38 = vector.broadcast %mul3A_37 : i32 to vector<16xi32>
    %mul3A_39 = arith.muli %add3A_36, %mul3A_38 : vector<16xi32>
    %add3A_40 = arith.constant 32 : i32
    %add3A_41 = vector.broadcast %add3A_40 : i32 to vector<16xi32>
    %add3A_42 = arith.addi %iota3A, %add3A_41 : vector<16xi32>
    %mul3A_43 = arith.constant 257 : i32
    %mul3A_44 = vector.broadcast %mul3A_43 : i32 to vector<16xi32>
    %mul3A_45 = arith.muli %add3A_42, %mul3A_44 : vector<16xi32>
    %add3A_46 = arith.constant 48 : i32
    %add3A_47 = vector.broadcast %add3A_46 : i32 to vector<16xi32>
    %add3A_48 = arith.addi %iota3A, %add3A_47 : vector<16xi32>
    %mul3A_49 = arith.constant 257 : i32
    %mul3A_50 = vector.broadcast %mul3A_49 : i32 to vector<16xi32>
    %mul3A_51 = arith.muli %add3A_48, %mul3A_50 : vector<16xi32>
    %add3A_52 = arith.constant 64 : i32
    %add3A_53 = vector.broadcast %add3A_52 : i32 to vector<16xi32>
    %add3A_54 = arith.addi %iota3A, %add3A_53 : vector<16xi32>
    %mul3A_55 = arith.constant 257 : i32
    %mul3A_56 = vector.broadcast %mul3A_55 : i32 to vector<16xi32>
    %mul3A_57 = arith.muli %add3A_54, %mul3A_56 : vector<16xi32>
    %add3A_58 = arith.constant 80 : i32
    %add3A_59 = vector.broadcast %add3A_58 : i32 to vector<16xi32>
    %add3A_60 = arith.addi %iota3A, %add3A_59 : vector<16xi32>
    %mul3A_61 = arith.constant 257 : i32
    %mul3A_62 = vector.broadcast %mul3A_61 : i32 to vector<16xi32>
    %mul3A_63 = arith.muli %add3A_60, %mul3A_62 : vector<16xi32>
    %add3A_64 = arith.constant 96 : i32
    %add3A_65 = vector.broadcast %add3A_64 : i32 to vector<16xi32>
    %add3A_66 = arith.addi %iota3A, %add3A_65 : vector<16xi32>
    %mul3A_67 = arith.constant 257 : i32
    %mul3A_68 = vector.broadcast %mul3A_67 : i32 to vector<16xi32>
    %mul3A_69 = arith.muli %add3A_66, %mul3A_68 : vector<16xi32>
    %add3A_70 = arith.constant 112 : i32
    %add3A_71 = vector.broadcast %add3A_70 : i32 to vector<16xi32>
    %add3A_72 = arith.addi %iota3A, %add3A_71 : vector<16xi32>
    %mul3A_73 = arith.constant 257 : i32
    %mul3A_74 = vector.broadcast %mul3A_73 : i32 to vector<16xi32>
    %mul3A_75 = arith.muli %add3A_72, %mul3A_74 : vector<16xi32>
    %add3A_76 = arith.constant 0 : i32
    %add3A_77 = vector.broadcast %add3A_76 : i32 to vector<16xi32>
    %add3A_78 = arith.addi %iota3A, %add3A_77 : vector<16xi32>
    %mul3A_79 = arith.constant 500 : i32
    %mul3A_80 = vector.broadcast %mul3A_79 : i32 to vector<16xi32>
    %mul3A_81 = arith.muli %add3A_78, %mul3A_80 : vector<16xi32>
    %add3A_82 = arith.constant 16 : i32
    %add3A_83 = vector.broadcast %add3A_82 : i32 to vector<16xi32>
    %add3A_84 = arith.addi %iota3A, %add3A_83 : vector<16xi32>
    %mul3A_85 = arith.constant 500 : i32
    %mul3A_86 = vector.broadcast %mul3A_85 : i32 to vector<16xi32>
    %mul3A_87 = arith.muli %add3A_84, %mul3A_86 : vector<16xi32>
    %add3A_88 = arith.constant 32 : i32
    %add3A_89 = vector.broadcast %add3A_88 : i32 to vector<16xi32>
    %add3A_90 = arith.addi %iota3A, %add3A_89 : vector<16xi32>
    %mul3A_91 = arith.constant 500 : i32
    %mul3A_92 = vector.broadcast %mul3A_91 : i32 to vector<16xi32>
    %mul3A_93 = arith.muli %add3A_90, %mul3A_92 : vector<16xi32>
    %add3A_94 = arith.constant 48 : i32
    %add3A_95 = vector.broadcast %add3A_94 : i32 to vector<16xi32>
    %add3A_96 = arith.addi %iota3A, %add3A_95 : vector<16xi32>
    %mul3A_97 = arith.constant 500 : i32
    %mul3A_98 = vector.broadcast %mul3A_97 : i32 to vector<16xi32>
    %mul3A_99 = arith.muli %add3A_96, %mul3A_98 : vector<16xi32>
    %add3A_100 = arith.constant 64 : i32
    %add3A_101 = vector.broadcast %add3A_100 : i32 to vector<16xi32>
    %add3A_102 = arith.addi %iota3A, %add3A_101 : vector<16xi32>
    %mul3A_103 = arith.constant 500 : i32
    %mul3A_104 = vector.broadcast %mul3A_103 : i32 to vector<16xi32>
    %mul3A_105 = arith.muli %add3A_102, %mul3A_104 : vector<16xi32>
    %add3A_106 = arith.constant 80 : i32
    %add3A_107 = vector.broadcast %add3A_106 : i32 to vector<16xi32>
    %add3A_108 = arith.addi %iota3A, %add3A_107 : vector<16xi32>
    %mul3A_109 = arith.constant 500 : i32
    %mul3A_110 = vector.broadcast %mul3A_109 : i32 to vector<16xi32>
    %mul3A_111 = arith.muli %add3A_108, %mul3A_110 : vector<16xi32>
    %add3A_112 = arith.constant 96 : i32
    %add3A_113 = vector.broadcast %add3A_112 : i32 to vector<16xi32>
    %add3A_114 = arith.addi %iota3A, %add3A_113 : vector<16xi32>
    %mul3A_115 = arith.constant 500 : i32
    %mul3A_116 = vector.broadcast %mul3A_115 : i32 to vector<16xi32>
    %mul3A_117 = arith.muli %add3A_114, %mul3A_116 : vector<16xi32>
    %add3A_118 = arith.constant 112 : i32
    %add3A_119 = vector.broadcast %add3A_118 : i32 to vector<16xi32>
    %add3A_120 = arith.addi %iota3A, %add3A_119 : vector<16xi32>
    %mul3A_121 = arith.constant 500 : i32
    %mul3A_122 = vector.broadcast %mul3A_121 : i32 to vector<16xi32>
    %mul3A_123 = arith.muli %add3A_120, %mul3A_122 : vector<16xi32>
    %scan3A = arith.constant 0 : i32
    %scan3A_124 = arith.constant 25 : i32
    %scan3A_125 = arith.addi %scan3A, %scan3A_124 : i32
    %scan3A_126 = arith.constant 1 : i32
    scf.for %scan3A_130 = %scan3A to %scan3A_125 step %scan3A_126  : i32 {
      %rem3A = arith.constant 2 : i32
      %rem3A_131 = arith.remsi %scan3A_130, %rem3A : i32
      %add3A_132 = arith.constant 1 : i32
      %add3A_133 = arith.addi %scan3A_130, %add3A_132 : i32
      %rem3A_134 = arith.constant 2 : i32
      %rem3A_135 = arith.remsi %add3A_133, %rem3A_134 : i32
      %mul3A_136 = arith.constant 5440 : i32
      %mul3A_137 = arith.muli %scan3A_130, %mul3A_136 : i32
      %mul3A_138 = arith.constant 5440 : i32
      %mul3A_139 = arith.muli %rem3A_131, %mul3A_138 : i32
      %mul3A_140 = arith.constant 5120 : i32
      %mul3A_141 = arith.muli %scan3A_130, %mul3A_140 : i32
      %mul3A_142 = arith.constant 5120 : i32
      %mul3A_143 = arith.muli %rem3A_131, %mul3A_142 : i32
      %dma_wait3A = tpu.memref_slice %arg8[%mul3A_139] : memref<10880xi32, #tpu.memory_space<vmem>> -> memref<5440xi32, #tpu.memory_space<vmem>>
      %dma_wait3A_144 = tpu.memref_slice %arg3[%mul3A_137] : memref<136000xi32, #tpu.memory_space<hbm>> -> memref<5440xi32, #tpu.memory_space<hbm>>
      %dma_wait3A_145 = tpu.memref_slice %arg8[%mul3A_139] : memref<10880xi32, #tpu.memory_space<vmem>> -> memref<5440xi32, #tpu.memory_space<vmem>>
      %dma_wait3A_146 = tpu.memref_slice %arg3[%mul3A_137] : memref<136000xi32, #tpu.memory_space<hbm>> -> memref<5440xi32, #tpu.memory_space<hbm>>
      tpu.wait_dma2 semaphore(%arg12 : memref<!tpu.dma_semaphore, #tpu.memory_space<semaphore_mem>>) src(%dma_wait3A_146 : memref<5440xi32, #tpu.memory_space<hbm>>) dst(%dma_wait3A_145 : memref<5440xi32, #tpu.memory_space<vmem>>)
      %dma_wait3A_147 = tpu.memref_slice %arg9[%mul3A_139] : memref<10880xf32, #tpu.memory_space<vmem>> -> memref<5440xf32, #tpu.memory_space<vmem>>
      %dma_wait3A_148 = tpu.memref_slice %arg4[%mul3A_137] : memref<136000xf32, #tpu.memory_space<hbm>> -> memref<5440xf32, #tpu.memory_space<hbm>>
      %dma_wait3A_149 = tpu.memref_slice %arg9[%mul3A_139] : memref<10880xf32, #tpu.memory_space<vmem>> -> memref<5440xf32, #tpu.memory_space<vmem>>
      %dma_wait3A_150 = tpu.memref_slice %arg4[%mul3A_137] : memref<136000xf32, #tpu.memory_space<hbm>> -> memref<5440xf32, #tpu.memory_space<hbm>>
      tpu.wait_dma2 semaphore(%arg12 : memref<!tpu.dma_semaphore, #tpu.memory_space<semaphore_mem>>) src(%dma_wait3A_150 : memref<5440xf32, #tpu.memory_space<hbm>>) dst(%dma_wait3A_149 : memref<5440xf32, #tpu.memory_space<vmem>>)
      %dma_wait3A_151 = tpu.memref_slice %arg10[%mul3A_143] : memref<10240xf32, #tpu.memory_space<vmem>> -> memref<5120xf32, #tpu.memory_space<vmem>>
      %dma_wait3A_152 = tpu.memref_slice %arg5[%mul3A_141] : memref<128000xf32, #tpu.memory_space<hbm>> -> memref<5120xf32, #tpu.memory_space<hbm>>
      %dma_wait3A_153 = tpu.memref_slice %arg10[%mul3A_143] : memref<10240xf32, #tpu.memory_space<vmem>> -> memref<5120xf32, #tpu.memory_space<vmem>>
      %dma_wait3A_154 = tpu.memref_slice %arg5[%mul3A_141] : memref<128000xf32, #tpu.memory_space<hbm>> -> memref<5120xf32, #tpu.memory_space<hbm>>
      tpu.wait_dma2 semaphore(%arg12 : memref<!tpu.dma_semaphore, #tpu.memory_space<semaphore_mem>>) src(%dma_wait3A_154 : memref<5120xf32, #tpu.memory_space<hbm>>) dst(%dma_wait3A_153 : memref<5120xf32, #tpu.memory_space<vmem>>)
      %add3A_155 = arith.constant 1 : i32
      %add3A_156 = arith.addi %scan3A_130, %add3A_155 : i32
      %lt3A = arith.constant 25 : i32
      %lt3A_157 = arith.cmpi slt, %add3A_156, %lt3A : i32
      %convert_element_type3A = arith.extui %lt3A_157 : i1 to i32
      %cond3A = arith.constant 0 : i32
      %cond3A_158 = arith.cmpi ne, %convert_element_type3A, %cond3A : i32
      scf.if %cond3A_158 {
        %add3A_161 = arith.constant 1 : i32
        %add3A_162 = arith.addi %scan3A_130, %add3A_161 : i32
        %mul3A_163 = arith.constant 5440 : i32
        %mul3A_164 = arith.muli %add3A_162, %mul3A_163 : i32
        %mul3A_165 = arith.constant 5440 : i32
        %mul3A_166 = arith.muli %rem3A_135, %mul3A_165 : i32
        %mul3A_167 = arith.constant 5120 : i32
        %mul3A_168 = arith.muli %add3A_162, %mul3A_167 : i32
        %mul3A_169 = arith.constant 5120 : i32
        %mul3A_170 = arith.muli %rem3A_135, %mul3A_169 : i32
        %dma_start3A_171 = tpu.memref_slice %arg8[%mul3A_166] : memref<10880xi32, #tpu.memory_space<vmem>> -> memref<5440xi32, #tpu.memory_space<vmem>>
        %dma_start3A_172 = tpu.memref_slice %arg3[%mul3A_164] : memref<136000xi32, #tpu.memory_space<hbm>> -> memref<5440xi32, #tpu.memory_space<hbm>>
        %dma_start3A_173 = tpu.memref_slice %arg8[%mul3A_166] : memref<10880xi32, #tpu.memory_space<vmem>> -> memref<5440xi32, #tpu.memory_space<vmem>>
        %dma_start3A_174 = tpu.memref_slice %arg3[%mul3A_164] : memref<136000xi32, #tpu.memory_space<hbm>> -> memref<5440xi32, #tpu.memory_space<hbm>>
        tpu.enqueue_dma source(%dma_start3A_174 : memref<5440xi32, #tpu.memory_space<hbm>>) target(%dma_start3A_173 : memref<5440xi32, #tpu.memory_space<vmem>>) target_semaphore(%arg12 : memref<!tpu.dma_semaphore, #tpu.memory_space<semaphore_mem>>)
        %dma_start3A_175 = tpu.memref_slice %arg9[%mul3A_166] : memref<10880xf32, #tpu.memory_space<vmem>> -> memref<5440xf32, #tpu.memory_space<vmem>>
        %dma_start3A_176 = tpu.memref_slice %arg4[%mul3A_164] : memref<136000xf32, #tpu.memory_space<hbm>> -> memref<5440xf32, #tpu.memory_space<hbm>>
        %dma_start3A_177 = tpu.memref_slice %arg9[%mul3A_166] : memref<10880xf32, #tpu.memory_space<vmem>> -> memref<5440xf32, #tpu.memory_space<vmem>>
        %dma_start3A_178 = tpu.memref_slice %arg4[%mul3A_164] : memref<136000xf32, #tpu.memory_space<hbm>> -> memref<5440xf32, #tpu.memory_space<hbm>>
        tpu.enqueue_dma source(%dma_start3A_178 : memref<5440xf32, #tpu.memory_space<hbm>>) target(%dma_start3A_177 : memref<5440xf32, #tpu.memory_space<vmem>>) target_semaphore(%arg12 : memref<!tpu.dma_semaphore, #tpu.memory_space<semaphore_mem>>)
        %dma_start3A_179 = tpu.memref_slice %arg10[%mul3A_170] : memref<10240xf32, #tpu.memory_space<vmem>> -> memref<5120xf32, #tpu.memory_space<vmem>>
        %dma_start3A_180 = tpu.memref_slice %arg5[%mul3A_168] : memref<128000xf32, #tpu.memory_space<hbm>> -> memref<5120xf32, #tpu.memory_space<hbm>>
        %dma_start3A_181 = tpu.memref_slice %arg10[%mul3A_170] : memref<10240xf32, #tpu.memory_space<vmem>> -> memref<5120xf32, #tpu.memory_space<vmem>>
        %dma_start3A_182 = tpu.memref_slice %arg5[%mul3A_168] : memref<128000xf32, #tpu.memory_space<hbm>> -> memref<5120xf32, #tpu.memory_space<hbm>>
        tpu.enqueue_dma source(%dma_start3A_182 : memref<5120xf32, #tpu.memory_space<hbm>>) target(%dma_start3A_181 : memref<5120xf32, #tpu.memory_space<vmem>>) target_semaphore(%arg12 : memref<!tpu.dma_semaphore, #tpu.memory_space<semaphore_mem>>)
      } else {
      }
      %parallel_loop3A = arith.constant 0 : i32
      %parallel_loop3A_159 = arith.constant 20 : i32
      %parallel_loop3A_160 = arith.constant 1 : i32
      scf.for %parallel_loop3A_161 = %parallel_loop3A to %parallel_loop3A_159 step %parallel_loop3A_160  : i32 {
        %parallel_loop3A_162 = arith.constant 20 : i32
        %parallel_loop3A_163 = arith.muli %rem3A_131, %parallel_loop3A_162 : i32
        %parallel_loop3A_164 = arith.addi %parallel_loop3A_163, %parallel_loop3A_161 : i32
        %parallel_loop3A_165 = arith.constant 272 : i32
        %parallel_loop3A_166 = arith.muli %parallel_loop3A_164, %parallel_loop3A_165 : i32
        %parallel_loop3A_167 = arith.index_cast %parallel_loop3A_166 : i32 to index
        %parallel_loop3A_168 = tpu.vector_load %arg8[%parallel_loop3A_167] {strides = array<i32>} : memref<10880xi32, #tpu.memory_space<vmem>>, vector<16xi32>,
        %parallel_loop3A_169 = arith.index_cast %parallel_loop3A_166 : i32 to index
        %parallel_loop3A_170 = tpu.vector_load %arg9[%parallel_loop3A_169] {strides = array<i32>} : memref<10880xf32, #tpu.memory_space<vmem>>, vector<16xf32>,
        %parallel_loop3A_171 = arith.constant 16 : i32
        %parallel_loop3A_172 = arith.addi %parallel_loop3A_166, %parallel_loop3A_171 : i32
        %parallel_loop3A_173 = arith.index_cast %parallel_loop3A_172 : i32 to index
        %parallel_loop3A_174 = tpu.vector_load %arg8[%parallel_loop3A_173] {strides = array<i32>} : memref<10880xi32, #tpu.memory_space<vmem>>, vector<16xi32>,
        %parallel_loop3A_175 = arith.constant 16 : i32
        %parallel_loop3A_176 = arith.addi %parallel_loop3A_166, %parallel_loop3A_175 : i32
        %parallel_loop3A_177 = arith.index_cast %parallel_loop3A_176 : i32 to index
        %parallel_loop3A_178 = tpu.vector_load %arg9[%parallel_loop3A_177] {strides = array<i32>} : memref<10880xf32, #tpu.memory_space<vmem>>, vector<16xf32>,
        %parallel_loop3A_179 = arith.constant 1 : i32
        %parallel_loop3A_180 = arith.addi %parallel_loop3A_166, %parallel_loop3A_179 : i32
        %parallel_loop3A_181 = vector.broadcast %parallel_loop3A_180 : i32 to vector<16xi32>
        %parallel_loop3A_182 = arith.constant 1 : i32
        %parallel_loop3A_183 = vector.broadcast %parallel_loop3A_182 : i32 to vector<16xi32>
        %parallel_loop3A_184 = arith.constant 2 : i32
        %parallel_loop3A_185 = vector.broadcast %parallel_loop3A_184 : i32 to vector<16xi32>
        %parallel_loop3A_186 = arith.constant 20 : i32
        %parallel_loop3A_187 = arith.muli %rem3A_131, %parallel_loop3A_186 : i32
        %parallel_loop3A_188 = arith.addi %parallel_loop3A_187, %parallel_loop3A_161 : i32
        %parallel_loop3A_189 = arith.constant 256 : i32
        %parallel_loop3A_190 = arith.muli %parallel_loop3A_188, %parallel_loop3A_189 : i32
        %parallel_loop3A_191 = arith.constant 255 : i32
        %parallel_loop3A_192 = arith.subi %parallel_loop3A_190, %parallel_loop3A_191 : i32
        %parallel_loop3A_193 = vector.broadcast %parallel_loop3A_192 : i32 to vector<16xi32>
        %parallel_loop3A_194 = arith.constant 20 : i32
        %parallel_loop3A_195 = arith.muli %scan3A_130, %parallel_loop3A_194 : i32
        %parallel_loop3A_196 = arith.addi %parallel_loop3A_195, %parallel_loop3A_161 : i32
        %parallel_loop3A_197 = vector.broadcast %parallel_loop3A_196 : i32 to vector<16xi32>
        %parallel_loop3A_198 = arith.constant 0 : i32
        %parallel_loop3A_199 = vector.broadcast %parallel_loop3A_198 : i32 to vector<16xi32>
        %parallel_loop3A_200 = arith.constant 0 : i32
        %parallel_loop3A_201 = vector.broadcast %parallel_loop3A_200 : i32 to vector<16xi32>
        %parallel_loop3A_202 = arith.cmpi slt, %parallel_loop3A_199, %parallel_loop3A_201 : vector<16xi32>
        %parallel_loop3A_203 = arith.constant 16 : i32
        %parallel_loop3A_204 = vector.broadcast %parallel_loop3A_203 : i32 to vector<16xi32>
        %parallel_loop3A_205 = arith.addi %parallel_loop3A_199, %parallel_loop3A_204 : vector<16xi32>
        %parallel_loop3A_206 = arith.select %parallel_loop3A_202, %parallel_loop3A_205, %parallel_loop3A_199 : vector<16xi1>, vector<16xi32>
        %parallel_loop3A_207 = vector.shape_cast %parallel_loop3A_206 : vector<16xi32> to vector<16x1xi32>
        %parallel_loop3A_208 = vector.shape_cast %parallel_loop3A_207 : vector<16x1xi32> to vector<16xi32>
        %parallel_loop3A_209 = tpu.dynamic_gather %parallel_loop3A_168[%parallel_loop3A_208] in [0] : vector<16xi32>, vector<16xi32> -> vector<16xi32>
        %parallel_loop3A_210 = arith.constant 0 : i32
        %parallel_loop3A_211 = vector.broadcast %parallel_loop3A_210 : i32 to vector<16xi32>
        %parallel_loop3A_212 = arith.cmpi slt, %parallel_loop3A_199, %parallel_loop3A_211 : vector<16xi32>
        %parallel_loop3A_213 = arith.constant 16 : i32
        %parallel_loop3A_214 = vector.broadcast %parallel_loop3A_213 : i32 to vector<16xi32>
        %parallel_loop3A_215 = arith.addi %parallel_loop3A_199, %parallel_loop3A_214 : vector<16xi32>
        %parallel_loop3A_216 = arith.select %parallel_loop3A_212, %parallel_loop3A_215, %parallel_loop3A_199 : vector<16xi1>, vector<16xi32>
        %parallel_loop3A_217 = vector.shape_cast %parallel_loop3A_216 : vector<16xi32> to vector<16x1xi32>
        %parallel_loop3A_218 = vector.shape_cast %parallel_loop3A_217 : vector<16x1xi32> to vector<16xi32>
        %parallel_loop3A_219 = tpu.dynamic_gather %parallel_loop3A_168[%parallel_loop3A_218] in [0] : vector<16xi32>, vector<16xi32> -> vector<16xi32>
        %parallel_loop3A_220 = arith.constant 0 : i32
        %parallel_loop3A_221 = vector.broadcast %parallel_loop3A_220 : i32 to vector<16xi32>
        %parallel_loop3A_222 = arith.cmpi slt, %parallel_loop3A_199, %parallel_loop3A_221 : vector<16xi32>
        %parallel_loop3A_223 = arith.constant 16 : i32
        %parallel_loop3A_224 = vector.broadcast %parallel_loop3A_223 : i32 to vector<16xi32>
        %parallel_loop3A_225 = arith.addi %parallel_loop3A_199, %parallel_loop3A_224 : vector<16xi32>
        %parallel_loop3A_226 = arith.select %parallel_loop3A_222, %parallel_loop3A_225, %parallel_loop3A_199 : vector<16xi1>, vector<16xi32>
        %parallel_loop3A_227 = vector.shape_cast %parallel_loop3A_226 : vector<16xi32> to vector<16x1xi32>
        %parallel_loop3A_228 = vector.shape_cast %parallel_loop3A_227 : vector<16x1xi32> to vector<16xi32>
        %parallel_loop3A_229 = tpu.dynamic_gather %parallel_loop3A_168[%parallel_loop3A_228] in [0] : vector<16xi32>, vector<16xi32> -> vector<16xi32>
        %parallel_loop3A_230 = arith.constant 0 : i32
        %parallel_loop3A_231 = vector.broadcast %parallel_loop3A_230 : i32 to vector<16xi32>
        %parallel_loop3A_232 = arith.cmpi slt, %parallel_loop3A_199, %parallel_loop3A_231 : vector<16xi32>
        %parallel_loop3A_233 = arith.constant 16 : i32
        %parallel_loop3A_234 = vector.broadcast %parallel_loop3A_233 : i32 to vector<16xi32>
        %parallel_loop3A_235 = arith.addi %parallel_loop3A_199, %parallel_loop3A_234 : vector<16xi32>
        %parallel_loop3A_236 = arith.select %parallel_loop3A_232, %parallel_loop3A_235, %parallel_loop3A_199 : vector<16xi1>, vector<16xi32>
        %parallel_loop3A_237 = vector.shape_cast %parallel_loop3A_236 : vector<16xi32> to vector<16x1xi32>
        %parallel_loop3A_238 = vector.shape_cast %parallel_loop3A_237 : vector<16x1xi32> to vector<16xi32>
        %parallel_loop3A_239 = tpu.dynamic_gather %parallel_loop3A_168[%parallel_loop3A_238] in [0] : vector<16xi32>, vector<16xi32> -> vector<16xi32>
        %parallel_loop3A_240 = arith.constant 0 : i32
        %parallel_loop3A_241 = vector.broadcast %parallel_loop3A_240 : i32 to vector<16xi32>
        %parallel_loop3A_242 = arith.cmpi slt, %parallel_loop3A_199, %parallel_loop3A_241 : vector<16xi32>
        %parallel_loop3A_243 = arith.constant 16 : i32
        %parallel_loop3A_244 = vector.broadcast %parallel_loop3A_243 : i32 to vector<16xi32>
        %parallel_loop3A_245 = arith.addi %parallel_loop3A_199, %parallel_loop3A_244 : vector<16xi32>
        %parallel_loop3A_246 = arith.select %parallel_loop3A_242, %parallel_loop3A_245, %parallel_loop3A_199 : vector<16xi1>, vector<16xi32>
        %parallel_loop3A_247 = vector.shape_cast %parallel_loop3A_246 : vector<16xi32> to vector<16x1xi32>
        %parallel_loop3A_248 = vector.shape_cast %parallel_loop3A_247 : vector<16x1xi32> to vector<16xi32>
        %parallel_loop3A_249 = tpu.dynamic_gather %parallel_loop3A_168[%parallel_loop3A_248] in [0] : vector<16xi32>, vector<16xi32> -> vector<16xi32>
        %parallel_loop3A_250 = arith.constant 0 : i32
        %parallel_loop3A_251 = vector.broadcast %parallel_loop3A_250 : i32 to vector<16xi32>
        %parallel_loop3A_252 = arith.cmpi slt, %parallel_loop3A_199, %parallel_loop3A_251 : vector<16xi32>
        %parallel_loop3A_253 = arith.constant 16 : i32
        %parallel_loop3A_254 = vector.broadcast %parallel_loop3A_253 : i32 to vector<16xi32>
        %parallel_loop3A_255 = arith.addi %parallel_loop3A_199, %parallel_loop3A_254 : vector<16xi32>
        %parallel_loop3A_256 = arith.select %parallel_loop3A_252, %parallel_loop3A_255, %parallel_loop3A_199 : vector<16xi1>, vector<16xi32>
        %parallel_loop3A_257 = vector.shape_cast %parallel_loop3A_256 : vector<16xi32> to vector<16x1xi32>
        %parallel_loop3A_258 = vector.shape_cast %parallel_loop3A_257 : vector<16x1xi32> to vector<16xi32>
        %parallel_loop3A_259 = tpu.dynamic_gather %parallel_loop3A_168[%parallel_loop3A_258] in [0] : vector<16xi32>, vector<16xi32> -> vector<16xi32>
        %parallel_loop3A_260 = arith.constant 0 : i32
        %parallel_loop3A_261 = vector.broadcast %parallel_loop3A_260 : i32 to vector<16xi32>
        %parallel_loop3A_262 = arith.cmpi slt, %parallel_loop3A_199, %parallel_loop3A_261 : vector<16xi32>
        %parallel_loop3A_263 = arith.constant 16 : i32
        %parallel_loop3A_264 = vector.broadcast %parallel_loop3A_263 : i32 to vector<16xi32>
        %parallel_loop3A_265 = arith.addi %parallel_loop3A_199, %parallel_loop3A_264 : vector<16xi32>
        %parallel_loop3A_266 = arith.select %parallel_loop3A_262, %parallel_loop3A_265, %parallel_loop3A_199 : vector<16xi1>, vector<16xi32>
        %parallel_loop3A_267 = vector.shape_cast %parallel_loop3A_266 : vector<16xi32> to vector<16x1xi32>
        %parallel_loop3A_268 = vector.shape_cast %parallel_loop3A_267 : vector<16x1xi32> to vector<16xi32>
        %parallel_loop3A_269 = tpu.dynamic_gather %parallel_loop3A_168[%parallel_loop3A_268] in [0] : vector<16xi32>, vector<16xi32> -> vector<16xi32>
        %parallel_loop3A_270 = arith.constant 0 : i32
        %parallel_loop3A_271 = vector.broadcast %parallel_loop3A_270 : i32 to vector<16xi32>
        %parallel_loop3A_272 = arith.cmpi slt, %parallel_loop3A_199, %parallel_loop3A_271 : vector<16xi32>
        %parallel_loop3A_273 = arith.constant 16 : i32
        %parallel_loop3A_274 = vector.broadcast %parallel_loop3A_273 : i32 to vector<16xi32>
        %parallel_loop3A_275 = arith.addi %parallel_loop3A_199, %parallel_loop3A_274 : vector<16xi32>
        %parallel_loop3A_276 = arith.select %parallel_loop3A_272, %parallel_loop3A_275, %parallel_loop3A_199 : vector<16xi1>, vector<16xi32>
        %parallel_loop3A_277 = vector.shape_cast %parallel_loop3A_276 : vector<16xi32> to vector<16x1xi32>
        %parallel_loop3A_278 = vector.shape_cast %parallel_loop3A_277 : vector<16x1xi32> to vector<16xi32>
        %parallel_loop3A_279 = tpu.dynamic_gather %parallel_loop3A_168[%parallel_loop3A_278] in [0] : vector<16xi32>, vector<16xi32> -> vector<16xi32>
        %parallel_loop3A_280 = arith.constant 0 : i32
        %parallel_loop3A_281 = vector.broadcast %parallel_loop3A_280 : i32 to vector<16xi32>
        %parallel_loop3A_282 = arith.cmpi slt, %parallel_loop3A_199, %parallel_loop3A_281 : vector<16xi32>
        %parallel_loop3A_283 = arith.constant 16 : i32
        %parallel_loop3A_284 = vector.broadcast %parallel_loop3A_283 : i32 to vector<16xi32>
        %parallel_loop3A_285 = arith.addi %parallel_loop3A_199, %parallel_loop3A_284 : vector<16xi32>
        %parallel_loop3A_286 = arith.select %parallel_loop3A_282, %parallel_loop3A_285, %parallel_loop3A_199 : vector<16xi1>, vector<16xi32>
        %parallel_loop3A_287 = vector.shape_cast %parallel_loop3A_286 : vector<16xi32> to vector<16x1xi32>
        %parallel_loop3A_288 = vector.shape_cast %parallel_loop3A_287 : vector<16x1xi32> to vector<16xi32>
        %parallel_loop3A_289 = tpu.dynamic_gather %parallel_loop3A_170[%parallel_loop3A_288] in [0] : vector<16xf32>, vector<16xi32> -> vector<16xf32>
        %parallel_loop3A_290 = arith.constant 0 : i32
        %parallel_loop3A_291 = vector.broadcast %parallel_loop3A_290 : i32 to vector<16xi32>
        %parallel_loop3A_292 = arith.cmpi slt, %parallel_loop3A_199, %parallel_loop3A_291 : vector<16xi32>
        %parallel_loop3A_293 = arith.constant 16 : i32
        %parallel_loop3A_294 = vector.broadcast %parallel_loop3A_293 : i32 to vector<16xi32>
        %parallel_loop3A_295 = arith.addi %parallel_loop3A_199, %parallel_loop3A_294 : vector<16xi32>
        %parallel_loop3A_296 = arith.select %parallel_loop3A_292, %parallel_loop3A_295, %parallel_loop3A_199 : vector<16xi1>, vector<16xi32>
        %parallel_loop3A_297 = vector.shape_cast %parallel_loop3A_296 : vector<16xi32> to vector<16x1xi32>
        %parallel_loop3A_298 = vector.shape_cast %parallel_loop3A_297 : vector<16x1xi32> to vector<16xi32>
        %parallel_loop3A_299 = tpu.dynamic_gather %parallel_loop3A_170[%parallel_loop3A_298] in [0] : vector<16xf32>, vector<16xi32> -> vector<16xf32>
        %parallel_loop3A_300 = arith.constant 0 : i32
        %parallel_loop3A_301 = vector.broadcast %parallel_loop3A_300 : i32 to vector<16xi32>
        %parallel_loop3A_302 = arith.cmpi slt, %parallel_loop3A_199, %parallel_loop3A_301 : vector<16xi32>
        %parallel_loop3A_303 = arith.constant 16 : i32
        %parallel_loop3A_304 = vector.broadcast %parallel_loop3A_303 : i32 to vector<16xi32>
        %parallel_loop3A_305 = arith.addi %parallel_loop3A_199, %parallel_loop3A_304 : vector<16xi32>
        %parallel_loop3A_306 = arith.select %parallel_loop3A_302, %parallel_loop3A_305, %parallel_loop3A_199 : vector<16xi1>, vector<16xi32>
        %parallel_loop3A_307 = vector.shape_cast %parallel_loop3A_306 : vector<16xi32> to vector<16x1xi32>
        %parallel_loop3A_308 = vector.shape_cast %parallel_loop3A_307 : vector<16x1xi32> to vector<16xi32>
        %parallel_loop3A_309 = tpu.dynamic_gather %parallel_loop3A_170[%parallel_loop3A_308] in [0] : vector<16xf32>, vector<16xi32> -> vector<16xf32>
        %parallel_loop3A_310 = arith.constant 0 : i32
        %parallel_loop3A_311 = vector.broadcast %parallel_loop3A_310 : i32 to vector<16xi32>
        %parallel_loop3A_312 = arith.cmpi slt, %parallel_loop3A_199, %parallel_loop3A_311 : vector<16xi32>
        %parallel_loop3A_313 = arith.constant 16 : i32
        %parallel_loop3A_314 = vector.broadcast %parallel_loop3A_313 : i32 to vector<16xi32>
        %parallel_loop3A_315 = arith.addi %parallel_loop3A_199, %parallel_loop3A_314 : vector<16xi32>
        %parallel_loop3A_316 = arith.select %parallel_loop3A_312, %parallel_loop3A_315, %parallel_loop3A_199 : vector<16xi1>, vector<16xi32>
        %parallel_loop3A_317 = vector.shape_cast %parallel_loop3A_316 : vector<16xi32> to vector<16x1xi32>
        %parallel_loop3A_318 = vector.shape_cast %parallel_loop3A_317 : vector<16x1xi32> to vector<16xi32>
        %parallel_loop3A_319 = tpu.dynamic_gather %parallel_loop3A_170[%parallel_loop3A_318] in [0] : vector<16xf32>, vector<16xi32> -> vector<16xf32>
        %parallel_loop3A_320 = arith.constant 0 : i32
        %parallel_loop3A_321 = vector.broadcast %parallel_loop3A_320 : i32 to vector<16xi32>
        %parallel_loop3A_322 = arith.cmpi slt, %parallel_loop3A_199, %parallel_loop3A_321 : vector<16xi32>
        %parallel_loop3A_323 = arith.constant 16 : i32
        %parallel_loop3A_324 = vector.broadcast %parallel_loop3A_323 : i32 to vector<16xi32>
        %parallel_loop3A_325 = arith.addi %parallel_loop3A_199, %parallel_loop3A_324 : vector<16xi32>
        %parallel_loop3A_326 = arith.select %parallel_loop3A_322, %parallel_loop3A_325, %parallel_loop3A_199 : vector<16xi1>, vector<16xi32>
        %parallel_loop3A_327 = vector.shape_cast %parallel_loop3A_326 : vector<16xi32> to vector<16x1xi32>
        %parallel_loop3A_328 = vector.shape_cast %parallel_loop3A_327 : vector<16x1xi32> to vector<16xi32>
        %parallel_loop3A_329 = tpu.dynamic_gather %parallel_loop3A_170[%parallel_loop3A_328] in [0] : vector<16xf32>, vector<16xi32> -> vector<16xf32>
        %parallel_loop3A_330 = arith.constant 0 : i32
        %parallel_loop3A_331 = vector.broadcast %parallel_loop3A_330 : i32 to vector<16xi32>
        %parallel_loop3A_332 = arith.cmpi slt, %parallel_loop3A_199, %parallel_loop3A_331 : vector<16xi32>
        %parallel_loop3A_333 = arith.constant 16 : i32
        %parallel_loop3A_334 = vector.broadcast %parallel_loop3A_333 : i32 to vector<16xi32>
        %parallel_loop3A_335 = arith.addi %parallel_loop3A_199, %parallel_loop3A_334 : vector<16xi32>
        %parallel_loop3A_336 = arith.select %parallel_loop3A_332, %parallel_loop3A_335, %parallel_loop3A_199 : vector<16xi1>, vector<16xi32>
        %parallel_loop3A_337 = vector.shape_cast %parallel_loop3A_336 : vector<16xi32> to vector<16x1xi32>
        %parallel_loop3A_338 = vector.shape_cast %parallel_loop3A_337 : vector<16x1xi32> to vector<16xi32>
        %parallel_loop3A_339 = tpu.dynamic_gather %parallel_loop3A_170[%parallel_loop3A_338] in [0] : vector<16xf32>, vector<16xi32> -> vector<16xf32>
        %parallel_loop3A_340 = arith.constant 0 : i32
        %parallel_loop3A_341 = vector.broadcast %parallel_loop3A_340 : i32 to vector<16xi32>
        %parallel_loop3A_342 = arith.cmpi slt, %parallel_loop3A_199, %parallel_loop3A_341 : vector<16xi32>
        %parallel_loop3A_343 = arith.constant 16 : i32
        %parallel_loop3A_344 = vector.broadcast %parallel_loop3A_343 : i32 to vector<16xi32>
        %parallel_loop3A_345 = arith.addi %parallel_loop3A_199, %parallel_loop3A_344 : vector<16xi32>
        %parallel_loop3A_346 = arith.select %parallel_loop3A_342, %parallel_loop3A_345, %parallel_loop3A_199 : vector<16xi1>, vector<16xi32>
        %parallel_loop3A_347 = vector.shape_cast %parallel_loop3A_346 : vector<16xi32> to vector<16x1xi32>
        %parallel_loop3A_348 = vector.shape_cast %parallel_loop3A_347 : vector<16x1xi32> to vector<16xi32>
        %parallel_loop3A_349 = tpu.dynamic_gather %parallel_loop3A_170[%parallel_loop3A_348] in [0] : vector<16xf32>, vector<16xi32> -> vector<16xf32>
        %parallel_loop3A_350 = arith.constant 0 : i32
        %parallel_loop3A_351 = vector.broadcast %parallel_loop3A_350 : i32 to vector<16xi32>
        %parallel_loop3A_352 = arith.cmpi slt, %parallel_loop3A_199, %parallel_loop3A_351 : vector<16xi32>
        %parallel_loop3A_353 = arith.constant 16 : i32
        %parallel_loop3A_354 = vector.broadcast %parallel_loop3A_353 : i32 to vector<16xi32>
        %parallel_loop3A_355 = arith.addi %parallel_loop3A_199, %parallel_loop3A_354 : vector<16xi32>
        %parallel_loop3A_356 = arith.select %parallel_loop3A_352, %parallel_loop3A_355, %parallel_loop3A_199 : vector<16xi1>, vector<16xi32>
        %parallel_loop3A_357 = vector.shape_cast %parallel_loop3A_356 : vector<16xi32> to vector<16x1xi32>
        %parallel_loop3A_358 = vector.shape_cast %parallel_loop3A_357 : vector<16x1xi32> to vector<16xi32>
        %parallel_loop3A_359 = tpu.dynamic_gather %parallel_loop3A_170[%parallel_loop3A_358] in [0] : vector<16xf32>, vector<16xi32> -> vector<16xf32>
        %parallel_loop3A_360 = arith.addi %mul3A_33, %parallel_loop3A_209 : vector<16xi32>
        %parallel_loop3A_361 = tpu.vector_load_idx %arg7[%parallel_loop3A_360] : memref<32896xf32, #tpu.memory_space<vmem>>[vector<16xi32>], vector<16xf32>,
        %parallel_loop3A_362 = arith.addi %mul3A_39, %parallel_loop3A_219 : vector<16xi32>
        %parallel_loop3A_363 = tpu.vector_load_idx %arg7[%parallel_loop3A_362] : memref<32896xf32, #tpu.memory_space<vmem>>[vector<16xi32>], vector<16xf32>,
        %parallel_loop3A_364 = arith.addi %mul3A_45, %parallel_loop3A_229 : vector<16xi32>
        %parallel_loop3A_365 = tpu.vector_load_idx %arg7[%parallel_loop3A_364] : memref<32896xf32, #tpu.memory_space<vmem>>[vector<16xi32>], vector<16xf32>,
        %parallel_loop3A_366 = arith.addi %mul3A_51, %parallel_loop3A_239 : vector<16xi32>
        %parallel_loop3A_367 = tpu.vector_load_idx %arg7[%parallel_loop3A_366] : memref<32896xf32, #tpu.memory_space<vmem>>[vector<16xi32>], vector<16xf32>,
        %parallel_loop3A_368 = arith.addi %mul3A_57, %parallel_loop3A_249 : vector<16xi32>
        %parallel_loop3A_369 = tpu.vector_load_idx %arg7[%parallel_loop3A_368] : memref<32896xf32, #tpu.memory_space<vmem>>[vector<16xi32>], vector<16xf32>,
        %parallel_loop3A_370 = arith.addi %mul3A_63, %parallel_loop3A_259 : vector<16xi32>
        %parallel_loop3A_371 = tpu.vector_load_idx %arg7[%parallel_loop3A_370] : memref<32896xf32, #tpu.memory_space<vmem>>[vector<16xi32>], vector<16xf32>,
        %parallel_loop3A_372 = arith.addi %mul3A_69, %parallel_loop3A_269 : vector<16xi32>
        %parallel_loop3A_373 = tpu.vector_load_idx %arg7[%parallel_loop3A_372] : memref<32896xf32, #tpu.memory_space<vmem>>[vector<16xi32>], vector<16xf32>,
        %parallel_loop3A_374 = arith.addi %mul3A_75, %parallel_loop3A_279 : vector<16xi32>
        %parallel_loop3A_375 = tpu.vector_load_idx %arg7[%parallel_loop3A_374] : memref<32896xf32, #tpu.memory_space<vmem>>[vector<16xi32>], vector<16xf32>,
        %parallel_loop3A_376 = arith.addi %parallel_loop3A_199, %parallel_loop3A_199 : vector<16xi32>
        %parallel_loop3A_377 = arith.cmpf ogt, %parallel_loop3A_361, %parallel_loop3A_289 : vector<16xf32>
        %parallel_loop3A_378 = arith.select %parallel_loop3A_377, %parallel_loop3A_185, %parallel_loop3A_183 : vector<16xi1>, vector<16xi32>
        %parallel_loop3A_379 = arith.addi %parallel_loop3A_376, %parallel_loop3A_378 : vector<16xi32>
        %parallel_loop3A_380 = arith.addi %parallel_loop3A_199, %parallel_loop3A_199 : vector<16xi32>
        %parallel_loop3A_381 = arith.cmpf ogt, %parallel_loop3A_363, %parallel_loop3A_299 : vector<16xf32>
        %parallel_loop3A_382 = arith.select %parallel_loop3A_381, %parallel_loop3A_185, %parallel_loop3A_183 : vector<16xi1>, vector<16xi32>
        %parallel_loop3A_383 = arith.addi %parallel_loop3A_380, %parallel_loop3A_382 : vector<16xi32>
        %parallel_loop3A_384 = arith.addi %parallel_loop3A_199, %parallel_loop3A_199 : vector<16xi32>
        %parallel_loop3A_385 = arith.cmpf ogt, %parallel_loop3A_365, %parallel_loop3A_309 : vector<16xf32>
        %parallel_loop3A_386 = arith.select %parallel_loop3A_385, %parallel_loop3A_185, %parallel_loop3A_183 : vector<16xi1>, vector<16xi32>
        %parallel_loop3A_387 = arith.addi %parallel_loop3A_384, %parallel_loop3A_386 : vector<16xi32>
        %parallel_loop3A_388 = arith.addi %parallel_loop3A_199, %parallel_loop3A_199 : vector<16xi32>
        %parallel_loop3A_389 = arith.cmpf ogt, %parallel_loop3A_367, %parallel_loop3A_319 : vector<16xf32>
        %parallel_loop3A_390 = arith.select %parallel_loop3A_389, %parallel_loop3A_185, %parallel_loop3A_183 : vector<16xi1>, vector<16xi32>
        %parallel_loop3A_391 = arith.addi %parallel_loop3A_388, %parallel_loop3A_390 : vector<16xi32>
        %parallel_loop3A_392 = arith.addi %parallel_loop3A_199, %parallel_loop3A_199 : vector<16xi32>
        %parallel_loop3A_393 = arith.cmpf ogt, %parallel_loop3A_369, %parallel_loop3A_329 : vector<16xf32>
        %parallel_loop3A_394 = arith.select %parallel_loop3A_393, %parallel_loop3A_185, %parallel_loop3A_183 : vector<16xi1>, vector<16xi32>
        %parallel_loop3A_395 = arith.addi %parallel_loop3A_392, %parallel_loop3A_394 : vector<16xi32>
        %parallel_loop3A_396 = arith.addi %parallel_loop3A_199, %parallel_loop3A_199 : vector<16xi32>
        %parallel_loop3A_397 = arith.cmpf ogt, %parallel_loop3A_371, %parallel_loop3A_339 : vector<16xf32>
        %parallel_loop3A_398 = arith.select %parallel_loop3A_397, %parallel_loop3A_185, %parallel_loop3A_183 : vector<16xi1>, vector<16xi32>
        %parallel_loop3A_399 = arith.addi %parallel_loop3A_396, %parallel_loop3A_398 : vector<16xi32>
        %parallel_loop3A_400 = arith.addi %parallel_loop3A_199, %parallel_loop3A_199 : vector<16xi32>
        %parallel_loop3A_401 = arith.cmpf ogt, %parallel_loop3A_373, %parallel_loop3A_349 : vector<16xf32>
        %parallel_loop3A_402 = arith.select %parallel_loop3A_401, %parallel_loop3A_185, %parallel_loop3A_183 : vector<16xi1>, vector<16xi32>
        %parallel_loop3A_403 = arith.addi %parallel_loop3A_400, %parallel_loop3A_402 : vector<16xi32>
        %parallel_loop3A_404 = arith.addi %parallel_loop3A_199, %parallel_loop3A_199 : vector<16xi32>
        %parallel_loop3A_405 = arith.cmpf ogt, %parallel_loop3A_375, %parallel_loop3A_359 : vector<16xf32>
        %parallel_loop3A_406 = arith.select %parallel_loop3A_405, %parallel_loop3A_185, %parallel_loop3A_183 : vector<16xi1>, vector<16xi32>
        %parallel_loop3A_407 = arith.addi %parallel_loop3A_404, %parallel_loop3A_406 : vector<16xi32>
        %parallel_loop3A_408 = arith.constant 0 : i32
        %parallel_loop3A_409 = vector.broadcast %parallel_loop3A_408 : i32 to vector<16xi32>
        %parallel_loop3A_410 = arith.cmpi slt, %parallel_loop3A_379, %parallel_loop3A_409 : vector<16xi32>
        %parallel_loop3A_411 = arith.constant 16 : i32
        %parallel_loop3A_412 = vector.broadcast %parallel_loop3A_411 : i32 to vector<16xi32>
        %parallel_loop3A_413 = arith.addi %parallel_loop3A_379, %parallel_loop3A_412 : vector<16xi32>
        %parallel_loop3A_414 = arith.select %parallel_loop3A_410, %parallel_loop3A_413, %parallel_loop3A_379 : vector<16xi1>, vector<16xi32>
        %parallel_loop3A_415 = vector.shape_cast %parallel_loop3A_414 : vector<16xi32> to vector<16x1xi32>
        %parallel_loop3A_416 = vector.shape_cast %parallel_loop3A_415 : vector<16x1xi32> to vector<16xi32>
        %parallel_loop3A_417 = tpu.dynamic_gather %parallel_loop3A_168[%parallel_loop3A_416] in [0] : vector<16xi32>, vector<16xi32> -> vector<16xi32>
        %parallel_loop3A_418 = arith.constant 0 : i32
        %parallel_loop3A_419 = vector.broadcast %parallel_loop3A_418 : i32 to vector<16xi32>
        %parallel_loop3A_420 = arith.cmpi slt, %parallel_loop3A_383, %parallel_loop3A_419 : vector<16xi32>
        %parallel_loop3A_421 = arith.constant 16 : i32
        %parallel_loop3A_422 = vector.broadcast %parallel_loop3A_421 : i32 to vector<16xi32>
        %parallel_loop3A_423 = arith.addi %parallel_loop3A_383, %parallel_loop3A_422 : vector<16xi32>
        %parallel_loop3A_424 = arith.select %parallel_loop3A_420, %parallel_loop3A_423, %parallel_loop3A_383 : vector<16xi1>, vector<16xi32>
        %parallel_loop3A_425 = vector.shape_cast %parallel_loop3A_424 : vector<16xi32> to vector<16x1xi32>
        %parallel_loop3A_426 = vector.shape_cast %parallel_loop3A_425 : vector<16x1xi32> to vector<16xi32>
        %parallel_loop3A_427 = tpu.dynamic_gather %parallel_loop3A_168[%parallel_loop3A_426] in [0] : vector<16xi32>, vector<16xi32> -> vector<16xi32>
        %parallel_loop3A_428 = arith.constant 0 : i32
        %parallel_loop3A_429 = vector.broadcast %parallel_loop3A_428 : i32 to vector<16xi32>
        %parallel_loop3A_430 = arith.cmpi slt, %parallel_loop3A_387, %parallel_loop3A_429 : vector<16xi32>
        %parallel_loop3A_431 = arith.constant 16 : i32
        %parallel_loop3A_432 = vector.broadcast %parallel_loop3A_431 : i32 to vector<16xi32>
        %parallel_loop3A_433 = arith.addi %parallel_loop3A_387, %parallel_loop3A_432 : vector<16xi32>
        %parallel_loop3A_434 = arith.select %parallel_loop3A_430, %parallel_loop3A_433, %parallel_loop3A_387 : vector<16xi1>, vector<16xi32>
        %parallel_loop3A_435 = vector.shape_cast %parallel_loop3A_434 : vector<16xi32> to vector<16x1xi32>
        %parallel_loop3A_436 = vector.shape_cast %parallel_loop3A_435 : vector<16x1xi32> to vector<16xi32>
        %parallel_loop3A_437 = tpu.dynamic_gather %parallel_loop3A_168[%parallel_loop3A_436] in [0] : vector<16xi32>, vector<16xi32> -> vector<16xi32>
        %parallel_loop3A_438 = arith.constant 0 : i32
        %parallel_loop3A_439 = vector.broadcast %parallel_loop3A_438 : i32 to vector<16xi32>
        %parallel_loop3A_440 = arith.cmpi slt, %parallel_loop3A_391, %parallel_loop3A_439 : vector<16xi32>
        %parallel_loop3A_441 = arith.constant 16 : i32
        %parallel_loop3A_442 = vector.broadcast %parallel_loop3A_441 : i32 to vector<16xi32>
        %parallel_loop3A_443 = arith.addi %parallel_loop3A_391, %parallel_loop3A_442 : vector<16xi32>
        %parallel_loop3A_444 = arith.select %parallel_loop3A_440, %parallel_loop3A_443, %parallel_loop3A_391 : vector<16xi1>, vector<16xi32>
        %parallel_loop3A_445 = vector.shape_cast %parallel_loop3A_444 : vector<16xi32> to vector<16x1xi32>
        %parallel_loop3A_446 = vector.shape_cast %parallel_loop3A_445 : vector<16x1xi32> to vector<16xi32>
        %parallel_loop3A_447 = tpu.dynamic_gather %parallel_loop3A_168[%parallel_loop3A_446] in [0] : vector<16xi32>, vector<16xi32> -> vector<16xi32>
        %parallel_loop3A_448 = arith.constant 0 : i32
        %parallel_loop3A_449 = vector.broadcast %parallel_loop3A_448 : i32 to vector<16xi32>
        %parallel_loop3A_450 = arith.cmpi slt, %parallel_loop3A_395, %parallel_loop3A_449 : vector<16xi32>
        %parallel_loop3A_451 = arith.constant 16 : i32
        %parallel_loop3A_452 = vector.broadcast %parallel_loop3A_451 : i32 to vector<16xi32>
        %parallel_loop3A_453 = arith.addi %parallel_loop3A_395, %parallel_loop3A_452 : vector<16xi32>
        %parallel_loop3A_454 = arith.select %parallel_loop3A_450, %parallel_loop3A_453, %parallel_loop3A_395 : vector<16xi1>, vector<16xi32>
        %parallel_loop3A_455 = vector.shape_cast %parallel_loop3A_454 : vector<16xi32> to vector<16x1xi32>
        %parallel_loop3A_456 = vector.shape_cast %parallel_loop3A_455 : vector<16x1xi32> to vector<16xi32>
        %parallel_loop3A_457 = tpu.dynamic_gather %parallel_loop3A_168[%parallel_loop3A_456] in [0] : vector<16xi32>, vector<16xi32> -> vector<16xi32>
        %parallel_loop3A_458 = arith.constant 0 : i32
        %parallel_loop3A_459 = vector.broadcast %parallel_loop3A_458 : i32 to vector<16xi32>
        %parallel_loop3A_460 = arith.cmpi slt, %parallel_loop3A_399, %parallel_loop3A_459 : vector<16xi32>
        %parallel_loop3A_461 = arith.constant 16 : i32
        %parallel_loop3A_462 = vector.broadcast %parallel_loop3A_461 : i32 to vector<16xi32>
        %parallel_loop3A_463 = arith.addi %parallel_loop3A_399, %parallel_loop3A_462 : vector<16xi32>
        %parallel_loop3A_464 = arith.select %parallel_loop3A_460, %parallel_loop3A_463, %parallel_loop3A_399 : vector<16xi1>, vector<16xi32>
        %parallel_loop3A_465 = vector.shape_cast %parallel_loop3A_464 : vector<16xi32> to vector<16x1xi32>
        %parallel_loop3A_466 = vector.shape_cast %parallel_loop3A_465 : vector<16x1xi32> to vector<16xi32>
        %parallel_loop3A_467 = tpu.dynamic_gather %parallel_loop3A_168[%parallel_loop3A_466] in [0] : vector<16xi32>, vector<16xi32> -> vector<16xi32>
        %parallel_loop3A_468 = arith.constant 0 : i32
        %parallel_loop3A_469 = vector.broadcast %parallel_loop3A_468 : i32 to vector<16xi32>
        %parallel_loop3A_470 = arith.cmpi slt, %parallel_loop3A_403, %parallel_loop3A_469 : vector<16xi32>
        %parallel_loop3A_471 = arith.constant 16 : i32
        %parallel_loop3A_472 = vector.broadcast %parallel_loop3A_471 : i32 to vector<16xi32>
        %parallel_loop3A_473 = arith.addi %parallel_loop3A_403, %parallel_loop3A_472 : vector<16xi32>
        %parallel_loop3A_474 = arith.select %parallel_loop3A_470, %parallel_loop3A_473, %parallel_loop3A_403 : vector<16xi1>, vector<16xi32>
        %parallel_loop3A_475 = vector.shape_cast %parallel_loop3A_474 : vector<16xi32> to vector<16x1xi32>
        %parallel_loop3A_476 = vector.shape_cast %parallel_loop3A_475 : vector<16x1xi32> to vector<16xi32>
        %parallel_loop3A_477 = tpu.dynamic_gather %parallel_loop3A_168[%parallel_loop3A_476] in [0] : vector<16xi32>, vector<16xi32> -> vector<16xi32>
        %parallel_loop3A_478 = arith.constant 0 : i32
        %parallel_loop3A_479 = vector.broadcast %parallel_loop3A_478 : i32 to vector<16xi32>
        %parallel_loop3A_480 = arith.cmpi slt, %parallel_loop3A_407, %parallel_loop3A_479 : vector<16xi32>
        %parallel_loop3A_481 = arith.constant 16 : i32
        %parallel_loop3A_482 = vector.broadcast %parallel_loop3A_481 : i32 to vector<16xi32>
        %parallel_loop3A_483 = arith.addi %parallel_loop3A_407, %parallel_loop3A_482 : vector<16xi32>
        %parallel_loop3A_484 = arith.select %parallel_loop3A_480, %parallel_loop3A_483, %parallel_loop3A_407 : vector<16xi1>, vector<16xi32>
        %parallel_loop3A_485 = vector.shape_cast %parallel_loop3A_484 : vector<16xi32> to vector<16x1xi32>
        %parallel_loop3A_486 = vector.shape_cast %parallel_loop3A_485 : vector<16x1xi32> to vector<16xi32>
        %parallel_loop3A_487 = tpu.dynamic_gather %parallel_loop3A_168[%parallel_loop3A_486] in [0] : vector<16xi32>, vector<16xi32> -> vector<16xi32>
        %parallel_loop3A_488 = arith.constant 0 : i32
        %parallel_loop3A_489 = vector.broadcast %parallel_loop3A_488 : i32 to vector<16xi32>
        %parallel_loop3A_490 = arith.cmpi slt, %parallel_loop3A_379, %parallel_loop3A_489 : vector<16xi32>
        %parallel_loop3A_491 = arith.constant 16 : i32
        %parallel_loop3A_492 = vector.broadcast %parallel_loop3A_491 : i32 to vector<16xi32>
        %parallel_loop3A_493 = arith.addi %parallel_loop3A_379, %parallel_loop3A_492 : vector<16xi32>
        %parallel_loop3A_494 = arith.select %parallel_loop3A_490, %parallel_loop3A_493, %parallel_loop3A_379 : vector<16xi1>, vector<16xi32>
        %parallel_loop3A_495 = vector.shape_cast %parallel_loop3A_494 : vector<16xi32> to vector<16x1xi32>
        %parallel_loop3A_496 = vector.shape_cast %parallel_loop3A_495 : vector<16x1xi32> to vector<16xi32>
        %parallel_loop3A_497 = tpu.dynamic_gather %parallel_loop3A_170[%parallel_loop3A_496] in [0] : vector<16xf32>, vector<16xi32> -> vector<16xf32>
        %parallel_loop3A_498 = arith.constant 0 : i32
        %parallel_loop3A_499 = vector.broadcast %parallel_loop3A_498 : i32 to vector<16xi32>
        %parallel_loop3A_500 = arith.cmpi slt, %parallel_loop3A_383, %parallel_loop3A_499 : vector<16xi32>
        %parallel_loop3A_501 = arith.constant 16 : i32
        %parallel_loop3A_502 = vector.broadcast %parallel_loop3A_501 : i32 to vector<16xi32>
        %parallel_loop3A_503 = arith.addi %parallel_loop3A_383, %parallel_loop3A_502 : vector<16xi32>
        %parallel_loop3A_504 = arith.select %parallel_loop3A_500, %parallel_loop3A_503, %parallel_loop3A_383 : vector<16xi1>, vector<16xi32>
        %parallel_loop3A_505 = vector.shape_cast %parallel_loop3A_504 : vector<16xi32> to vector<16x1xi32>
        %parallel_loop3A_506 = vector.shape_cast %parallel_loop3A_505 : vector<16x1xi32> to vector<16xi32>
        %parallel_loop3A_507 = tpu.dynamic_gather %parallel_loop3A_170[%parallel_loop3A_506] in [0] : vector<16xf32>, vector<16xi32> -> vector<16xf32>
        %parallel_loop3A_508 = arith.constant 0 : i32
        %parallel_loop3A_509 = vector.broadcast %parallel_loop3A_508 : i32 to vector<16xi32>
        %parallel_loop3A_510 = arith.cmpi slt, %parallel_loop3A_387, %parallel_loop3A_509 : vector<16xi32>
        %parallel_loop3A_511 = arith.constant 16 : i32
        %parallel_loop3A_512 = vector.broadcast %parallel_loop3A_511 : i32 to vector<16xi32>
        %parallel_loop3A_513 = arith.addi %parallel_loop3A_387, %parallel_loop3A_512 : vector<16xi32>
        %parallel_loop3A_514 = arith.select %parallel_loop3A_510, %parallel_loop3A_513, %parallel_loop3A_387 : vector<16xi1>, vector<16xi32>
        %parallel_loop3A_515 = vector.shape_cast %parallel_loop3A_514 : vector<16xi32> to vector<16x1xi32>
        %parallel_loop3A_516 = vector.shape_cast %parallel_loop3A_515 : vector<16x1xi32> to vector<16xi32>
        %parallel_loop3A_517 = tpu.dynamic_gather %parallel_loop3A_170[%parallel_loop3A_516] in [0] : vector<16xf32>, vector<16xi32> -> vector<16xf32>
        %parallel_loop3A_518 = arith.constant 0 : i32
        %parallel_loop3A_519 = vector.broadcast %parallel_loop3A_518 : i32 to vector<16xi32>
        %parallel_loop3A_520 = arith.cmpi slt, %parallel_loop3A_391, %parallel_loop3A_519 : vector<16xi32>
        %parallel_loop3A_521 = arith.constant 16 : i32
        %parallel_loop3A_522 = vector.broadcast %parallel_loop3A_521 : i32 to vector<16xi32>
        %parallel_loop3A_523 = arith.addi %parallel_loop3A_391, %parallel_loop3A_522 : vector<16xi32>
        %parallel_loop3A_524 = arith.select %parallel_loop3A_520, %parallel_loop3A_523, %parallel_loop3A_391 : vector<16xi1>, vector<16xi32>
        %parallel_loop3A_525 = vector.shape_cast %parallel_loop3A_524 : vector<16xi32> to vector<16x1xi32>
        %parallel_loop3A_526 = vector.shape_cast %parallel_loop3A_525 : vector<16x1xi32> to vector<16xi32>
        %parallel_loop3A_527 = tpu.dynamic_gather %parallel_loop3A_170[%parallel_loop3A_526] in [0] : vector<16xf32>, vector<16xi32> -> vector<16xf32>
        %parallel_loop3A_528 = arith.constant 0 : i32
        %parallel_loop3A_529 = vector.broadcast %parallel_loop3A_528 : i32 to vector<16xi32>
        %parallel_loop3A_530 = arith.cmpi slt, %parallel_loop3A_395, %parallel_loop3A_529 : vector<16xi32>
        %parallel_loop3A_531 = arith.constant 16 : i32
        %parallel_loop3A_532 = vector.broadcast %parallel_loop3A_531 : i32 to vector<16xi32>
        %parallel_loop3A_533 = arith.addi %parallel_loop3A_395, %parallel_loop3A_532 : vector<16xi32>
        %parallel_loop3A_534 = arith.select %parallel_loop3A_530, %parallel_loop3A_533, %parallel_loop3A_395 : vector<16xi1>, vector<16xi32>
        %parallel_loop3A_535 = vector.shape_cast %parallel_loop3A_534 : vector<16xi32> to vector<16x1xi32>
        %parallel_loop3A_536 = vector.shape_cast %parallel_loop3A_535 : vector<16x1xi32> to vector<16xi32>
        %parallel_loop3A_537 = tpu.dynamic_gather %parallel_loop3A_170[%parallel_loop3A_536] in [0] : vector<16xf32>, vector<16xi32> -> vector<16xf32>
        %parallel_loop3A_538 = arith.constant 0 : i32
        %parallel_loop3A_539 = vector.broadcast %parallel_loop3A_538 : i32 to vector<16xi32>
        %parallel_loop3A_540 = arith.cmpi slt, %parallel_loop3A_399, %parallel_loop3A_539 : vector<16xi32>
        %parallel_loop3A_541 = arith.constant 16 : i32
        %parallel_loop3A_542 = vector.broadcast %parallel_loop3A_541 : i32 to vector<16xi32>
        %parallel_loop3A_543 = arith.addi %parallel_loop3A_399, %parallel_loop3A_542 : vector<16xi32>
        %parallel_loop3A_544 = arith.select %parallel_loop3A_540, %parallel_loop3A_543, %parallel_loop3A_399 : vector<16xi1>, vector<16xi32>
        %parallel_loop3A_545 = vector.shape_cast %parallel_loop3A_544 : vector<16xi32> to vector<16x1xi32>
        %parallel_loop3A_546 = vector.shape_cast %parallel_loop3A_545 : vector<16x1xi32> to vector<16xi32>
        %parallel_loop3A_547 = tpu.dynamic_gather %parallel_loop3A_170[%parallel_loop3A_546] in [0] : vector<16xf32>, vector<16xi32> -> vector<16xf32>
        %parallel_loop3A_548 = arith.constant 0 : i32
        %parallel_loop3A_549 = vector.broadcast %parallel_loop3A_548 : i32 to vector<16xi32>
        %parallel_loop3A_550 = arith.cmpi slt, %parallel_loop3A_403, %parallel_loop3A_549 : vector<16xi32>
        %parallel_loop3A_551 = arith.constant 16 : i32
        %parallel_loop3A_552 = vector.broadcast %parallel_loop3A_551 : i32 to vector<16xi32>
        %parallel_loop3A_553 = arith.addi %parallel_loop3A_403, %parallel_loop3A_552 : vector<16xi32>
        %parallel_loop3A_554 = arith.select %parallel_loop3A_550, %parallel_loop3A_553, %parallel_loop3A_403 : vector<16xi1>, vector<16xi32>
        %parallel_loop3A_555 = vector.shape_cast %parallel_loop3A_554 : vector<16xi32> to vector<16x1xi32>
        %parallel_loop3A_556 = vector.shape_cast %parallel_loop3A_555 : vector<16x1xi32> to vector<16xi32>
        %parallel_loop3A_557 = tpu.dynamic_gather %parallel_loop3A_170[%parallel_loop3A_556] in [0] : vector<16xf32>, vector<16xi32> -> vector<16xf32>
        %parallel_loop3A_558 = arith.constant 0 : i32
        %parallel_loop3A_559 = vector.broadcast %parallel_loop3A_558 : i32 to vector<16xi32>
        %parallel_loop3A_560 = arith.cmpi slt, %parallel_loop3A_407, %parallel_loop3A_559 : vector<16xi32>
        %parallel_loop3A_561 = arith.constant 16 : i32
        %parallel_loop3A_562 = vector.broadcast %parallel_loop3A_561 : i32 to vector<16xi32>
        %parallel_loop3A_563 = arith.addi %parallel_loop3A_407, %parallel_loop3A_562 : vector<16xi32>
        %parallel_loop3A_564 = arith.select %parallel_loop3A_560, %parallel_loop3A_563, %parallel_loop3A_407 : vector<16xi1>, vector<16xi32>
        %parallel_loop3A_565 = vector.shape_cast %parallel_loop3A_564 : vector<16xi32> to vector<16x1xi32>
        %parallel_loop3A_566 = vector.shape_cast %parallel_loop3A_565 : vector<16x1xi32> to vector<16xi32>
        %parallel_loop3A_567 = tpu.dynamic_gather %parallel_loop3A_170[%parallel_loop3A_566] in [0] : vector<16xf32>, vector<16xi32> -> vector<16xf32>
        %parallel_loop3A_568 = arith.addi %mul3A_33, %parallel_loop3A_417 : vector<16xi32>
        %parallel_loop3A_569 = tpu.vector_load_idx %arg7[%parallel_loop3A_568] : memref<32896xf32, #tpu.memory_space<vmem>>[vector<16xi32>], vector<16xf32>,
        %parallel_loop3A_570 = arith.addi %mul3A_39, %parallel_loop3A_427 : vector<16xi32>
        %parallel_loop3A_571 = tpu.vector_load_idx %arg7[%parallel_loop3A_570] : memref<32896xf32, #tpu.memory_space<vmem>>[vector<16xi32>], vector<16xf32>,
        %parallel_loop3A_572 = arith.addi %mul3A_45, %parallel_loop3A_437 : vector<16xi32>
        %parallel_loop3A_573 = tpu.vector_load_idx %arg7[%parallel_loop3A_572] : memref<32896xf32, #tpu.memory_space<vmem>>[vector<16xi32>], vector<16xf32>,
        %parallel_loop3A_574 = arith.addi %mul3A_51, %parallel_loop3A_447 : vector<16xi32>
        %parallel_loop3A_575 = tpu.vector_load_idx %arg7[%parallel_loop3A_574] : memref<32896xf32, #tpu.memory_space<vmem>>[vector<16xi32>], vector<16xf32>,
        %parallel_loop3A_576 = arith.addi %mul3A_57, %parallel_loop3A_457 : vector<16xi32>
        %parallel_loop3A_577 = tpu.vector_load_idx %arg7[%parallel_loop3A_576] : memref<32896xf32, #tpu.memory_space<vmem>>[vector<16xi32>], vector<16xf32>,
        %parallel_loop3A_578 = arith.addi %mul3A_63, %parallel_loop3A_467 : vector<16xi32>
        %parallel_loop3A_579 = tpu.vector_load_idx %arg7[%parallel_loop3A_578] : memref<32896xf32, #tpu.memory_space<vmem>>[vector<16xi32>], vector<16xf32>,
        %parallel_loop3A_580 = arith.addi %mul3A_69, %parallel_loop3A_477 : vector<16xi32>
        %parallel_loop3A_581 = tpu.vector_load_idx %arg7[%parallel_loop3A_580] : memref<32896xf32, #tpu.memory_space<vmem>>[vector<16xi32>], vector<16xf32>,
        %parallel_loop3A_582 = arith.addi %mul3A_75, %parallel_loop3A_487 : vector<16xi32>
        %parallel_loop3A_583 = tpu.vector_load_idx %arg7[%parallel_loop3A_582] : memref<32896xf32, #tpu.memory_space<vmem>>[vector<16xi32>], vector<16xf32>,
        %parallel_loop3A_584 = arith.addi %parallel_loop3A_379, %parallel_loop3A_379 : vector<16xi32>
        %parallel_loop3A_585 = arith.cmpf ogt, %parallel_loop3A_569, %parallel_loop3A_497 : vector<16xf32>
        %parallel_loop3A_586 = arith.select %parallel_loop3A_585, %parallel_loop3A_185, %parallel_loop3A_183 : vector<16xi1>, vector<16xi32>
        %parallel_loop3A_587 = arith.addi %parallel_loop3A_584, %parallel_loop3A_586 : vector<16xi32>
        %parallel_loop3A_588 = arith.addi %parallel_loop3A_383, %parallel_loop3A_383 : vector<16xi32>
        %parallel_loop3A_589 = arith.cmpf ogt, %parallel_loop3A_571, %parallel_loop3A_507 : vector<16xf32>
        %parallel_loop3A_590 = arith.select %parallel_loop3A_589, %parallel_loop3A_185, %parallel_loop3A_183 : vector<16xi1>, vector<16xi32>
        %parallel_loop3A_591 = arith.addi %parallel_loop3A_588, %parallel_loop3A_590 : vector<16xi32>
        %parallel_loop3A_592 = arith.addi %parallel_loop3A_387, %parallel_loop3A_387 : vector<16xi32>
        %parallel_loop3A_593 = arith.cmpf ogt, %parallel_loop3A_573, %parallel_loop3A_517 : vector<16xf32>
        %parallel_loop3A_594 = arith.select %parallel_loop3A_593, %parallel_loop3A_185, %parallel_loop3A_183 : vector<16xi1>, vector<16xi32>
        %parallel_loop3A_595 = arith.addi %parallel_loop3A_592, %parallel_loop3A_594 : vector<16xi32>
        %parallel_loop3A_596 = arith.addi %parallel_loop3A_391, %parallel_loop3A_391 : vector<16xi32>
        %parallel_loop3A_597 = arith.cmpf ogt, %parallel_loop3A_575, %parallel_loop3A_527 : vector<16xf32>
        %parallel_loop3A_598 = arith.select %parallel_loop3A_597, %parallel_loop3A_185, %parallel_loop3A_183 : vector<16xi1>, vector<16xi32>
        %parallel_loop3A_599 = arith.addi %parallel_loop3A_596, %parallel_loop3A_598 : vector<16xi32>
        %parallel_loop3A_600 = arith.addi %parallel_loop3A_395, %parallel_loop3A_395 : vector<16xi32>
        %parallel_loop3A_601 = arith.cmpf ogt, %parallel_loop3A_577, %parallel_loop3A_537 : vector<16xf32>
        %parallel_loop3A_602 = arith.select %parallel_loop3A_601, %parallel_loop3A_185, %parallel_loop3A_183 : vector<16xi1>, vector<16xi32>
        %parallel_loop3A_603 = arith.addi %parallel_loop3A_600, %parallel_loop3A_602 : vector<16xi32>
        %parallel_loop3A_604 = arith.addi %parallel_loop3A_399, %parallel_loop3A_399 : vector<16xi32>
        %parallel_loop3A_605 = arith.cmpf ogt, %parallel_loop3A_579, %parallel_loop3A_547 : vector<16xf32>
        %parallel_loop3A_606 = arith.select %parallel_loop3A_605, %parallel_loop3A_185, %parallel_loop3A_183 : vector<16xi1>, vector<16xi32>
        %parallel_loop3A_607 = arith.addi %parallel_loop3A_604, %parallel_loop3A_606 : vector<16xi32>
        %parallel_loop3A_608 = arith.addi %parallel_loop3A_403, %parallel_loop3A_403 : vector<16xi32>
        %parallel_loop3A_609 = arith.cmpf ogt, %parallel_loop3A_581, %parallel_loop3A_557 : vector<16xf32>
        %parallel_loop3A_610 = arith.select %parallel_loop3A_609, %parallel_loop3A_185, %parallel_loop3A_183 : vector<16xi1>, vector<16xi32>
        %parallel_loop3A_611 = arith.addi %parallel_loop3A_608, %parallel_loop3A_610 : vector<16xi32>
        %parallel_loop3A_612 = arith.addi %parallel_loop3A_407, %parallel_loop3A_407 : vector<16xi32>
        %parallel_loop3A_613 = arith.cmpf ogt, %parallel_loop3A_583, %parallel_loop3A_567 : vector<16xf32>
        %parallel_loop3A_614 = arith.select %parallel_loop3A_613, %parallel_loop3A_185, %parallel_loop3A_183 : vector<16xi1>, vector<16xi32>
        %parallel_loop3A_615 = arith.addi %parallel_loop3A_612, %parallel_loop3A_614 : vector<16xi32>
        %parallel_loop3A_616 = arith.constant 0 : i32
        %parallel_loop3A_617 = vector.broadcast %parallel_loop3A_616 : i32 to vector<16xi32>
        %parallel_loop3A_618 = arith.cmpi slt, %parallel_loop3A_587, %parallel_loop3A_617 : vector<16xi32>
        %parallel_loop3A_619 = arith.constant 16 : i32
        %parallel_loop3A_620 = vector.broadcast %parallel_loop3A_619 : i32 to vector<16xi32>
        %parallel_loop3A_621 = arith.addi %parallel_loop3A_587, %parallel_loop3A_620 : vector<16xi32>
        %parallel_loop3A_622 = arith.select %parallel_loop3A_618, %parallel_loop3A_621, %parallel_loop3A_587 : vector<16xi1>, vector<16xi32>
        %parallel_loop3A_623 = vector.shape_cast %parallel_loop3A_622 : vector<16xi32> to vector<16x1xi32>
        %parallel_loop3A_624 = vector.shape_cast %parallel_loop3A_623 : vector<16x1xi32> to vector<16xi32>
        %parallel_loop3A_625 = tpu.dynamic_gather %parallel_loop3A_168[%parallel_loop3A_624] in [0] : vector<16xi32>, vector<16xi32> -> vector<16xi32>
        %parallel_loop3A_626 = arith.constant 0 : i32
        %parallel_loop3A_627 = vector.broadcast %parallel_loop3A_626 : i32 to vector<16xi32>
        %parallel_loop3A_628 = arith.cmpi slt, %parallel_loop3A_591, %parallel_loop3A_627 : vector<16xi32>
        %parallel_loop3A_629 = arith.constant 16 : i32
        %parallel_loop3A_630 = vector.broadcast %parallel_loop3A_629 : i32 to vector<16xi32>
        %parallel_loop3A_631 = arith.addi %parallel_loop3A_591, %parallel_loop3A_630 : vector<16xi32>
        %parallel_loop3A_632 = arith.select %parallel_loop3A_628, %parallel_loop3A_631, %parallel_loop3A_591 : vector<16xi1>, vector<16xi32>
        %parallel_loop3A_633 = vector.shape_cast %parallel_loop3A_632 : vector<16xi32> to vector<16x1xi32>
        %parallel_loop3A_634 = vector.shape_cast %parallel_loop3A_633 : vector<16x1xi32> to vector<16xi32>
        %parallel_loop3A_635 = tpu.dynamic_gather %parallel_loop3A_168[%parallel_loop3A_634] in [0] : vector<16xi32>, vector<16xi32> -> vector<16xi32>
        %parallel_loop3A_636 = arith.constant 0 : i32
        %parallel_loop3A_637 = vector.broadcast %parallel_loop3A_636 : i32 to vector<16xi32>
        %parallel_loop3A_638 = arith.cmpi slt, %parallel_loop3A_595, %parallel_loop3A_637 : vector<16xi32>
        %parallel_loop3A_639 = arith.constant 16 : i32
        %parallel_loop3A_640 = vector.broadcast %parallel_loop3A_639 : i32 to vector<16xi32>
        %parallel_loop3A_641 = arith.addi %parallel_loop3A_595, %parallel_loop3A_640 : vector<16xi32>
        %parallel_loop3A_642 = arith.select %parallel_loop3A_638, %parallel_loop3A_641, %parallel_loop3A_595 : vector<16xi1>, vector<16xi32>
        %parallel_loop3A_643 = vector.shape_cast %parallel_loop3A_642 : vector<16xi32> to vector<16x1xi32>
        %parallel_loop3A_644 = vector.shape_cast %parallel_loop3A_643 : vector<16x1xi32> to vector<16xi32>
        %parallel_loop3A_645 = tpu.dynamic_gather %parallel_loop3A_168[%parallel_loop3A_644] in [0] : vector<16xi32>, vector<16xi32> -> vector<16xi32>
        %parallel_loop3A_646 = arith.constant 0 : i32
        %parallel_loop3A_647 = vector.broadcast %parallel_loop3A_646 : i32 to vector<16xi32>
        %parallel_loop3A_648 = arith.cmpi slt, %parallel_loop3A_599, %parallel_loop3A_647 : vector<16xi32>
        %parallel_loop3A_649 = arith.constant 16 : i32
        %parallel_loop3A_650 = vector.broadcast %parallel_loop3A_649 : i32 to vector<16xi32>
        %parallel_loop3A_651 = arith.addi %parallel_loop3A_599, %parallel_loop3A_650 : vector<16xi32>
        %parallel_loop3A_652 = arith.select %parallel_loop3A_648, %parallel_loop3A_651, %parallel_loop3A_599 : vector<16xi1>, vector<16xi32>
        %parallel_loop3A_653 = vector.shape_cast %parallel_loop3A_652 : vector<16xi32> to vector<16x1xi32>
        %parallel_loop3A_654 = vector.shape_cast %parallel_loop3A_653 : vector<16x1xi32> to vector<16xi32>
        %parallel_loop3A_655 = tpu.dynamic_gather %parallel_loop3A_168[%parallel_loop3A_654] in [0] : vector<16xi32>, vector<16xi32> -> vector<16xi32>
        %parallel_loop3A_656 = arith.constant 0 : i32
        %parallel_loop3A_657 = vector.broadcast %parallel_loop3A_656 : i32 to vector<16xi32>
        %parallel_loop3A_658 = arith.cmpi slt, %parallel_loop3A_603, %parallel_loop3A_657 : vector<16xi32>
        %parallel_loop3A_659 = arith.constant 16 : i32
        %parallel_loop3A_660 = vector.broadcast %parallel_loop3A_659 : i32 to vector<16xi32>
        %parallel_loop3A_661 = arith.addi %parallel_loop3A_603, %parallel_loop3A_660 : vector<16xi32>
        %parallel_loop3A_662 = arith.select %parallel_loop3A_658, %parallel_loop3A_661, %parallel_loop3A_603 : vector<16xi1>, vector<16xi32>
        %parallel_loop3A_663 = vector.shape_cast %parallel_loop3A_662 : vector<16xi32> to vector<16x1xi32>
        %parallel_loop3A_664 = vector.shape_cast %parallel_loop3A_663 : vector<16x1xi32> to vector<16xi32>
        %parallel_loop3A_665 = tpu.dynamic_gather %parallel_loop3A_168[%parallel_loop3A_664] in [0] : vector<16xi32>, vector<16xi32> -> vector<16xi32>
        %parallel_loop3A_666 = arith.constant 0 : i32
        %parallel_loop3A_667 = vector.broadcast %parallel_loop3A_666 : i32 to vector<16xi32>
        %parallel_loop3A_668 = arith.cmpi slt, %parallel_loop3A_607, %parallel_loop3A_667 : vector<16xi32>
        %parallel_loop3A_669 = arith.constant 16 : i32
        %parallel_loop3A_670 = vector.broadcast %parallel_loop3A_669 : i32 to vector<16xi32>
        %parallel_loop3A_671 = arith.addi %parallel_loop3A_607, %parallel_loop3A_670 : vector<16xi32>
        %parallel_loop3A_672 = arith.select %parallel_loop3A_668, %parallel_loop3A_671, %parallel_loop3A_607 : vector<16xi1>, vector<16xi32>
        %parallel_loop3A_673 = vector.shape_cast %parallel_loop3A_672 : vector<16xi32> to vector<16x1xi32>
        %parallel_loop3A_674 = vector.shape_cast %parallel_loop3A_673 : vector<16x1xi32> to vector<16xi32>
        %parallel_loop3A_675 = tpu.dynamic_gather %parallel_loop3A_168[%parallel_loop3A_674] in [0] : vector<16xi32>, vector<16xi32> -> vector<16xi32>
        %parallel_loop3A_676 = arith.constant 0 : i32
        %parallel_loop3A_677 = vector.broadcast %parallel_loop3A_676 : i32 to vector<16xi32>
        %parallel_loop3A_678 = arith.cmpi slt, %parallel_loop3A_611, %parallel_loop3A_677 : vector<16xi32>
        %parallel_loop3A_679 = arith.constant 16 : i32
        %parallel_loop3A_680 = vector.broadcast %parallel_loop3A_679 : i32 to vector<16xi32>
        %parallel_loop3A_681 = arith.addi %parallel_loop3A_611, %parallel_loop3A_680 : vector<16xi32>
        %parallel_loop3A_682 = arith.select %parallel_loop3A_678, %parallel_loop3A_681, %parallel_loop3A_611 : vector<16xi1>, vector<16xi32>
        %parallel_loop3A_683 = vector.shape_cast %parallel_loop3A_682 : vector<16xi32> to vector<16x1xi32>
        %parallel_loop3A_684 = vector.shape_cast %parallel_loop3A_683 : vector<16x1xi32> to vector<16xi32>
        %parallel_loop3A_685 = tpu.dynamic_gather %parallel_loop3A_168[%parallel_loop3A_684] in [0] : vector<16xi32>, vector<16xi32> -> vector<16xi32>
        %parallel_loop3A_686 = arith.constant 0 : i32
        %parallel_loop3A_687 = vector.broadcast %parallel_loop3A_686 : i32 to vector<16xi32>
        %parallel_loop3A_688 = arith.cmpi slt, %parallel_loop3A_615, %parallel_loop3A_687 : vector<16xi32>
        %parallel_loop3A_689 = arith.constant 16 : i32
        %parallel_loop3A_690 = vector.broadcast %parallel_loop3A_689 : i32 to vector<16xi32>
        %parallel_loop3A_691 = arith.addi %parallel_loop3A_615, %parallel_loop3A_690 : vector<16xi32>
        %parallel_loop3A_692 = arith.select %parallel_loop3A_688, %parallel_loop3A_691, %parallel_loop3A_615 : vector<16xi1>, vector<16xi32>
        %parallel_loop3A_693 = vector.shape_cast %parallel_loop3A_692 : vector<16xi32> to vector<16x1xi32>
        %parallel_loop3A_694 = vector.shape_cast %parallel_loop3A_693 : vector<16x1xi32> to vector<16xi32>
        %parallel_loop3A_695 = tpu.dynamic_gather %parallel_loop3A_168[%parallel_loop3A_694] in [0] : vector<16xi32>, vector<16xi32> -> vector<16xi32>
        %parallel_loop3A_696 = arith.constant 0 : i32
        %parallel_loop3A_697 = vector.broadcast %parallel_loop3A_696 : i32 to vector<16xi32>
        %parallel_loop3A_698 = arith.cmpi slt, %parallel_loop3A_587, %parallel_loop3A_697 : vector<16xi32>
        %parallel_loop3A_699 = arith.constant 16 : i32
        %parallel_loop3A_700 = vector.broadcast %parallel_loop3A_699 : i32 to vector<16xi32>
        %parallel_loop3A_701 = arith.addi %parallel_loop3A_587, %parallel_loop3A_700 : vector<16xi32>
        %parallel_loop3A_702 = arith.select %parallel_loop3A_698, %parallel_loop3A_701, %parallel_loop3A_587 : vector<16xi1>, vector<16xi32>
        %parallel_loop3A_703 = vector.shape_cast %parallel_loop3A_702 : vector<16xi32> to vector<16x1xi32>
        %parallel_loop3A_704 = vector.shape_cast %parallel_loop3A_703 : vector<16x1xi32> to vector<16xi32>
        %parallel_loop3A_705 = tpu.dynamic_gather %parallel_loop3A_170[%parallel_loop3A_704] in [0] : vector<16xf32>, vector<16xi32> -> vector<16xf32>
        %parallel_loop3A_706 = arith.constant 0 : i32
        %parallel_loop3A_707 = vector.broadcast %parallel_loop3A_706 : i32 to vector<16xi32>
        %parallel_loop3A_708 = arith.cmpi slt, %parallel_loop3A_591, %parallel_loop3A_707 : vector<16xi32>
        %parallel_loop3A_709 = arith.constant 16 : i32
        %parallel_loop3A_710 = vector.broadcast %parallel_loop3A_709 : i32 to vector<16xi32>
        %parallel_loop3A_711 = arith.addi %parallel_loop3A_591, %parallel_loop3A_710 : vector<16xi32>
        %parallel_loop3A_712 = arith.select %parallel_loop3A_708, %parallel_loop3A_711, %parallel_loop3A_591 : vector<16xi1>, vector<16xi32>
        %parallel_loop3A_713 = vector.shape_cast %parallel_loop3A_712 : vector<16xi32> to vector<16x1xi32>
        %parallel_loop3A_714 = vector.shape_cast %parallel_loop3A_713 : vector<16x1xi32> to vector<16xi32>
        %parallel_loop3A_715 = tpu.dynamic_gather %parallel_loop3A_170[%parallel_loop3A_714] in [0] : vector<16xf32>, vector<16xi32> -> vector<16xf32>
        %parallel_loop3A_716 = arith.constant 0 : i32
        %parallel_loop3A_717 = vector.broadcast %parallel_loop3A_716 : i32 to vector<16xi32>
        %parallel_loop3A_718 = arith.cmpi slt, %parallel_loop3A_595, %parallel_loop3A_717 : vector<16xi32>
        %parallel_loop3A_719 = arith.constant 16 : i32
        %parallel_loop3A_720 = vector.broadcast %parallel_loop3A_719 : i32 to vector<16xi32>
        %parallel_loop3A_721 = arith.addi %parallel_loop3A_595, %parallel_loop3A_720 : vector<16xi32>
        %parallel_loop3A_722 = arith.select %parallel_loop3A_718, %parallel_loop3A_721, %parallel_loop3A_595 : vector<16xi1>, vector<16xi32>
        %parallel_loop3A_723 = vector.shape_cast %parallel_loop3A_722 : vector<16xi32> to vector<16x1xi32>
        %parallel_loop3A_724 = vector.shape_cast %parallel_loop3A_723 : vector<16x1xi32> to vector<16xi32>
        %parallel_loop3A_725 = tpu.dynamic_gather %parallel_loop3A_170[%parallel_loop3A_724] in [0] : vector<16xf32>, vector<16xi32> -> vector<16xf32>
        %parallel_loop3A_726 = arith.constant 0 : i32
        %parallel_loop3A_727 = vector.broadcast %parallel_loop3A_726 : i32 to vector<16xi32>
        %parallel_loop3A_728 = arith.cmpi slt, %parallel_loop3A_599, %parallel_loop3A_727 : vector<16xi32>
        %parallel_loop3A_729 = arith.constant 16 : i32
        %parallel_loop3A_730 = vector.broadcast %parallel_loop3A_729 : i32 to vector<16xi32>
        %parallel_loop3A_731 = arith.addi %parallel_loop3A_599, %parallel_loop3A_730 : vector<16xi32>
        %parallel_loop3A_732 = arith.select %parallel_loop3A_728, %parallel_loop3A_731, %parallel_loop3A_599 : vector<16xi1>, vector<16xi32>
        %parallel_loop3A_733 = vector.shape_cast %parallel_loop3A_732 : vector<16xi32> to vector<16x1xi32>
        %parallel_loop3A_734 = vector.shape_cast %parallel_loop3A_733 : vector<16x1xi32> to vector<16xi32>
        %parallel_loop3A_735 = tpu.dynamic_gather %parallel_loop3A_170[%parallel_loop3A_734] in [0] : vector<16xf32>, vector<16xi32> -> vector<16xf32>
        %parallel_loop3A_736 = arith.constant 0 : i32
        %parallel_loop3A_737 = vector.broadcast %parallel_loop3A_736 : i32 to vector<16xi32>
        %parallel_loop3A_738 = arith.cmpi slt, %parallel_loop3A_603, %parallel_loop3A_737 : vector<16xi32>
        %parallel_loop3A_739 = arith.constant 16 : i32
        %parallel_loop3A_740 = vector.broadcast %parallel_loop3A_739 : i32 to vector<16xi32>
        %parallel_loop3A_741 = arith.addi %parallel_loop3A_603, %parallel_loop3A_740 : vector<16xi32>
        %parallel_loop3A_742 = arith.select %parallel_loop3A_738, %parallel_loop3A_741, %parallel_loop3A_603 : vector<16xi1>, vector<16xi32>
        %parallel_loop3A_743 = vector.shape_cast %parallel_loop3A_742 : vector<16xi32> to vector<16x1xi32>
        %parallel_loop3A_744 = vector.shape_cast %parallel_loop3A_743 : vector<16x1xi32> to vector<16xi32>
        %parallel_loop3A_745 = tpu.dynamic_gather %parallel_loop3A_170[%parallel_loop3A_744] in [0] : vector<16xf32>, vector<16xi32> -> vector<16xf32>
        %parallel_loop3A_746 = arith.constant 0 : i32
        %parallel_loop3A_747 = vector.broadcast %parallel_loop3A_746 : i32 to vector<16xi32>
        %parallel_loop3A_748 = arith.cmpi slt, %parallel_loop3A_607, %parallel_loop3A_747 : vector<16xi32>
        %parallel_loop3A_749 = arith.constant 16 : i32
        %parallel_loop3A_750 = vector.broadcast %parallel_loop3A_749 : i32 to vector<16xi32>
        %parallel_loop3A_751 = arith.addi %parallel_loop3A_607, %parallel_loop3A_750 : vector<16xi32>
        %parallel_loop3A_752 = arith.select %parallel_loop3A_748, %parallel_loop3A_751, %parallel_loop3A_607 : vector<16xi1>, vector<16xi32>
        %parallel_loop3A_753 = vector.shape_cast %parallel_loop3A_752 : vector<16xi32> to vector<16x1xi32>
        %parallel_loop3A_754 = vector.shape_cast %parallel_loop3A_753 : vector<16x1xi32> to vector<16xi32>
        %parallel_loop3A_755 = tpu.dynamic_gather %parallel_loop3A_170[%parallel_loop3A_754] in [0] : vector<16xf32>, vector<16xi32> -> vector<16xf32>
        %parallel_loop3A_756 = arith.constant 0 : i32
        %parallel_loop3A_757 = vector.broadcast %parallel_loop3A_756 : i32 to vector<16xi32>
        %parallel_loop3A_758 = arith.cmpi slt, %parallel_loop3A_611, %parallel_loop3A_757 : vector<16xi32>
        %parallel_loop3A_759 = arith.constant 16 : i32
        %parallel_loop3A_760 = vector.broadcast %parallel_loop3A_759 : i32 to vector<16xi32>
        %parallel_loop3A_761 = arith.addi %parallel_loop3A_611, %parallel_loop3A_760 : vector<16xi32>
        %parallel_loop3A_762 = arith.select %parallel_loop3A_758, %parallel_loop3A_761, %parallel_loop3A_611 : vector<16xi1>, vector<16xi32>
        %parallel_loop3A_763 = vector.shape_cast %parallel_loop3A_762 : vector<16xi32> to vector<16x1xi32>
        %parallel_loop3A_764 = vector.shape_cast %parallel_loop3A_763 : vector<16x1xi32> to vector<16xi32>
        %parallel_loop3A_765 = tpu.dynamic_gather %parallel_loop3A_170[%parallel_loop3A_764] in [0] : vector<16xf32>, vector<16xi32> -> vector<16xf32>
        %parallel_loop3A_766 = arith.constant 0 : i32
        %parallel_loop3A_767 = vector.broadcast %parallel_loop3A_766 : i32 to vector<16xi32>
        %parallel_loop3A_768 = arith.cmpi slt, %parallel_loop3A_615, %parallel_loop3A_767 : vector<16xi32>
        %parallel_loop3A_769 = arith.constant 16 : i32
        %parallel_loop3A_770 = vector.broadcast %parallel_loop3A_769 : i32 to vector<16xi32>
        %parallel_loop3A_771 = arith.addi %parallel_loop3A_615, %parallel_loop3A_770 : vector<16xi32>
        %parallel_loop3A_772 = arith.select %parallel_loop3A_768, %parallel_loop3A_771, %parallel_loop3A_615 : vector<16xi1>, vector<16xi32>
        %parallel_loop3A_773 = vector.shape_cast %parallel_loop3A_772 : vector<16xi32> to vector<16x1xi32>
        %parallel_loop3A_774 = vector.shape_cast %parallel_loop3A_773 : vector<16x1xi32> to vector<16xi32>
        %parallel_loop3A_775 = tpu.dynamic_gather %parallel_loop3A_170[%parallel_loop3A_774] in [0] : vector<16xf32>, vector<16xi32> -> vector<16xf32>
        %parallel_loop3A_776 = arith.addi %mul3A_33, %parallel_loop3A_625 : vector<16xi32>
        %parallel_loop3A_777 = tpu.vector_load_idx %arg7[%parallel_loop3A_776] : memref<32896xf32, #tpu.memory_space<vmem>>[vector<16xi32>], vector<16xf32>,
        %parallel_loop3A_778 = arith.addi %mul3A_39, %parallel_loop3A_635 : vector<16xi32>
        %parallel_loop3A_779 = tpu.vector_load_idx %arg7[%parallel_loop3A_778] : memref<32896xf32, #tpu.memory_space<vmem>>[vector<16xi32>], vector<16xf32>,
        %parallel_loop3A_780 = arith.addi %mul3A_45, %parallel_loop3A_645 : vector<16xi32>
        %parallel_loop3A_781 = tpu.vector_load_idx %arg7[%parallel_loop3A_780] : memref<32896xf32, #tpu.memory_space<vmem>>[vector<16xi32>], vector<16xf32>,
        %parallel_loop3A_782 = arith.addi %mul3A_51, %parallel_loop3A_655 : vector<16xi32>
        %parallel_loop3A_783 = tpu.vector_load_idx %arg7[%parallel_loop3A_782] : memref<32896xf32, #tpu.memory_space<vmem>>[vector<16xi32>], vector<16xf32>,
        %parallel_loop3A_784 = arith.addi %mul3A_57, %parallel_loop3A_665 : vector<16xi32>
        %parallel_loop3A_785 = tpu.vector_load_idx %arg7[%parallel_loop3A_784] : memref<32896xf32, #tpu.memory_space<vmem>>[vector<16xi32>], vector<16xf32>,
        %parallel_loop3A_786 = arith.addi %mul3A_63, %parallel_loop3A_675 : vector<16xi32>
        %parallel_loop3A_787 = tpu.vector_load_idx %arg7[%parallel_loop3A_786] : memref<32896xf32, #tpu.memory_space<vmem>>[vector<16xi32>], vector<16xf32>,
        %parallel_loop3A_788 = arith.addi %mul3A_69, %parallel_loop3A_685 : vector<16xi32>
        %parallel_loop3A_789 = tpu.vector_load_idx %arg7[%parallel_loop3A_788] : memref<32896xf32, #tpu.memory_space<vmem>>[vector<16xi32>], vector<16xf32>,
        %parallel_loop3A_790 = arith.addi %mul3A_75, %parallel_loop3A_695 : vector<16xi32>
        %parallel_loop3A_791 = tpu.vector_load_idx %arg7[%parallel_loop3A_790] : memref<32896xf32, #tpu.memory_space<vmem>>[vector<16xi32>], vector<16xf32>,
        %parallel_loop3A_792 = arith.addi %parallel_loop3A_587, %parallel_loop3A_587 : vector<16xi32>
        %parallel_loop3A_793 = arith.cmpf ogt, %parallel_loop3A_777, %parallel_loop3A_705 : vector<16xf32>
        %parallel_loop3A_794 = arith.select %parallel_loop3A_793, %parallel_loop3A_185, %parallel_loop3A_183 : vector<16xi1>, vector<16xi32>
        %parallel_loop3A_795 = arith.addi %parallel_loop3A_792, %parallel_loop3A_794 : vector<16xi32>
        %parallel_loop3A_796 = arith.addi %parallel_loop3A_591, %parallel_loop3A_591 : vector<16xi32>
        %parallel_loop3A_797 = arith.cmpf ogt, %parallel_loop3A_779, %parallel_loop3A_715 : vector<16xf32>
        %parallel_loop3A_798 = arith.select %parallel_loop3A_797, %parallel_loop3A_185, %parallel_loop3A_183 : vector<16xi1>, vector<16xi32>
        %parallel_loop3A_799 = arith.addi %parallel_loop3A_796, %parallel_loop3A_798 : vector<16xi32>
        %parallel_loop3A_800 = arith.addi %parallel_loop3A_595, %parallel_loop3A_595 : vector<16xi32>
        %parallel_loop3A_801 = arith.cmpf ogt, %parallel_loop3A_781, %parallel_loop3A_725 : vector<16xf32>
        %parallel_loop3A_802 = arith.select %parallel_loop3A_801, %parallel_loop3A_185, %parallel_loop3A_183 : vector<16xi1>, vector<16xi32>
        %parallel_loop3A_803 = arith.addi %parallel_loop3A_800, %parallel_loop3A_802 : vector<16xi32>
        %parallel_loop3A_804 = arith.addi %parallel_loop3A_599, %parallel_loop3A_599 : vector<16xi32>
        %parallel_loop3A_805 = arith.cmpf ogt, %parallel_loop3A_783, %parallel_loop3A_735 : vector<16xf32>
        %parallel_loop3A_806 = arith.select %parallel_loop3A_805, %parallel_loop3A_185, %parallel_loop3A_183 : vector<16xi1>, vector<16xi32>
        %parallel_loop3A_807 = arith.addi %parallel_loop3A_804, %parallel_loop3A_806 : vector<16xi32>
        %parallel_loop3A_808 = arith.addi %parallel_loop3A_603, %parallel_loop3A_603 : vector<16xi32>
        %parallel_loop3A_809 = arith.cmpf ogt, %parallel_loop3A_785, %parallel_loop3A_745 : vector<16xf32>
        %parallel_loop3A_810 = arith.select %parallel_loop3A_809, %parallel_loop3A_185, %parallel_loop3A_183 : vector<16xi1>, vector<16xi32>
        %parallel_loop3A_811 = arith.addi %parallel_loop3A_808, %parallel_loop3A_810 : vector<16xi32>
        %parallel_loop3A_812 = arith.addi %parallel_loop3A_607, %parallel_loop3A_607 : vector<16xi32>
        %parallel_loop3A_813 = arith.cmpf ogt, %parallel_loop3A_787, %parallel_loop3A_755 : vector<16xf32>
        %parallel_loop3A_814 = arith.select %parallel_loop3A_813, %parallel_loop3A_185, %parallel_loop3A_183 : vector<16xi1>, vector<16xi32>
        %parallel_loop3A_815 = arith.addi %parallel_loop3A_812, %parallel_loop3A_814 : vector<16xi32>
        %parallel_loop3A_816 = arith.addi %parallel_loop3A_611, %parallel_loop3A_611 : vector<16xi32>
        %parallel_loop3A_817 = arith.cmpf ogt, %parallel_loop3A_789, %parallel_loop3A_765 : vector<16xf32>
        %parallel_loop3A_818 = arith.select %parallel_loop3A_817, %parallel_loop3A_185, %parallel_loop3A_183 : vector<16xi1>, vector<16xi32>
        %parallel_loop3A_819 = arith.addi %parallel_loop3A_816, %parallel_loop3A_818 : vector<16xi32>
        %parallel_loop3A_820 = arith.addi %parallel_loop3A_615, %parallel_loop3A_615 : vector<16xi32>
        %parallel_loop3A_821 = arith.cmpf ogt, %parallel_loop3A_791, %parallel_loop3A_775 : vector<16xf32>
        %parallel_loop3A_822 = arith.select %parallel_loop3A_821, %parallel_loop3A_185, %parallel_loop3A_183 : vector<16xi1>, vector<16xi32>
        %parallel_loop3A_823 = arith.addi %parallel_loop3A_820, %parallel_loop3A_822 : vector<16xi32>
        %parallel_loop3A_824 = arith.constant 0 : i32
        %parallel_loop3A_825 = vector.broadcast %parallel_loop3A_824 : i32 to vector<16xi32>
        %parallel_loop3A_826 = arith.cmpi slt, %parallel_loop3A_795, %parallel_loop3A_825 : vector<16xi32>
        %parallel_loop3A_827 = arith.constant 16 : i32
        %parallel_loop3A_828 = vector.broadcast %parallel_loop3A_827 : i32 to vector<16xi32>
        %parallel_loop3A_829 = arith.addi %parallel_loop3A_795, %parallel_loop3A_828 : vector<16xi32>
        %parallel_loop3A_830 = arith.select %parallel_loop3A_826, %parallel_loop3A_829, %parallel_loop3A_795 : vector<16xi1>, vector<16xi32>
        %parallel_loop3A_831 = vector.shape_cast %parallel_loop3A_830 : vector<16xi32> to vector<16x1xi32>
        %parallel_loop3A_832 = vector.shape_cast %parallel_loop3A_831 : vector<16x1xi32> to vector<16xi32>
        %parallel_loop3A_833 = tpu.dynamic_gather %parallel_loop3A_168[%parallel_loop3A_832] in [0] : vector<16xi32>, vector<16xi32> -> vector<16xi32>
        %parallel_loop3A_834 = arith.constant 0 : i32
        %parallel_loop3A_835 = vector.broadcast %parallel_loop3A_834 : i32 to vector<16xi32>
        %parallel_loop3A_836 = arith.cmpi slt, %parallel_loop3A_799, %parallel_loop3A_835 : vector<16xi32>
        %parallel_loop3A_837 = arith.constant 16 : i32
        %parallel_loop3A_838 = vector.broadcast %parallel_loop3A_837 : i32 to vector<16xi32>
        %parallel_loop3A_839 = arith.addi %parallel_loop3A_799, %parallel_loop3A_838 : vector<16xi32>
        %parallel_loop3A_840 = arith.select %parallel_loop3A_836, %parallel_loop3A_839, %parallel_loop3A_799 : vector<16xi1>, vector<16xi32>
        %parallel_loop3A_841 = vector.shape_cast %parallel_loop3A_840 : vector<16xi32> to vector<16x1xi32>
        %parallel_loop3A_842 = vector.shape_cast %parallel_loop3A_841 : vector<16x1xi32> to vector<16xi32>
        %parallel_loop3A_843 = tpu.dynamic_gather %parallel_loop3A_168[%parallel_loop3A_842] in [0] : vector<16xi32>, vector<16xi32> -> vector<16xi32>
        %parallel_loop3A_844 = arith.constant 0 : i32
        %parallel_loop3A_845 = vector.broadcast %parallel_loop3A_844 : i32 to vector<16xi32>
        %parallel_loop3A_846 = arith.cmpi slt, %parallel_loop3A_803, %parallel_loop3A_845 : vector<16xi32>
        %parallel_loop3A_847 = arith.constant 16 : i32
        %parallel_loop3A_848 = vector.broadcast %parallel_loop3A_847 : i32 to vector<16xi32>
        %parallel_loop3A_849 = arith.addi %parallel_loop3A_803, %parallel_loop3A_848 : vector<16xi32>
        %parallel_loop3A_850 = arith.select %parallel_loop3A_846, %parallel_loop3A_849, %parallel_loop3A_803 : vector<16xi1>, vector<16xi32>
        %parallel_loop3A_851 = vector.shape_cast %parallel_loop3A_850 : vector<16xi32> to vector<16x1xi32>
        %parallel_loop3A_852 = vector.shape_cast %parallel_loop3A_851 : vector<16x1xi32> to vector<16xi32>
        %parallel_loop3A_853 = tpu.dynamic_gather %parallel_loop3A_168[%parallel_loop3A_852] in [0] : vector<16xi32>, vector<16xi32> -> vector<16xi32>
        %parallel_loop3A_854 = arith.constant 0 : i32
        %parallel_loop3A_855 = vector.broadcast %parallel_loop3A_854 : i32 to vector<16xi32>
        %parallel_loop3A_856 = arith.cmpi slt, %parallel_loop3A_807, %parallel_loop3A_855 : vector<16xi32>
        %parallel_loop3A_857 = arith.constant 16 : i32
        %parallel_loop3A_858 = vector.broadcast %parallel_loop3A_857 : i32 to vector<16xi32>
        %parallel_loop3A_859 = arith.addi %parallel_loop3A_807, %parallel_loop3A_858 : vector<16xi32>
        %parallel_loop3A_860 = arith.select %parallel_loop3A_856, %parallel_loop3A_859, %parallel_loop3A_807 : vector<16xi1>, vector<16xi32>
        %parallel_loop3A_861 = vector.shape_cast %parallel_loop3A_860 : vector<16xi32> to vector<16x1xi32>
        %parallel_loop3A_862 = vector.shape_cast %parallel_loop3A_861 : vector<16x1xi32> to vector<16xi32>
        %parallel_loop3A_863 = tpu.dynamic_gather %parallel_loop3A_168[%parallel_loop3A_862] in [0] : vector<16xi32>, vector<16xi32> -> vector<16xi32>
        %parallel_loop3A_864 = arith.constant 0 : i32
        %parallel_loop3A_865 = vector.broadcast %parallel_loop3A_864 : i32 to vector<16xi32>
        %parallel_loop3A_866 = arith.cmpi slt, %parallel_loop3A_811, %parallel_loop3A_865 : vector<16xi32>
        %parallel_loop3A_867 = arith.constant 16 : i32
        %parallel_loop3A_868 = vector.broadcast %parallel_loop3A_867 : i32 to vector<16xi32>
        %parallel_loop3A_869 = arith.addi %parallel_loop3A_811, %parallel_loop3A_868 : vector<16xi32>
        %parallel_loop3A_870 = arith.select %parallel_loop3A_866, %parallel_loop3A_869, %parallel_loop3A_811 : vector<16xi1>, vector<16xi32>
        %parallel_loop3A_871 = vector.shape_cast %parallel_loop3A_870 : vector<16xi32> to vector<16x1xi32>
        %parallel_loop3A_872 = vector.shape_cast %parallel_loop3A_871 : vector<16x1xi32> to vector<16xi32>
        %parallel_loop3A_873 = tpu.dynamic_gather %parallel_loop3A_168[%parallel_loop3A_872] in [0] : vector<16xi32>, vector<16xi32> -> vector<16xi32>
        %parallel_loop3A_874 = arith.constant 0 : i32
        %parallel_loop3A_875 = vector.broadcast %parallel_loop3A_874 : i32 to vector<16xi32>
        %parallel_loop3A_876 = arith.cmpi slt, %parallel_loop3A_815, %parallel_loop3A_875 : vector<16xi32>
        %parallel_loop3A_877 = arith.constant 16 : i32
        %parallel_loop3A_878 = vector.broadcast %parallel_loop3A_877 : i32 to vector<16xi32>
        %parallel_loop3A_879 = arith.addi %parallel_loop3A_815, %parallel_loop3A_878 : vector<16xi32>
        %parallel_loop3A_880 = arith.select %parallel_loop3A_876, %parallel_loop3A_879, %parallel_loop3A_815 : vector<16xi1>, vector<16xi32>
        %parallel_loop3A_881 = vector.shape_cast %parallel_loop3A_880 : vector<16xi32> to vector<16x1xi32>
        %parallel_loop3A_882 = vector.shape_cast %parallel_loop3A_881 : vector<16x1xi32> to vector<16xi32>
        %parallel_loop3A_883 = tpu.dynamic_gather %parallel_loop3A_168[%parallel_loop3A_882] in [0] : vector<16xi32>, vector<16xi32> -> vector<16xi32>
        %parallel_loop3A_884 = arith.constant 0 : i32
        %parallel_loop3A_885 = vector.broadcast %parallel_loop3A_884 : i32 to vector<16xi32>
        %parallel_loop3A_886 = arith.cmpi slt, %parallel_loop3A_819, %parallel_loop3A_885 : vector<16xi32>
        %parallel_loop3A_887 = arith.constant 16 : i32
        %parallel_loop3A_888 = vector.broadcast %parallel_loop3A_887 : i32 to vector<16xi32>
        %parallel_loop3A_889 = arith.addi %parallel_loop3A_819, %parallel_loop3A_888 : vector<16xi32>
        %parallel_loop3A_890 = arith.select %parallel_loop3A_886, %parallel_loop3A_889, %parallel_loop3A_819 : vector<16xi1>, vector<16xi32>
        %parallel_loop3A_891 = vector.shape_cast %parallel_loop3A_890 : vector<16xi32> to vector<16x1xi32>
        %parallel_loop3A_892 = vector.shape_cast %parallel_loop3A_891 : vector<16x1xi32> to vector<16xi32>
        %parallel_loop3A_893 = tpu.dynamic_gather %parallel_loop3A_168[%parallel_loop3A_892] in [0] : vector<16xi32>, vector<16xi32> -> vector<16xi32>
        %parallel_loop3A_894 = arith.constant 0 : i32
        %parallel_loop3A_895 = vector.broadcast %parallel_loop3A_894 : i32 to vector<16xi32>
        %parallel_loop3A_896 = arith.cmpi slt, %parallel_loop3A_823, %parallel_loop3A_895 : vector<16xi32>
        %parallel_loop3A_897 = arith.constant 16 : i32
        %parallel_loop3A_898 = vector.broadcast %parallel_loop3A_897 : i32 to vector<16xi32>
        %parallel_loop3A_899 = arith.addi %parallel_loop3A_823, %parallel_loop3A_898 : vector<16xi32>
        %parallel_loop3A_900 = arith.select %parallel_loop3A_896, %parallel_loop3A_899, %parallel_loop3A_823 : vector<16xi1>, vector<16xi32>
        %parallel_loop3A_901 = vector.shape_cast %parallel_loop3A_900 : vector<16xi32> to vector<16x1xi32>
        %parallel_loop3A_902 = vector.shape_cast %parallel_loop3A_901 : vector<16x1xi32> to vector<16xi32>
        %parallel_loop3A_903 = tpu.dynamic_gather %parallel_loop3A_168[%parallel_loop3A_902] in [0] : vector<16xi32>, vector<16xi32> -> vector<16xi32>
        %parallel_loop3A_904 = arith.constant 0 : i32
        %parallel_loop3A_905 = vector.broadcast %parallel_loop3A_904 : i32 to vector<16xi32>
        %parallel_loop3A_906 = arith.cmpi slt, %parallel_loop3A_795, %parallel_loop3A_905 : vector<16xi32>
        %parallel_loop3A_907 = arith.constant 16 : i32
        %parallel_loop3A_908 = vector.broadcast %parallel_loop3A_907 : i32 to vector<16xi32>
        %parallel_loop3A_909 = arith.addi %parallel_loop3A_795, %parallel_loop3A_908 : vector<16xi32>
        %parallel_loop3A_910 = arith.select %parallel_loop3A_906, %parallel_loop3A_909, %parallel_loop3A_795 : vector<16xi1>, vector<16xi32>
        %parallel_loop3A_911 = vector.shape_cast %parallel_loop3A_910 : vector<16xi32> to vector<16x1xi32>
        %parallel_loop3A_912 = vector.shape_cast %parallel_loop3A_911 : vector<16x1xi32> to vector<16xi32>
        %parallel_loop3A_913 = tpu.dynamic_gather %parallel_loop3A_170[%parallel_loop3A_912] in [0] : vector<16xf32>, vector<16xi32> -> vector<16xf32>
        %parallel_loop3A_914 = arith.constant 0 : i32
        %parallel_loop3A_915 = vector.broadcast %parallel_loop3A_914 : i32 to vector<16xi32>
        %parallel_loop3A_916 = arith.cmpi slt, %parallel_loop3A_799, %parallel_loop3A_915 : vector<16xi32>
        %parallel_loop3A_917 = arith.constant 16 : i32
        %parallel_loop3A_918 = vector.broadcast %parallel_loop3A_917 : i32 to vector<16xi32>
        %parallel_loop3A_919 = arith.addi %parallel_loop3A_799, %parallel_loop3A_918 : vector<16xi32>
        %parallel_loop3A_920 = arith.select %parallel_loop3A_916, %parallel_loop3A_919, %parallel_loop3A_799 : vector<16xi1>, vector<16xi32>
        %parallel_loop3A_921 = vector.shape_cast %parallel_loop3A_920 : vector<16xi32> to vector<16x1xi32>
        %parallel_loop3A_922 = vector.shape_cast %parallel_loop3A_921 : vector<16x1xi32> to vector<16xi32>
        %parallel_loop3A_923 = tpu.dynamic_gather %parallel_loop3A_170[%parallel_loop3A_922] in [0] : vector<16xf32>, vector<16xi32> -> vector<16xf32>
        %parallel_loop3A_924 = arith.constant 0 : i32
        %parallel_loop3A_925 = vector.broadcast %parallel_loop3A_924 : i32 to vector<16xi32>
        %parallel_loop3A_926 = arith.cmpi slt, %parallel_loop3A_803, %parallel_loop3A_925 : vector<16xi32>
        %parallel_loop3A_927 = arith.constant 16 : i32
        %parallel_loop3A_928 = vector.broadcast %parallel_loop3A_927 : i32 to vector<16xi32>
        %parallel_loop3A_929 = arith.addi %parallel_loop3A_803, %parallel_loop3A_928 : vector<16xi32>
        %parallel_loop3A_930 = arith.select %parallel_loop3A_926, %parallel_loop3A_929, %parallel_loop3A_803 : vector<16xi1>, vector<16xi32>
        %parallel_loop3A_931 = vector.shape_cast %parallel_loop3A_930 : vector<16xi32> to vector<16x1xi32>
        %parallel_loop3A_932 = vector.shape_cast %parallel_loop3A_931 : vector<16x1xi32> to vector<16xi32>
        %parallel_loop3A_933 = tpu.dynamic_gather %parallel_loop3A_170[%parallel_loop3A_932] in [0] : vector<16xf32>, vector<16xi32> -> vector<16xf32>
        %parallel_loop3A_934 = arith.constant 0 : i32
        %parallel_loop3A_935 = vector.broadcast %parallel_loop3A_934 : i32 to vector<16xi32>
        %parallel_loop3A_936 = arith.cmpi slt, %parallel_loop3A_807, %parallel_loop3A_935 : vector<16xi32>
        %parallel_loop3A_937 = arith.constant 16 : i32
        %parallel_loop3A_938 = vector.broadcast %parallel_loop3A_937 : i32 to vector<16xi32>
        %parallel_loop3A_939 = arith.addi %parallel_loop3A_807, %parallel_loop3A_938 : vector<16xi32>
        %parallel_loop3A_940 = arith.select %parallel_loop3A_936, %parallel_loop3A_939, %parallel_loop3A_807 : vector<16xi1>, vector<16xi32>
        %parallel_loop3A_941 = vector.shape_cast %parallel_loop3A_940 : vector<16xi32> to vector<16x1xi32>
        %parallel_loop3A_942 = vector.shape_cast %parallel_loop3A_941 : vector<16x1xi32> to vector<16xi32>
        %parallel_loop3A_943 = tpu.dynamic_gather %parallel_loop3A_170[%parallel_loop3A_942] in [0] : vector<16xf32>, vector<16xi32> -> vector<16xf32>
        %parallel_loop3A_944 = arith.constant 0 : i32
        %parallel_loop3A_945 = vector.broadcast %parallel_loop3A_944 : i32 to vector<16xi32>
        %parallel_loop3A_946 = arith.cmpi slt, %parallel_loop3A_811, %parallel_loop3A_945 : vector<16xi32>
        %parallel_loop3A_947 = arith.constant 16 : i32
        %parallel_loop3A_948 = vector.broadcast %parallel_loop3A_947 : i32 to vector<16xi32>
        %parallel_loop3A_949 = arith.addi %parallel_loop3A_811, %parallel_loop3A_948 : vector<16xi32>
        %parallel_loop3A_950 = arith.select %parallel_loop3A_946, %parallel_loop3A_949, %parallel_loop3A_811 : vector<16xi1>, vector<16xi32>
        %parallel_loop3A_951 = vector.shape_cast %parallel_loop3A_950 : vector<16xi32> to vector<16x1xi32>
        %parallel_loop3A_952 = vector.shape_cast %parallel_loop3A_951 : vector<16x1xi32> to vector<16xi32>
        %parallel_loop3A_953 = tpu.dynamic_gather %parallel_loop3A_170[%parallel_loop3A_952] in [0] : vector<16xf32>, vector<16xi32> -> vector<16xf32>
        %parallel_loop3A_954 = arith.constant 0 : i32
        %parallel_loop3A_955 = vector.broadcast %parallel_loop3A_954 : i32 to vector<16xi32>
        %parallel_loop3A_956 = arith.cmpi slt, %parallel_loop3A_815, %parallel_loop3A_955 : vector<16xi32>
        %parallel_loop3A_957 = arith.constant 16 : i32
        %parallel_loop3A_958 = vector.broadcast %parallel_loop3A_957 : i32 to vector<16xi32>
        %parallel_loop3A_959 = arith.addi %parallel_loop3A_815, %parallel_loop3A_958 : vector<16xi32>
        %parallel_loop3A_960 = arith.select %parallel_loop3A_956, %parallel_loop3A_959, %parallel_loop3A_815 : vector<16xi1>, vector<16xi32>
        %parallel_loop3A_961 = vector.shape_cast %parallel_loop3A_960 : vector<16xi32> to vector<16x1xi32>
        %parallel_loop3A_962 = vector.shape_cast %parallel_loop3A_961 : vector<16x1xi32> to vector<16xi32>
        %parallel_loop3A_963 = tpu.dynamic_gather %parallel_loop3A_170[%parallel_loop3A_962] in [0] : vector<16xf32>, vector<16xi32> -> vector<16xf32>
        %parallel_loop3A_964 = arith.constant 0 : i32
        %parallel_loop3A_965 = vector.broadcast %parallel_loop3A_964 : i32 to vector<16xi32>
        %parallel_loop3A_966 = arith.cmpi slt, %parallel_loop3A_819, %parallel_loop3A_965 : vector<16xi32>
        %parallel_loop3A_967 = arith.constant 16 : i32
        %parallel_loop3A_968 = vector.broadcast %parallel_loop3A_967 : i32 to vector<16xi32>
        %parallel_loop3A_969 = arith.addi %parallel_loop3A_819, %parallel_loop3A_968 : vector<16xi32>
        %parallel_loop3A_970 = arith.select %parallel_loop3A_966, %parallel_loop3A_969, %parallel_loop3A_819 : vector<16xi1>, vector<16xi32>
        %parallel_loop3A_971 = vector.shape_cast %parallel_loop3A_970 : vector<16xi32> to vector<16x1xi32>
        %parallel_loop3A_972 = vector.shape_cast %parallel_loop3A_971 : vector<16x1xi32> to vector<16xi32>
        %parallel_loop3A_973 = tpu.dynamic_gather %parallel_loop3A_170[%parallel_loop3A_972] in [0] : vector<16xf32>, vector<16xi32> -> vector<16xf32>
        %parallel_loop3A_974 = arith.constant 0 : i32
        %parallel_loop3A_975 = vector.broadcast %parallel_loop3A_974 : i32 to vector<16xi32>
        %parallel_loop3A_976 = arith.cmpi slt, %parallel_loop3A_823, %parallel_loop3A_975 : vector<16xi32>
        %parallel_loop3A_977 = arith.constant 16 : i32
        %parallel_loop3A_978 = vector.broadcast %parallel_loop3A_977 : i32 to vector<16xi32>
        %parallel_loop3A_979 = arith.addi %parallel_loop3A_823, %parallel_loop3A_978 : vector<16xi32>
        %parallel_loop3A_980 = arith.select %parallel_loop3A_976, %parallel_loop3A_979, %parallel_loop3A_823 : vector<16xi1>, vector<16xi32>
        %parallel_loop3A_981 = vector.shape_cast %parallel_loop3A_980 : vector<16xi32> to vector<16x1xi32>
        %parallel_loop3A_982 = vector.shape_cast %parallel_loop3A_981 : vector<16x1xi32> to vector<16xi32>
        %parallel_loop3A_983 = tpu.dynamic_gather %parallel_loop3A_170[%parallel_loop3A_982] in [0] : vector<16xf32>, vector<16xi32> -> vector<16xf32>
        %parallel_loop3A_984 = arith.addi %mul3A_33, %parallel_loop3A_833 : vector<16xi32>
        %parallel_loop3A_985 = tpu.vector_load_idx %arg7[%parallel_loop3A_984] : memref<32896xf32, #tpu.memory_space<vmem>>[vector<16xi32>], vector<16xf32>,
        %parallel_loop3A_986 = arith.addi %mul3A_39, %parallel_loop3A_843 : vector<16xi32>
        %parallel_loop3A_987 = tpu.vector_load_idx %arg7[%parallel_loop3A_986] : memref<32896xf32, #tpu.memory_space<vmem>>[vector<16xi32>], vector<16xf32>,
        %parallel_loop3A_988 = arith.addi %mul3A_45, %parallel_loop3A_853 : vector<16xi32>
        %parallel_loop3A_989 = tpu.vector_load_idx %arg7[%parallel_loop3A_988] : memref<32896xf32, #tpu.memory_space<vmem>>[vector<16xi32>], vector<16xf32>,
        %parallel_loop3A_990 = arith.addi %mul3A_51, %parallel_loop3A_863 : vector<16xi32>
        %parallel_loop3A_991 = tpu.vector_load_idx %arg7[%parallel_loop3A_990] : memref<32896xf32, #tpu.memory_space<vmem>>[vector<16xi32>], vector<16xf32>,
        %parallel_loop3A_992 = arith.addi %mul3A_57, %parallel_loop3A_873 : vector<16xi32>
        %parallel_loop3A_993 = tpu.vector_load_idx %arg7[%parallel_loop3A_992] : memref<32896xf32, #tpu.memory_space<vmem>>[vector<16xi32>], vector<16xf32>,
        %parallel_loop3A_994 = arith.addi %mul3A_63, %parallel_loop3A_883 : vector<16xi32>
        %parallel_loop3A_995 = tpu.vector_load_idx %arg7[%parallel_loop3A_994] : memref<32896xf32, #tpu.memory_space<vmem>>[vector<16xi32>], vector<16xf32>,
        %parallel_loop3A_996 = arith.addi %mul3A_69, %parallel_loop3A_893 : vector<16xi32>
        %parallel_loop3A_997 = tpu.vector_load_idx %arg7[%parallel_loop3A_996] : memref<32896xf32, #tpu.memory_space<vmem>>[vector<16xi32>], vector<16xf32>,
        %parallel_loop3A_998 = arith.addi %mul3A_75, %parallel_loop3A_903 : vector<16xi32>
        %parallel_loop3A_999 = tpu.vector_load_idx %arg7[%parallel_loop3A_998] : memref<32896xf32, #tpu.memory_space<vmem>>[vector<16xi32>], vector<16xf32>,
        %parallel_loop3A_1000 = arith.addi %parallel_loop3A_795, %parallel_loop3A_795 : vector<16xi32>
        %parallel_loop3A_1001 = arith.cmpf ogt, %parallel_loop3A_985, %parallel_loop3A_913 : vector<16xf32>
        %parallel_loop3A_1002 = arith.select %parallel_loop3A_1001, %parallel_loop3A_185, %parallel_loop3A_183 : vector<16xi1>, vector<16xi32>
        %parallel_loop3A_1003 = arith.addi %parallel_loop3A_1000, %parallel_loop3A_1002 : vector<16xi32>
        %parallel_loop3A_1004 = arith.addi %parallel_loop3A_799, %parallel_loop3A_799 : vector<16xi32>
        %parallel_loop3A_1005 = arith.cmpf ogt, %parallel_loop3A_987, %parallel_loop3A_923 : vector<16xf32>
        %parallel_loop3A_1006 = arith.select %parallel_loop3A_1005, %parallel_loop3A_185, %parallel_loop3A_183 : vector<16xi1>, vector<16xi32>
        %parallel_loop3A_1007 = arith.addi %parallel_loop3A_1004, %parallel_loop3A_1006 : vector<16xi32>
        %parallel_loop3A_1008 = arith.addi %parallel_loop3A_803, %parallel_loop3A_803 : vector<16xi32>
        %parallel_loop3A_1009 = arith.cmpf ogt, %parallel_loop3A_989, %parallel_loop3A_933 : vector<16xf32>
        %parallel_loop3A_1010 = arith.select %parallel_loop3A_1009, %parallel_loop3A_185, %parallel_loop3A_183 : vector<16xi1>, vector<16xi32>
        %parallel_loop3A_1011 = arith.addi %parallel_loop3A_1008, %parallel_loop3A_1010 : vector<16xi32>
        %parallel_loop3A_1012 = arith.addi %parallel_loop3A_807, %parallel_loop3A_807 : vector<16xi32>
        %parallel_loop3A_1013 = arith.cmpf ogt, %parallel_loop3A_991, %parallel_loop3A_943 : vector<16xf32>
        %parallel_loop3A_1014 = arith.select %parallel_loop3A_1013, %parallel_loop3A_185, %parallel_loop3A_183 : vector<16xi1>, vector<16xi32>
        %parallel_loop3A_1015 = arith.addi %parallel_loop3A_1012, %parallel_loop3A_1014 : vector<16xi32>
        %parallel_loop3A_1016 = arith.addi %parallel_loop3A_811, %parallel_loop3A_811 : vector<16xi32>
        %parallel_loop3A_1017 = arith.cmpf ogt, %parallel_loop3A_993, %parallel_loop3A_953 : vector<16xf32>
        %parallel_loop3A_1018 = arith.select %parallel_loop3A_1017, %parallel_loop3A_185, %parallel_loop3A_183 : vector<16xi1>, vector<16xi32>
        %parallel_loop3A_1019 = arith.addi %parallel_loop3A_1016, %parallel_loop3A_1018 : vector<16xi32>
        %parallel_loop3A_1020 = arith.addi %parallel_loop3A_815, %parallel_loop3A_815 : vector<16xi32>
        %parallel_loop3A_1021 = arith.cmpf ogt, %parallel_loop3A_995, %parallel_loop3A_963 : vector<16xf32>
        %parallel_loop3A_1022 = arith.select %parallel_loop3A_1021, %parallel_loop3A_185, %parallel_loop3A_183 : vector<16xi1>, vector<16xi32>
        %parallel_loop3A_1023 = arith.addi %parallel_loop3A_1020, %parallel_loop3A_1022 : vector<16xi32>
        %parallel_loop3A_1024 = arith.addi %parallel_loop3A_819, %parallel_loop3A_819 : vector<16xi32>
        %parallel_loop3A_1025 = arith.cmpf ogt, %parallel_loop3A_997, %parallel_loop3A_973 : vector<16xf32>
        %parallel_loop3A_1026 = arith.select %parallel_loop3A_1025, %parallel_loop3A_185, %parallel_loop3A_183 : vector<16xi1>, vector<16xi32>
        %parallel_loop3A_1027 = arith.addi %parallel_loop3A_1024, %parallel_loop3A_1026 : vector<16xi32>
        %parallel_loop3A_1028 = arith.addi %parallel_loop3A_823, %parallel_loop3A_823 : vector<16xi32>
        %parallel_loop3A_1029 = arith.cmpf ogt, %parallel_loop3A_999, %parallel_loop3A_983 : vector<16xf32>
        %parallel_loop3A_1030 = arith.select %parallel_loop3A_1029, %parallel_loop3A_185, %parallel_loop3A_183 : vector<16xi1>, vector<16xi32>
        %parallel_loop3A_1031 = arith.addi %parallel_loop3A_1028, %parallel_loop3A_1030 : vector<16xi32>
        %parallel_loop3A_1032 = arith.constant 15 : i32
        %parallel_loop3A_1033 = vector.broadcast %parallel_loop3A_1032 : i32 to vector<16xi32>
        %parallel_loop3A_1034 = arith.subi %parallel_loop3A_1003, %parallel_loop3A_1033 : vector<16xi32>
        %parallel_loop3A_1035 = arith.constant 15 : i32
        %parallel_loop3A_1036 = vector.broadcast %parallel_loop3A_1035 : i32 to vector<16xi32>
        %parallel_loop3A_1037 = arith.subi %parallel_loop3A_1007, %parallel_loop3A_1036 : vector<16xi32>
        %parallel_loop3A_1038 = arith.constant 15 : i32
        %parallel_loop3A_1039 = vector.broadcast %parallel_loop3A_1038 : i32 to vector<16xi32>
        %parallel_loop3A_1040 = arith.subi %parallel_loop3A_1011, %parallel_loop3A_1039 : vector<16xi32>
        %parallel_loop3A_1041 = arith.constant 15 : i32
        %parallel_loop3A_1042 = vector.broadcast %parallel_loop3A_1041 : i32 to vector<16xi32>
        %parallel_loop3A_1043 = arith.subi %parallel_loop3A_1015, %parallel_loop3A_1042 : vector<16xi32>
        %parallel_loop3A_1044 = arith.constant 15 : i32
        %parallel_loop3A_1045 = vector.broadcast %parallel_loop3A_1044 : i32 to vector<16xi32>
        %parallel_loop3A_1046 = arith.subi %parallel_loop3A_1019, %parallel_loop3A_1045 : vector<16xi32>
        %parallel_loop3A_1047 = arith.constant 15 : i32
        %parallel_loop3A_1048 = vector.broadcast %parallel_loop3A_1047 : i32 to vector<16xi32>
        %parallel_loop3A_1049 = arith.subi %parallel_loop3A_1023, %parallel_loop3A_1048 : vector<16xi32>
        %parallel_loop3A_1050 = arith.constant 15 : i32
        %parallel_loop3A_1051 = vector.broadcast %parallel_loop3A_1050 : i32 to vector<16xi32>
        %parallel_loop3A_1052 = arith.subi %parallel_loop3A_1027, %parallel_loop3A_1051 : vector<16xi32>
        %parallel_loop3A_1053 = arith.constant 15 : i32
        %parallel_loop3A_1054 = vector.broadcast %parallel_loop3A_1053 : i32 to vector<16xi32>
        %parallel_loop3A_1055 = arith.subi %parallel_loop3A_1031, %parallel_loop3A_1054 : vector<16xi32>
        %parallel_loop3A_1056 = arith.constant 0 : i32
        %parallel_loop3A_1057 = vector.broadcast %parallel_loop3A_1056 : i32 to vector<16xi32>
        %parallel_loop3A_1058 = arith.cmpi slt, %parallel_loop3A_1034, %parallel_loop3A_1057 : vector<16xi32>
        %parallel_loop3A_1059 = arith.constant 16 : i32
        %parallel_loop3A_1060 = vector.broadcast %parallel_loop3A_1059 : i32 to vector<16xi32>
        %parallel_loop3A_1061 = arith.addi %parallel_loop3A_1034, %parallel_loop3A_1060 : vector<16xi32>
        %parallel_loop3A_1062 = arith.select %parallel_loop3A_1058, %parallel_loop3A_1061, %parallel_loop3A_1034 : vector<16xi1>, vector<16xi32>
        %parallel_loop3A_1063 = vector.shape_cast %parallel_loop3A_1062 : vector<16xi32> to vector<16x1xi32>
        %parallel_loop3A_1064 = vector.shape_cast %parallel_loop3A_1063 : vector<16x1xi32> to vector<16xi32>
        %parallel_loop3A_1065 = tpu.dynamic_gather %parallel_loop3A_174[%parallel_loop3A_1064] in [0] : vector<16xi32>, vector<16xi32> -> vector<16xi32>
        %parallel_loop3A_1066 = arith.constant 0 : i32
        %parallel_loop3A_1067 = vector.broadcast %parallel_loop3A_1066 : i32 to vector<16xi32>
        %parallel_loop3A_1068 = arith.cmpi slt, %parallel_loop3A_1037, %parallel_loop3A_1067 : vector<16xi32>
        %parallel_loop3A_1069 = arith.constant 16 : i32
        %parallel_loop3A_1070 = vector.broadcast %parallel_loop3A_1069 : i32 to vector<16xi32>
        %parallel_loop3A_1071 = arith.addi %parallel_loop3A_1037, %parallel_loop3A_1070 : vector<16xi32>
        %parallel_loop3A_1072 = arith.select %parallel_loop3A_1068, %parallel_loop3A_1071, %parallel_loop3A_1037 : vector<16xi1>, vector<16xi32>
        %parallel_loop3A_1073 = vector.shape_cast %parallel_loop3A_1072 : vector<16xi32> to vector<16x1xi32>
        %parallel_loop3A_1074 = vector.shape_cast %parallel_loop3A_1073 : vector<16x1xi32> to vector<16xi32>
        %parallel_loop3A_1075 = tpu.dynamic_gather %parallel_loop3A_174[%parallel_loop3A_1074] in [0] : vector<16xi32>, vector<16xi32> -> vector<16xi32>
        %parallel_loop3A_1076 = arith.constant 0 : i32
        %parallel_loop3A_1077 = vector.broadcast %parallel_loop3A_1076 : i32 to vector<16xi32>
        %parallel_loop3A_1078 = arith.cmpi slt, %parallel_loop3A_1040, %parallel_loop3A_1077 : vector<16xi32>
        %parallel_loop3A_1079 = arith.constant 16 : i32
        %parallel_loop3A_1080 = vector.broadcast %parallel_loop3A_1079 : i32 to vector<16xi32>
        %parallel_loop3A_1081 = arith.addi %parallel_loop3A_1040, %parallel_loop3A_1080 : vector<16xi32>
        %parallel_loop3A_1082 = arith.select %parallel_loop3A_1078, %parallel_loop3A_1081, %parallel_loop3A_1040 : vector<16xi1>, vector<16xi32>
        %parallel_loop3A_1083 = vector.shape_cast %parallel_loop3A_1082 : vector<16xi32> to vector<16x1xi32>
        %parallel_loop3A_1084 = vector.shape_cast %parallel_loop3A_1083 : vector<16x1xi32> to vector<16xi32>
        %parallel_loop3A_1085 = tpu.dynamic_gather %parallel_loop3A_174[%parallel_loop3A_1084] in [0] : vector<16xi32>, vector<16xi32> -> vector<16xi32>
        %parallel_loop3A_1086 = arith.constant 0 : i32
        %parallel_loop3A_1087 = vector.broadcast %parallel_loop3A_1086 : i32 to vector<16xi32>
        %parallel_loop3A_1088 = arith.cmpi slt, %parallel_loop3A_1043, %parallel_loop3A_1087 : vector<16xi32>
        %parallel_loop3A_1089 = arith.constant 16 : i32
        %parallel_loop3A_1090 = vector.broadcast %parallel_loop3A_1089 : i32 to vector<16xi32>
        %parallel_loop3A_1091 = arith.addi %parallel_loop3A_1043, %parallel_loop3A_1090 : vector<16xi32>
        %parallel_loop3A_1092 = arith.select %parallel_loop3A_1088, %parallel_loop3A_1091, %parallel_loop3A_1043 : vector<16xi1>, vector<16xi32>
        %parallel_loop3A_1093 = vector.shape_cast %parallel_loop3A_1092 : vector<16xi32> to vector<16x1xi32>
        %parallel_loop3A_1094 = vector.shape_cast %parallel_loop3A_1093 : vector<16x1xi32> to vector<16xi32>
        %parallel_loop3A_1095 = tpu.dynamic_gather %parallel_loop3A_174[%parallel_loop3A_1094] in [0] : vector<16xi32>, vector<16xi32> -> vector<16xi32>
        %parallel_loop3A_1096 = arith.constant 0 : i32
        %parallel_loop3A_1097 = vector.broadcast %parallel_loop3A_1096 : i32 to vector<16xi32>
        %parallel_loop3A_1098 = arith.cmpi slt, %parallel_loop3A_1046, %parallel_loop3A_1097 : vector<16xi32>
        %parallel_loop3A_1099 = arith.constant 16 : i32
        %parallel_loop3A_1100 = vector.broadcast %parallel_loop3A_1099 : i32 to vector<16xi32>
        %parallel_loop3A_1101 = arith.addi %parallel_loop3A_1046, %parallel_loop3A_1100 : vector<16xi32>
        %parallel_loop3A_1102 = arith.select %parallel_loop3A_1098, %parallel_loop3A_1101, %parallel_loop3A_1046 : vector<16xi1>, vector<16xi32>
        %parallel_loop3A_1103 = vector.shape_cast %parallel_loop3A_1102 : vector<16xi32> to vector<16x1xi32>
        %parallel_loop3A_1104 = vector.shape_cast %parallel_loop3A_1103 : vector<16x1xi32> to vector<16xi32>
        %parallel_loop3A_1105 = tpu.dynamic_gather %parallel_loop3A_174[%parallel_loop3A_1104] in [0] : vector<16xi32>, vector<16xi32> -> vector<16xi32>
        %parallel_loop3A_1106 = arith.constant 0 : i32
        %parallel_loop3A_1107 = vector.broadcast %parallel_loop3A_1106 : i32 to vector<16xi32>
        %parallel_loop3A_1108 = arith.cmpi slt, %parallel_loop3A_1049, %parallel_loop3A_1107 : vector<16xi32>
        %parallel_loop3A_1109 = arith.constant 16 : i32
        %parallel_loop3A_1110 = vector.broadcast %parallel_loop3A_1109 : i32 to vector<16xi32>
        %parallel_loop3A_1111 = arith.addi %parallel_loop3A_1049, %parallel_loop3A_1110 : vector<16xi32>
        %parallel_loop3A_1112 = arith.select %parallel_loop3A_1108, %parallel_loop3A_1111, %parallel_loop3A_1049 : vector<16xi1>, vector<16xi32>
        %parallel_loop3A_1113 = vector.shape_cast %parallel_loop3A_1112 : vector<16xi32> to vector<16x1xi32>
        %parallel_loop3A_1114 = vector.shape_cast %parallel_loop3A_1113 : vector<16x1xi32> to vector<16xi32>
        %parallel_loop3A_1115 = tpu.dynamic_gather %parallel_loop3A_174[%parallel_loop3A_1114] in [0] : vector<16xi32>, vector<16xi32> -> vector<16xi32>
        %parallel_loop3A_1116 = arith.constant 0 : i32
        %parallel_loop3A_1117 = vector.broadcast %parallel_loop3A_1116 : i32 to vector<16xi32>
        %parallel_loop3A_1118 = arith.cmpi slt, %parallel_loop3A_1052, %parallel_loop3A_1117 : vector<16xi32>
        %parallel_loop3A_1119 = arith.constant 16 : i32
        %parallel_loop3A_1120 = vector.broadcast %parallel_loop3A_1119 : i32 to vector<16xi32>
        %parallel_loop3A_1121 = arith.addi %parallel_loop3A_1052, %parallel_loop3A_1120 : vector<16xi32>
        %parallel_loop3A_1122 = arith.select %parallel_loop3A_1118, %parallel_loop3A_1121, %parallel_loop3A_1052 : vector<16xi1>, vector<16xi32>
        %parallel_loop3A_1123 = vector.shape_cast %parallel_loop3A_1122 : vector<16xi32> to vector<16x1xi32>
        %parallel_loop3A_1124 = vector.shape_cast %parallel_loop3A_1123 : vector<16x1xi32> to vector<16xi32>
        %parallel_loop3A_1125 = tpu.dynamic_gather %parallel_loop3A_174[%parallel_loop3A_1124] in [0] : vector<16xi32>, vector<16xi32> -> vector<16xi32>
        %parallel_loop3A_1126 = arith.constant 0 : i32
        %parallel_loop3A_1127 = vector.broadcast %parallel_loop3A_1126 : i32 to vector<16xi32>
        %parallel_loop3A_1128 = arith.cmpi slt, %parallel_loop3A_1055, %parallel_loop3A_1127 : vector<16xi32>
        %parallel_loop3A_1129 = arith.constant 16 : i32
        %parallel_loop3A_1130 = vector.broadcast %parallel_loop3A_1129 : i32 to vector<16xi32>
        %parallel_loop3A_1131 = arith.addi %parallel_loop3A_1055, %parallel_loop3A_1130 : vector<16xi32>
        %parallel_loop3A_1132 = arith.select %parallel_loop3A_1128, %parallel_loop3A_1131, %parallel_loop3A_1055 : vector<16xi1>, vector<16xi32>
        %parallel_loop3A_1133 = vector.shape_cast %parallel_loop3A_1132 : vector<16xi32> to vector<16x1xi32>
        %parallel_loop3A_1134 = vector.shape_cast %parallel_loop3A_1133 : vector<16x1xi32> to vector<16xi32>
        %parallel_loop3A_1135 = tpu.dynamic_gather %parallel_loop3A_174[%parallel_loop3A_1134] in [0] : vector<16xi32>, vector<16xi32> -> vector<16xi32>
        %parallel_loop3A_1136 = arith.constant 0 : i32
        %parallel_loop3A_1137 = vector.broadcast %parallel_loop3A_1136 : i32 to vector<16xi32>
        %parallel_loop3A_1138 = arith.cmpi slt, %parallel_loop3A_1034, %parallel_loop3A_1137 : vector<16xi32>
        %parallel_loop3A_1139 = arith.constant 16 : i32
        %parallel_loop3A_1140 = vector.broadcast %parallel_loop3A_1139 : i32 to vector<16xi32>
        %parallel_loop3A_1141 = arith.addi %parallel_loop3A_1034, %parallel_loop3A_1140 : vector<16xi32>
        %parallel_loop3A_1142 = arith.select %parallel_loop3A_1138, %parallel_loop3A_1141, %parallel_loop3A_1034 : vector<16xi1>, vector<16xi32>
        %parallel_loop3A_1143 = vector.shape_cast %parallel_loop3A_1142 : vector<16xi32> to vector<16x1xi32>
        %parallel_loop3A_1144 = vector.shape_cast %parallel_loop3A_1143 : vector<16x1xi32> to vector<16xi32>
        %parallel_loop3A_1145 = tpu.dynamic_gather %parallel_loop3A_178[%parallel_loop3A_1144] in [0] : vector<16xf32>, vector<16xi32> -> vector<16xf32>
        %parallel_loop3A_1146 = arith.constant 0 : i32
        %parallel_loop3A_1147 = vector.broadcast %parallel_loop3A_1146 : i32 to vector<16xi32>
        %parallel_loop3A_1148 = arith.cmpi slt, %parallel_loop3A_1037, %parallel_loop3A_1147 : vector<16xi32>
        %parallel_loop3A_1149 = arith.constant 16 : i32
        %parallel_loop3A_1150 = vector.broadcast %parallel_loop3A_1149 : i32 to vector<16xi32>
        %parallel_loop3A_1151 = arith.addi %parallel_loop3A_1037, %parallel_loop3A_1150 : vector<16xi32>
        %parallel_loop3A_1152 = arith.select %parallel_loop3A_1148, %parallel_loop3A_1151, %parallel_loop3A_1037 : vector<16xi1>, vector<16xi32>
        %parallel_loop3A_1153 = vector.shape_cast %parallel_loop3A_1152 : vector<16xi32> to vector<16x1xi32>
        %parallel_loop3A_1154 = vector.shape_cast %parallel_loop3A_1153 : vector<16x1xi32> to vector<16xi32>
        %parallel_loop3A_1155 = tpu.dynamic_gather %parallel_loop3A_178[%parallel_loop3A_1154] in [0] : vector<16xf32>, vector<16xi32> -> vector<16xf32>
        %parallel_loop3A_1156 = arith.constant 0 : i32
        %parallel_loop3A_1157 = vector.broadcast %parallel_loop3A_1156 : i32 to vector<16xi32>
        %parallel_loop3A_1158 = arith.cmpi slt, %parallel_loop3A_1040, %parallel_loop3A_1157 : vector<16xi32>
        %parallel_loop3A_1159 = arith.constant 16 : i32
        %parallel_loop3A_1160 = vector.broadcast %parallel_loop3A_1159 : i32 to vector<16xi32>
        %parallel_loop3A_1161 = arith.addi %parallel_loop3A_1040, %parallel_loop3A_1160 : vector<16xi32>
        %parallel_loop3A_1162 = arith.select %parallel_loop3A_1158, %parallel_loop3A_1161, %parallel_loop3A_1040 : vector<16xi1>, vector<16xi32>
        %parallel_loop3A_1163 = vector.shape_cast %parallel_loop3A_1162 : vector<16xi32> to vector<16x1xi32>
        %parallel_loop3A_1164 = vector.shape_cast %parallel_loop3A_1163 : vector<16x1xi32> to vector<16xi32>
        %parallel_loop3A_1165 = tpu.dynamic_gather %parallel_loop3A_178[%parallel_loop3A_1164] in [0] : vector<16xf32>, vector<16xi32> -> vector<16xf32>
        %parallel_loop3A_1166 = arith.constant 0 : i32
        %parallel_loop3A_1167 = vector.broadcast %parallel_loop3A_1166 : i32 to vector<16xi32>
        %parallel_loop3A_1168 = arith.cmpi slt, %parallel_loop3A_1043, %parallel_loop3A_1167 : vector<16xi32>
        %parallel_loop3A_1169 = arith.constant 16 : i32
        %parallel_loop3A_1170 = vector.broadcast %parallel_loop3A_1169 : i32 to vector<16xi32>
        %parallel_loop3A_1171 = arith.addi %parallel_loop3A_1043, %parallel_loop3A_1170 : vector<16xi32>
        %parallel_loop3A_1172 = arith.select %parallel_loop3A_1168, %parallel_loop3A_1171, %parallel_loop3A_1043 : vector<16xi1>, vector<16xi32>
        %parallel_loop3A_1173 = vector.shape_cast %parallel_loop3A_1172 : vector<16xi32> to vector<16x1xi32>
        %parallel_loop3A_1174 = vector.shape_cast %parallel_loop3A_1173 : vector<16x1xi32> to vector<16xi32>
        %parallel_loop3A_1175 = tpu.dynamic_gather %parallel_loop3A_178[%parallel_loop3A_1174] in [0] : vector<16xf32>, vector<16xi32> -> vector<16xf32>
        %parallel_loop3A_1176 = arith.constant 0 : i32
        %parallel_loop3A_1177 = vector.broadcast %parallel_loop3A_1176 : i32 to vector<16xi32>
        %parallel_loop3A_1178 = arith.cmpi slt, %parallel_loop3A_1046, %parallel_loop3A_1177 : vector<16xi32>
        %parallel_loop3A_1179 = arith.constant 16 : i32
        %parallel_loop3A_1180 = vector.broadcast %parallel_loop3A_1179 : i32 to vector<16xi32>
        %parallel_loop3A_1181 = arith.addi %parallel_loop3A_1046, %parallel_loop3A_1180 : vector<16xi32>
        %parallel_loop3A_1182 = arith.select %parallel_loop3A_1178, %parallel_loop3A_1181, %parallel_loop3A_1046 : vector<16xi1>, vector<16xi32>
        %parallel_loop3A_1183 = vector.shape_cast %parallel_loop3A_1182 : vector<16xi32> to vector<16x1xi32>
        %parallel_loop3A_1184 = vector.shape_cast %parallel_loop3A_1183 : vector<16x1xi32> to vector<16xi32>
        %parallel_loop3A_1185 = tpu.dynamic_gather %parallel_loop3A_178[%parallel_loop3A_1184] in [0] : vector<16xf32>, vector<16xi32> -> vector<16xf32>
        %parallel_loop3A_1186 = arith.constant 0 : i32
        %parallel_loop3A_1187 = vector.broadcast %parallel_loop3A_1186 : i32 to vector<16xi32>
        %parallel_loop3A_1188 = arith.cmpi slt, %parallel_loop3A_1049, %parallel_loop3A_1187 : vector<16xi32>
        %parallel_loop3A_1189 = arith.constant 16 : i32
        %parallel_loop3A_1190 = vector.broadcast %parallel_loop3A_1189 : i32 to vector<16xi32>
        %parallel_loop3A_1191 = arith.addi %parallel_loop3A_1049, %parallel_loop3A_1190 : vector<16xi32>
        %parallel_loop3A_1192 = arith.select %parallel_loop3A_1188, %parallel_loop3A_1191, %parallel_loop3A_1049 : vector<16xi1>, vector<16xi32>
        %parallel_loop3A_1193 = vector.shape_cast %parallel_loop3A_1192 : vector<16xi32> to vector<16x1xi32>
        %parallel_loop3A_1194 = vector.shape_cast %parallel_loop3A_1193 : vector<16x1xi32> to vector<16xi32>
        %parallel_loop3A_1195 = tpu.dynamic_gather %parallel_loop3A_178[%parallel_loop3A_1194] in [0] : vector<16xf32>, vector<16xi32> -> vector<16xf32>
        %parallel_loop3A_1196 = arith.constant 0 : i32
        %parallel_loop3A_1197 = vector.broadcast %parallel_loop3A_1196 : i32 to vector<16xi32>
        %parallel_loop3A_1198 = arith.cmpi slt, %parallel_loop3A_1052, %parallel_loop3A_1197 : vector<16xi32>
        %parallel_loop3A_1199 = arith.constant 16 : i32
        %parallel_loop3A_1200 = vector.broadcast %parallel_loop3A_1199 : i32 to vector<16xi32>
        %parallel_loop3A_1201 = arith.addi %parallel_loop3A_1052, %parallel_loop3A_1200 : vector<16xi32>
        %parallel_loop3A_1202 = arith.select %parallel_loop3A_1198, %parallel_loop3A_1201, %parallel_loop3A_1052 : vector<16xi1>, vector<16xi32>
        %parallel_loop3A_1203 = vector.shape_cast %parallel_loop3A_1202 : vector<16xi32> to vector<16x1xi32>
        %parallel_loop3A_1204 = vector.shape_cast %parallel_loop3A_1203 : vector<16x1xi32> to vector<16xi32>
        %parallel_loop3A_1205 = tpu.dynamic_gather %parallel_loop3A_178[%parallel_loop3A_1204] in [0] : vector<16xf32>, vector<16xi32> -> vector<16xf32>
        %parallel_loop3A_1206 = arith.constant 0 : i32
        %parallel_loop3A_1207 = vector.broadcast %parallel_loop3A_1206 : i32 to vector<16xi32>
        %parallel_loop3A_1208 = arith.cmpi slt, %parallel_loop3A_1055, %parallel_loop3A_1207 : vector<16xi32>
        %parallel_loop3A_1209 = arith.constant 16 : i32
        %parallel_loop3A_1210 = vector.broadcast %parallel_loop3A_1209 : i32 to vector<16xi32>
        %parallel_loop3A_1211 = arith.addi %parallel_loop3A_1055, %parallel_loop3A_1210 : vector<16xi32>
        %parallel_loop3A_1212 = arith.select %parallel_loop3A_1208, %parallel_loop3A_1211, %parallel_loop3A_1055 : vector<16xi1>, vector<16xi32>
        %parallel_loop3A_1213 = vector.shape_cast %parallel_loop3A_1212 : vector<16xi32> to vector<16x1xi32>
        %parallel_loop3A_1214 = vector.shape_cast %parallel_loop3A_1213 : vector<16x1xi32> to vector<16xi32>
        %parallel_loop3A_1215 = tpu.dynamic_gather %parallel_loop3A_178[%parallel_loop3A_1214] in [0] : vector<16xf32>, vector<16xi32> -> vector<16xf32>
        %parallel_loop3A_1216 = arith.addi %mul3A_33, %parallel_loop3A_1065 : vector<16xi32>
        %parallel_loop3A_1217 = tpu.vector_load_idx %arg7[%parallel_loop3A_1216] : memref<32896xf32, #tpu.memory_space<vmem>>[vector<16xi32>], vector<16xf32>,
        %parallel_loop3A_1218 = arith.addi %mul3A_39, %parallel_loop3A_1075 : vector<16xi32>
        %parallel_loop3A_1219 = tpu.vector_load_idx %arg7[%parallel_loop3A_1218] : memref<32896xf32, #tpu.memory_space<vmem>>[vector<16xi32>], vector<16xf32>,
        %parallel_loop3A_1220 = arith.addi %mul3A_45, %parallel_loop3A_1085 : vector<16xi32>
        %parallel_loop3A_1221 = tpu.vector_load_idx %arg7[%parallel_loop3A_1220] : memref<32896xf32, #tpu.memory_space<vmem>>[vector<16xi32>], vector<16xf32>,
        %parallel_loop3A_1222 = arith.addi %mul3A_51, %parallel_loop3A_1095 : vector<16xi32>
        %parallel_loop3A_1223 = tpu.vector_load_idx %arg7[%parallel_loop3A_1222] : memref<32896xf32, #tpu.memory_space<vmem>>[vector<16xi32>], vector<16xf32>,
        %parallel_loop3A_1224 = arith.addi %mul3A_57, %parallel_loop3A_1105 : vector<16xi32>
        %parallel_loop3A_1225 = tpu.vector_load_idx %arg7[%parallel_loop3A_1224] : memref<32896xf32, #tpu.memory_space<vmem>>[vector<16xi32>], vector<16xf32>,
        %parallel_loop3A_1226 = arith.addi %mul3A_63, %parallel_loop3A_1115 : vector<16xi32>
        %parallel_loop3A_1227 = tpu.vector_load_idx %arg7[%parallel_loop3A_1226] : memref<32896xf32, #tpu.memory_space<vmem>>[vector<16xi32>], vector<16xf32>,
        %parallel_loop3A_1228 = arith.addi %mul3A_69, %parallel_loop3A_1125 : vector<16xi32>
        %parallel_loop3A_1229 = tpu.vector_load_idx %arg7[%parallel_loop3A_1228] : memref<32896xf32, #tpu.memory_space<vmem>>[vector<16xi32>], vector<16xf32>,
        %parallel_loop3A_1230 = arith.addi %mul3A_75, %parallel_loop3A_1135 : vector<16xi32>
        %parallel_loop3A_1231 = tpu.vector_load_idx %arg7[%parallel_loop3A_1230] : memref<32896xf32, #tpu.memory_space<vmem>>[vector<16xi32>], vector<16xf32>,
        %parallel_loop3A_1232 = arith.addi %parallel_loop3A_1003, %parallel_loop3A_1003 : vector<16xi32>
        %parallel_loop3A_1233 = arith.cmpf ogt, %parallel_loop3A_1217, %parallel_loop3A_1145 : vector<16xf32>
        %parallel_loop3A_1234 = arith.select %parallel_loop3A_1233, %parallel_loop3A_185, %parallel_loop3A_183 : vector<16xi1>, vector<16xi32>
        %parallel_loop3A_1235 = arith.addi %parallel_loop3A_1232, %parallel_loop3A_1234 : vector<16xi32>
        %parallel_loop3A_1236 = arith.addi %parallel_loop3A_1007, %parallel_loop3A_1007 : vector<16xi32>
        %parallel_loop3A_1237 = arith.cmpf ogt, %parallel_loop3A_1219, %parallel_loop3A_1155 : vector<16xf32>
        %parallel_loop3A_1238 = arith.select %parallel_loop3A_1237, %parallel_loop3A_185, %parallel_loop3A_183 : vector<16xi1>, vector<16xi32>
        %parallel_loop3A_1239 = arith.addi %parallel_loop3A_1236, %parallel_loop3A_1238 : vector<16xi32>
        %parallel_loop3A_1240 = arith.addi %parallel_loop3A_1011, %parallel_loop3A_1011 : vector<16xi32>
        %parallel_loop3A_1241 = arith.cmpf ogt, %parallel_loop3A_1221, %parallel_loop3A_1165 : vector<16xf32>
        %parallel_loop3A_1242 = arith.select %parallel_loop3A_1241, %parallel_loop3A_185, %parallel_loop3A_183 : vector<16xi1>, vector<16xi32>
        %parallel_loop3A_1243 = arith.addi %parallel_loop3A_1240, %parallel_loop3A_1242 : vector<16xi32>
        %parallel_loop3A_1244 = arith.addi %parallel_loop3A_1015, %parallel_loop3A_1015 : vector<16xi32>
        %parallel_loop3A_1245 = arith.cmpf ogt, %parallel_loop3A_1223, %parallel_loop3A_1175 : vector<16xf32>
        %parallel_loop3A_1246 = arith.select %parallel_loop3A_1245, %parallel_loop3A_185, %parallel_loop3A_183 : vector<16xi1>, vector<16xi32>
        %parallel_loop3A_1247 = arith.addi %parallel_loop3A_1244, %parallel_loop3A_1246 : vector<16xi32>
        %parallel_loop3A_1248 = arith.addi %parallel_loop3A_1019, %parallel_loop3A_1019 : vector<16xi32>
        %parallel_loop3A_1249 = arith.cmpf ogt, %parallel_loop3A_1225, %parallel_loop3A_1185 : vector<16xf32>
        %parallel_loop3A_1250 = arith.select %parallel_loop3A_1249, %parallel_loop3A_185, %parallel_loop3A_183 : vector<16xi1>, vector<16xi32>
        %parallel_loop3A_1251 = arith.addi %parallel_loop3A_1248, %parallel_loop3A_1250 : vector<16xi32>
        %parallel_loop3A_1252 = arith.addi %parallel_loop3A_1023, %parallel_loop3A_1023 : vector<16xi32>
        %parallel_loop3A_1253 = arith.cmpf ogt, %parallel_loop3A_1227, %parallel_loop3A_1195 : vector<16xf32>
        %parallel_loop3A_1254 = arith.select %parallel_loop3A_1253, %parallel_loop3A_185, %parallel_loop3A_183 : vector<16xi1>, vector<16xi32>
        %parallel_loop3A_1255 = arith.addi %parallel_loop3A_1252, %parallel_loop3A_1254 : vector<16xi32>
        %parallel_loop3A_1256 = arith.addi %parallel_loop3A_1027, %parallel_loop3A_1027 : vector<16xi32>
        %parallel_loop3A_1257 = arith.cmpf ogt, %parallel_loop3A_1229, %parallel_loop3A_1205 : vector<16xf32>
        %parallel_loop3A_1258 = arith.select %parallel_loop3A_1257, %parallel_loop3A_185, %parallel_loop3A_183 : vector<16xi1>, vector<16xi32>
        %parallel_loop3A_1259 = arith.addi %parallel_loop3A_1256, %parallel_loop3A_1258 : vector<16xi32>
        %parallel_loop3A_1260 = arith.addi %parallel_loop3A_1031, %parallel_loop3A_1031 : vector<16xi32>
        %parallel_loop3A_1261 = arith.cmpf ogt, %parallel_loop3A_1231, %parallel_loop3A_1215 : vector<16xf32>
        %parallel_loop3A_1262 = arith.select %parallel_loop3A_1261, %parallel_loop3A_185, %parallel_loop3A_183 : vector<16xi1>, vector<16xi32>
        %parallel_loop3A_1263 = arith.addi %parallel_loop3A_1260, %parallel_loop3A_1262 : vector<16xi32>
        %parallel_loop3A_1264 = arith.addi %parallel_loop3A_1235, %parallel_loop3A_181 : vector<16xi32>
        %parallel_loop3A_1265 = arith.addi %parallel_loop3A_1239, %parallel_loop3A_181 : vector<16xi32>
        %parallel_loop3A_1266 = arith.addi %parallel_loop3A_1243, %parallel_loop3A_181 : vector<16xi32>
        %parallel_loop3A_1267 = arith.addi %parallel_loop3A_1247, %parallel_loop3A_181 : vector<16xi32>
        %parallel_loop3A_1268 = arith.addi %parallel_loop3A_1251, %parallel_loop3A_181 : vector<16xi32>
        %parallel_loop3A_1269 = arith.addi %parallel_loop3A_1255, %parallel_loop3A_181 : vector<16xi32>
        %parallel_loop3A_1270 = arith.addi %parallel_loop3A_1259, %parallel_loop3A_181 : vector<16xi32>
        %parallel_loop3A_1271 = arith.addi %parallel_loop3A_1263, %parallel_loop3A_181 : vector<16xi32>
        %parallel_loop3A_1272 = tpu.vector_load_idx %arg8[%parallel_loop3A_1264] : memref<10880xi32, #tpu.memory_space<vmem>>[vector<16xi32>], vector<16xi32>,
        %parallel_loop3A_1273 = tpu.vector_load_idx %arg8[%parallel_loop3A_1265] : memref<10880xi32, #tpu.memory_space<vmem>>[vector<16xi32>], vector<16xi32>,
        %parallel_loop3A_1274 = tpu.vector_load_idx %arg8[%parallel_loop3A_1266] : memref<10880xi32, #tpu.memory_space<vmem>>[vector<16xi32>], vector<16xi32>,
        %parallel_loop3A_1275 = tpu.vector_load_idx %arg8[%parallel_loop3A_1267] : memref<10880xi32, #tpu.memory_space<vmem>>[vector<16xi32>], vector<16xi32>,
        %parallel_loop3A_1276 = tpu.vector_load_idx %arg8[%parallel_loop3A_1268] : memref<10880xi32, #tpu.memory_space<vmem>>[vector<16xi32>], vector<16xi32>,
        %parallel_loop3A_1277 = tpu.vector_load_idx %arg8[%parallel_loop3A_1269] : memref<10880xi32, #tpu.memory_space<vmem>>[vector<16xi32>], vector<16xi32>,
        %parallel_loop3A_1278 = tpu.vector_load_idx %arg8[%parallel_loop3A_1270] : memref<10880xi32, #tpu.memory_space<vmem>>[vector<16xi32>], vector<16xi32>,
        %parallel_loop3A_1279 = tpu.vector_load_idx %arg8[%parallel_loop3A_1271] : memref<10880xi32, #tpu.memory_space<vmem>>[vector<16xi32>], vector<16xi32>,
        %parallel_loop3A_1280 = tpu.vector_load_idx %arg9[%parallel_loop3A_1264] : memref<10880xf32, #tpu.memory_space<vmem>>[vector<16xi32>], vector<16xf32>,
        %parallel_loop3A_1281 = tpu.vector_load_idx %arg9[%parallel_loop3A_1265] : memref<10880xf32, #tpu.memory_space<vmem>>[vector<16xi32>], vector<16xf32>,
        %parallel_loop3A_1282 = tpu.vector_load_idx %arg9[%parallel_loop3A_1266] : memref<10880xf32, #tpu.memory_space<vmem>>[vector<16xi32>], vector<16xf32>,
        %parallel_loop3A_1283 = tpu.vector_load_idx %arg9[%parallel_loop3A_1267] : memref<10880xf32, #tpu.memory_space<vmem>>[vector<16xi32>], vector<16xf32>,
        %parallel_loop3A_1284 = tpu.vector_load_idx %arg9[%parallel_loop3A_1268] : memref<10880xf32, #tpu.memory_space<vmem>>[vector<16xi32>], vector<16xf32>,
        %parallel_loop3A_1285 = tpu.vector_load_idx %arg9[%parallel_loop3A_1269] : memref<10880xf32, #tpu.memory_space<vmem>>[vector<16xi32>], vector<16xf32>,
        %parallel_loop3A_1286 = tpu.vector_load_idx %arg9[%parallel_loop3A_1270] : memref<10880xf32, #tpu.memory_space<vmem>>[vector<16xi32>], vector<16xf32>,
        %parallel_loop3A_1287 = tpu.vector_load_idx %arg9[%parallel_loop3A_1271] : memref<10880xf32, #tpu.memory_space<vmem>>[vector<16xi32>], vector<16xf32>,
        %parallel_loop3A_1288 = arith.addi %mul3A_33, %parallel_loop3A_1272 : vector<16xi32>
        %parallel_loop3A_1289 = tpu.vector_load_idx %arg7[%parallel_loop3A_1288] : memref<32896xf32, #tpu.memory_space<vmem>>[vector<16xi32>], vector<16xf32>,
        %parallel_loop3A_1290 = arith.addi %mul3A_39, %parallel_loop3A_1273 : vector<16xi32>
        %parallel_loop3A_1291 = tpu.vector_load_idx %arg7[%parallel_loop3A_1290] : memref<32896xf32, #tpu.memory_space<vmem>>[vector<16xi32>], vector<16xf32>,
        %parallel_loop3A_1292 = arith.addi %mul3A_45, %parallel_loop3A_1274 : vector<16xi32>
        %parallel_loop3A_1293 = tpu.vector_load_idx %arg7[%parallel_loop3A_1292] : memref<32896xf32, #tpu.memory_space<vmem>>[vector<16xi32>], vector<16xf32>,
        %parallel_loop3A_1294 = arith.addi %mul3A_51, %parallel_loop3A_1275 : vector<16xi32>
        %parallel_loop3A_1295 = tpu.vector_load_idx %arg7[%parallel_loop3A_1294] : memref<32896xf32, #tpu.memory_space<vmem>>[vector<16xi32>], vector<16xf32>,
        %parallel_loop3A_1296 = arith.addi %mul3A_57, %parallel_loop3A_1276 : vector<16xi32>
        %parallel_loop3A_1297 = tpu.vector_load_idx %arg7[%parallel_loop3A_1296] : memref<32896xf32, #tpu.memory_space<vmem>>[vector<16xi32>], vector<16xf32>,
        %parallel_loop3A_1298 = arith.addi %mul3A_63, %parallel_loop3A_1277 : vector<16xi32>
        %parallel_loop3A_1299 = tpu.vector_load_idx %arg7[%parallel_loop3A_1298] : memref<32896xf32, #tpu.memory_space<vmem>>[vector<16xi32>], vector<16xf32>,
        %parallel_loop3A_1300 = arith.addi %mul3A_69, %parallel_loop3A_1278 : vector<16xi32>
        %parallel_loop3A_1301 = tpu.vector_load_idx %arg7[%parallel_loop3A_1300] : memref<32896xf32, #tpu.memory_space<vmem>>[vector<16xi32>], vector<16xf32>,
        %parallel_loop3A_1302 = arith.addi %mul3A_75, %parallel_loop3A_1279 : vector<16xi32>
        %parallel_loop3A_1303 = tpu.vector_load_idx %arg7[%parallel_loop3A_1302] : memref<32896xf32, #tpu.memory_space<vmem>>[vector<16xi32>], vector<16xf32>,
        %parallel_loop3A_1304 = arith.addi %parallel_loop3A_1235, %parallel_loop3A_1235 : vector<16xi32>
        %parallel_loop3A_1305 = arith.cmpf ogt, %parallel_loop3A_1289, %parallel_loop3A_1280 : vector<16xf32>
        %parallel_loop3A_1306 = arith.select %parallel_loop3A_1305, %parallel_loop3A_185, %parallel_loop3A_183 : vector<16xi1>, vector<16xi32>
        %parallel_loop3A_1307 = arith.addi %parallel_loop3A_1304, %parallel_loop3A_1306 : vector<16xi32>
        %parallel_loop3A_1308 = arith.addi %parallel_loop3A_1239, %parallel_loop3A_1239 : vector<16xi32>
        %parallel_loop3A_1309 = arith.cmpf ogt, %parallel_loop3A_1291, %parallel_loop3A_1281 : vector<16xf32>
        %parallel_loop3A_1310 = arith.select %parallel_loop3A_1309, %parallel_loop3A_185, %parallel_loop3A_183 : vector<16xi1>, vector<16xi32>
        %parallel_loop3A_1311 = arith.addi %parallel_loop3A_1308, %parallel_loop3A_1310 : vector<16xi32>
        %parallel_loop3A_1312 = arith.addi %parallel_loop3A_1243, %parallel_loop3A_1243 : vector<16xi32>
        %parallel_loop3A_1313 = arith.cmpf ogt, %parallel_loop3A_1293, %parallel_loop3A_1282 : vector<16xf32>
        %parallel_loop3A_1314 = arith.select %parallel_loop3A_1313, %parallel_loop3A_185, %parallel_loop3A_183 : vector<16xi1>, vector<16xi32>
        %parallel_loop3A_1315 = arith.addi %parallel_loop3A_1312, %parallel_loop3A_1314 : vector<16xi32>
        %parallel_loop3A_1316 = arith.addi %parallel_loop3A_1247, %parallel_loop3A_1247 : vector<16xi32>
        %parallel_loop3A_1317 = arith.cmpf ogt, %parallel_loop3A_1295, %parallel_loop3A_1283 : vector<16xf32>
        %parallel_loop3A_1318 = arith.select %parallel_loop3A_1317, %parallel_loop3A_185, %parallel_loop3A_183 : vector<16xi1>, vector<16xi32>
        %parallel_loop3A_1319 = arith.addi %parallel_loop3A_1316, %parallel_loop3A_1318 : vector<16xi32>
        %parallel_loop3A_1320 = arith.addi %parallel_loop3A_1251, %parallel_loop3A_1251 : vector<16xi32>
        %parallel_loop3A_1321 = arith.cmpf ogt, %parallel_loop3A_1297, %parallel_loop3A_1284 : vector<16xf32>
        %parallel_loop3A_1322 = arith.select %parallel_loop3A_1321, %parallel_loop3A_185, %parallel_loop3A_183 : vector<16xi1>, vector<16xi32>
        %parallel_loop3A_1323 = arith.addi %parallel_loop3A_1320, %parallel_loop3A_1322 : vector<16xi32>
        %parallel_loop3A_1324 = arith.addi %parallel_loop3A_1255, %parallel_loop3A_1255 : vector<16xi32>
        %parallel_loop3A_1325 = arith.cmpf ogt, %parallel_loop3A_1299, %parallel_loop3A_1285 : vector<16xf32>
        %parallel_loop3A_1326 = arith.select %parallel_loop3A_1325, %parallel_loop3A_185, %parallel_loop3A_183 : vector<16xi1>, vector<16xi32>
        %parallel_loop3A_1327 = arith.addi %parallel_loop3A_1324, %parallel_loop3A_1326 : vector<16xi32>
        %parallel_loop3A_1328 = arith.addi %parallel_loop3A_1259, %parallel_loop3A_1259 : vector<16xi32>
        %parallel_loop3A_1329 = arith.cmpf ogt, %parallel_loop3A_1301, %parallel_loop3A_1286 : vector<16xf32>
        %parallel_loop3A_1330 = arith.select %parallel_loop3A_1329, %parallel_loop3A_185, %parallel_loop3A_183 : vector<16xi1>, vector<16xi32>
        %parallel_loop3A_1331 = arith.addi %parallel_loop3A_1328, %parallel_loop3A_1330 : vector<16xi32>
        %parallel_loop3A_1332 = arith.addi %parallel_loop3A_1263, %parallel_loop3A_1263 : vector<16xi32>
        %parallel_loop3A_1333 = arith.cmpf ogt, %parallel_loop3A_1303, %parallel_loop3A_1287 : vector<16xf32>
        %parallel_loop3A_1334 = arith.select %parallel_loop3A_1333, %parallel_loop3A_185, %parallel_loop3A_183 : vector<16xi1>, vector<16xi32>
        %parallel_loop3A_1335 = arith.addi %parallel_loop3A_1332, %parallel_loop3A_1334 : vector<16xi32>
        %parallel_loop3A_1336 = arith.addi %parallel_loop3A_1307, %parallel_loop3A_181 : vector<16xi32>
        %parallel_loop3A_1337 = arith.addi %parallel_loop3A_1311, %parallel_loop3A_181 : vector<16xi32>
        %parallel_loop3A_1338 = arith.addi %parallel_loop3A_1315, %parallel_loop3A_181 : vector<16xi32>
        %parallel_loop3A_1339 = arith.addi %parallel_loop3A_1319, %parallel_loop3A_181 : vector<16xi32>
        %parallel_loop3A_1340 = arith.addi %parallel_loop3A_1323, %parallel_loop3A_181 : vector<16xi32>
        %parallel_loop3A_1341 = arith.addi %parallel_loop3A_1327, %parallel_loop3A_181 : vector<16xi32>
        %parallel_loop3A_1342 = arith.addi %parallel_loop3A_1331, %parallel_loop3A_181 : vector<16xi32>
        %parallel_loop3A_1343 = arith.addi %parallel_loop3A_1335, %parallel_loop3A_181 : vector<16xi32>
        %parallel_loop3A_1344 = tpu.vector_load_idx %arg8[%parallel_loop3A_1336] : memref<10880xi32, #tpu.memory_space<vmem>>[vector<16xi32>], vector<16xi32>,
        %parallel_loop3A_1345 = tpu.vector_load_idx %arg8[%parallel_loop3A_1337] : memref<10880xi32, #tpu.memory_space<vmem>>[vector<16xi32>], vector<16xi32>,
        %parallel_loop3A_1346 = tpu.vector_load_idx %arg8[%parallel_loop3A_1338] : memref<10880xi32, #tpu.memory_space<vmem>>[vector<16xi32>], vector<16xi32>,
        %parallel_loop3A_1347 = tpu.vector_load_idx %arg8[%parallel_loop3A_1339] : memref<10880xi32, #tpu.memory_space<vmem>>[vector<16xi32>], vector<16xi32>,
        %parallel_loop3A_1348 = tpu.vector_load_idx %arg8[%parallel_loop3A_1340] : memref<10880xi32, #tpu.memory_space<vmem>>[vector<16xi32>], vector<16xi32>,
        %parallel_loop3A_1349 = tpu.vector_load_idx %arg8[%parallel_loop3A_1341] : memref<10880xi32, #tpu.memory_space<vmem>>[vector<16xi32>], vector<16xi32>,
        %parallel_loop3A_1350 = tpu.vector_load_idx %arg8[%parallel_loop3A_1342] : memref<10880xi32, #tpu.memory_space<vmem>>[vector<16xi32>], vector<16xi32>,
        %parallel_loop3A_1351 = tpu.vector_load_idx %arg8[%parallel_loop3A_1343] : memref<10880xi32, #tpu.memory_space<vmem>>[vector<16xi32>], vector<16xi32>,
        %parallel_loop3A_1352 = tpu.vector_load_idx %arg9[%parallel_loop3A_1336] : memref<10880xf32, #tpu.memory_space<vmem>>[vector<16xi32>], vector<16xf32>,
        %parallel_loop3A_1353 = tpu.vector_load_idx %arg9[%parallel_loop3A_1337] : memref<10880xf32, #tpu.memory_space<vmem>>[vector<16xi32>], vector<16xf32>,
        %parallel_loop3A_1354 = tpu.vector_load_idx %arg9[%parallel_loop3A_1338] : memref<10880xf32, #tpu.memory_space<vmem>>[vector<16xi32>], vector<16xf32>,
        %parallel_loop3A_1355 = tpu.vector_load_idx %arg9[%parallel_loop3A_1339] : memref<10880xf32, #tpu.memory_space<vmem>>[vector<16xi32>], vector<16xf32>,
        %parallel_loop3A_1356 = tpu.vector_load_idx %arg9[%parallel_loop3A_1340] : memref<10880xf32, #tpu.memory_space<vmem>>[vector<16xi32>], vector<16xf32>,
        %parallel_loop3A_1357 = tpu.vector_load_idx %arg9[%parallel_loop3A_1341] : memref<10880xf32, #tpu.memory_space<vmem>>[vector<16xi32>], vector<16xf32>,
        %parallel_loop3A_1358 = tpu.vector_load_idx %arg9[%parallel_loop3A_1342] : memref<10880xf32, #tpu.memory_space<vmem>>[vector<16xi32>], vector<16xf32>,
        %parallel_loop3A_1359 = tpu.vector_load_idx %arg9[%parallel_loop3A_1343] : memref<10880xf32, #tpu.memory_space<vmem>>[vector<16xi32>], vector<16xf32>,
        %parallel_loop3A_1360 = arith.addi %mul3A_33, %parallel_loop3A_1344 : vector<16xi32>
        %parallel_loop3A_1361 = tpu.vector_load_idx %arg7[%parallel_loop3A_1360] : memref<32896xf32, #tpu.memory_space<vmem>>[vector<16xi32>], vector<16xf32>,
        %parallel_loop3A_1362 = arith.addi %mul3A_39, %parallel_loop3A_1345 : vector<16xi32>
        %parallel_loop3A_1363 = tpu.vector_load_idx %arg7[%parallel_loop3A_1362] : memref<32896xf32, #tpu.memory_space<vmem>>[vector<16xi32>], vector<16xf32>,
        %parallel_loop3A_1364 = arith.addi %mul3A_45, %parallel_loop3A_1346 : vector<16xi32>
        %parallel_loop3A_1365 = tpu.vector_load_idx %arg7[%parallel_loop3A_1364] : memref<32896xf32, #tpu.memory_space<vmem>>[vector<16xi32>], vector<16xf32>,
        %parallel_loop3A_1366 = arith.addi %mul3A_51, %parallel_loop3A_1347 : vector<16xi32>
        %parallel_loop3A_1367 = tpu.vector_load_idx %arg7[%parallel_loop3A_1366] : memref<32896xf32, #tpu.memory_space<vmem>>[vector<16xi32>], vector<16xf32>,
        %parallel_loop3A_1368 = arith.addi %mul3A_57, %parallel_loop3A_1348 : vector<16xi32>
        %parallel_loop3A_1369 = tpu.vector_load_idx %arg7[%parallel_loop3A_1368] : memref<32896xf32, #tpu.memory_space<vmem>>[vector<16xi32>], vector<16xf32>,
        %parallel_loop3A_1370 = arith.addi %mul3A_63, %parallel_loop3A_1349 : vector<16xi32>
        %parallel_loop3A_1371 = tpu.vector_load_idx %arg7[%parallel_loop3A_1370] : memref<32896xf32, #tpu.memory_space<vmem>>[vector<16xi32>], vector<16xf32>,
        %parallel_loop3A_1372 = arith.addi %mul3A_69, %parallel_loop3A_1350 : vector<16xi32>
        %parallel_loop3A_1373 = tpu.vector_load_idx %arg7[%parallel_loop3A_1372] : memref<32896xf32, #tpu.memory_space<vmem>>[vector<16xi32>], vector<16xf32>,
        %parallel_loop3A_1374 = arith.addi %mul3A_75, %parallel_loop3A_1351 : vector<16xi32>
        %parallel_loop3A_1375 = tpu.vector_load_idx %arg7[%parallel_loop3A_1374] : memref<32896xf32, #tpu.memory_space<vmem>>[vector<16xi32>], vector<16xf32>,
        %parallel_loop3A_1376 = arith.addi %parallel_loop3A_1307, %parallel_loop3A_1307 : vector<16xi32>
        %parallel_loop3A_1377 = arith.cmpf ogt, %parallel_loop3A_1361, %parallel_loop3A_1352 : vector<16xf32>
        %parallel_loop3A_1378 = arith.select %parallel_loop3A_1377, %parallel_loop3A_185, %parallel_loop3A_183 : vector<16xi1>, vector<16xi32>
        %parallel_loop3A_1379 = arith.addi %parallel_loop3A_1376, %parallel_loop3A_1378 : vector<16xi32>
        %parallel_loop3A_1380 = arith.addi %parallel_loop3A_1311, %parallel_loop3A_1311 : vector<16xi32>
        %parallel_loop3A_1381 = arith.cmpf ogt, %parallel_loop3A_1363, %parallel_loop3A_1353 : vector<16xf32>
        %parallel_loop3A_1382 = arith.select %parallel_loop3A_1381, %parallel_loop3A_185, %parallel_loop3A_183 : vector<16xi1>, vector<16xi32>
        %parallel_loop3A_1383 = arith.addi %parallel_loop3A_1380, %parallel_loop3A_1382 : vector<16xi32>
        %parallel_loop3A_1384 = arith.addi %parallel_loop3A_1315, %parallel_loop3A_1315 : vector<16xi32>
        %parallel_loop3A_1385 = arith.cmpf ogt, %parallel_loop3A_1365, %parallel_loop3A_1354 : vector<16xf32>
        %parallel_loop3A_1386 = arith.select %parallel_loop3A_1385, %parallel_loop3A_185, %parallel_loop3A_183 : vector<16xi1>, vector<16xi32>
        %parallel_loop3A_1387 = arith.addi %parallel_loop3A_1384, %parallel_loop3A_1386 : vector<16xi32>
        %parallel_loop3A_1388 = arith.addi %parallel_loop3A_1319, %parallel_loop3A_1319 : vector<16xi32>
        %parallel_loop3A_1389 = arith.cmpf ogt, %parallel_loop3A_1367, %parallel_loop3A_1355 : vector<16xf32>
        %parallel_loop3A_1390 = arith.select %parallel_loop3A_1389, %parallel_loop3A_185, %parallel_loop3A_183 : vector<16xi1>, vector<16xi32>
        %parallel_loop3A_1391 = arith.addi %parallel_loop3A_1388, %parallel_loop3A_1390 : vector<16xi32>
        %parallel_loop3A_1392 = arith.addi %parallel_loop3A_1323, %parallel_loop3A_1323 : vector<16xi32>
        %parallel_loop3A_1393 = arith.cmpf ogt, %parallel_loop3A_1369, %parallel_loop3A_1356 : vector<16xf32>
        %parallel_loop3A_1394 = arith.select %parallel_loop3A_1393, %parallel_loop3A_185, %parallel_loop3A_183 : vector<16xi1>, vector<16xi32>
        %parallel_loop3A_1395 = arith.addi %parallel_loop3A_1392, %parallel_loop3A_1394 : vector<16xi32>
        %parallel_loop3A_1396 = arith.addi %parallel_loop3A_1327, %parallel_loop3A_1327 : vector<16xi32>
        %parallel_loop3A_1397 = arith.cmpf ogt, %parallel_loop3A_1371, %parallel_loop3A_1357 : vector<16xf32>
        %parallel_loop3A_1398 = arith.select %parallel_loop3A_1397, %parallel_loop3A_185, %parallel_loop3A_183 : vector<16xi1>, vector<16xi32>
        %parallel_loop3A_1399 = arith.addi %parallel_loop3A_1396, %parallel_loop3A_1398 : vector<16xi32>
        %parallel_loop3A_1400 = arith.addi %parallel_loop3A_1331, %parallel_loop3A_1331 : vector<16xi32>
        %parallel_loop3A_1401 = arith.cmpf ogt, %parallel_loop3A_1373, %parallel_loop3A_1358 : vector<16xf32>
        %parallel_loop3A_1402 = arith.select %parallel_loop3A_1401, %parallel_loop3A_185, %parallel_loop3A_183 : vector<16xi1>, vector<16xi32>
        %parallel_loop3A_1403 = arith.addi %parallel_loop3A_1400, %parallel_loop3A_1402 : vector<16xi32>
        %parallel_loop3A_1404 = arith.addi %parallel_loop3A_1335, %parallel_loop3A_1335 : vector<16xi32>
        %parallel_loop3A_1405 = arith.cmpf ogt, %parallel_loop3A_1375, %parallel_loop3A_1359 : vector<16xf32>
        %parallel_loop3A_1406 = arith.select %parallel_loop3A_1405, %parallel_loop3A_185, %parallel_loop3A_183 : vector<16xi1>, vector<16xi32>
        %parallel_loop3A_1407 = arith.addi %parallel_loop3A_1404, %parallel_loop3A_1406 : vector<16xi32>
        %parallel_loop3A_1408 = arith.addi %parallel_loop3A_1379, %parallel_loop3A_181 : vector<16xi32>
        %parallel_loop3A_1409 = arith.addi %parallel_loop3A_1383, %parallel_loop3A_181 : vector<16xi32>
        %parallel_loop3A_1410 = arith.addi %parallel_loop3A_1387, %parallel_loop3A_181 : vector<16xi32>
        %parallel_loop3A_1411 = arith.addi %parallel_loop3A_1391, %parallel_loop3A_181 : vector<16xi32>
        %parallel_loop3A_1412 = arith.addi %parallel_loop3A_1395, %parallel_loop3A_181 : vector<16xi32>
        %parallel_loop3A_1413 = arith.addi %parallel_loop3A_1399, %parallel_loop3A_181 : vector<16xi32>
        %parallel_loop3A_1414 = arith.addi %parallel_loop3A_1403, %parallel_loop3A_181 : vector<16xi32>
        %parallel_loop3A_1415 = arith.addi %parallel_loop3A_1407, %parallel_loop3A_181 : vector<16xi32>
        %parallel_loop3A_1416 = tpu.vector_load_idx %arg8[%parallel_loop3A_1408] : memref<10880xi32, #tpu.memory_space<vmem>>[vector<16xi32>], vector<16xi32>,
        %parallel_loop3A_1417 = tpu.vector_load_idx %arg8[%parallel_loop3A_1409] : memref<10880xi32, #tpu.memory_space<vmem>>[vector<16xi32>], vector<16xi32>,
        %parallel_loop3A_1418 = tpu.vector_load_idx %arg8[%parallel_loop3A_1410] : memref<10880xi32, #tpu.memory_space<vmem>>[vector<16xi32>], vector<16xi32>,
        %parallel_loop3A_1419 = tpu.vector_load_idx %arg8[%parallel_loop3A_1411] : memref<10880xi32, #tpu.memory_space<vmem>>[vector<16xi32>], vector<16xi32>,
        %parallel_loop3A_1420 = tpu.vector_load_idx %arg8[%parallel_loop3A_1412] : memref<10880xi32, #tpu.memory_space<vmem>>[vector<16xi32>], vector<16xi32>,
        %parallel_loop3A_1421 = tpu.vector_load_idx %arg8[%parallel_loop3A_1413] : memref<10880xi32, #tpu.memory_space<vmem>>[vector<16xi32>], vector<16xi32>,
        %parallel_loop3A_1422 = tpu.vector_load_idx %arg8[%parallel_loop3A_1414] : memref<10880xi32, #tpu.memory_space<vmem>>[vector<16xi32>], vector<16xi32>,
        %parallel_loop3A_1423 = tpu.vector_load_idx %arg8[%parallel_loop3A_1415] : memref<10880xi32, #tpu.memory_space<vmem>>[vector<16xi32>], vector<16xi32>,
        %parallel_loop3A_1424 = tpu.vector_load_idx %arg9[%parallel_loop3A_1408] : memref<10880xf32, #tpu.memory_space<vmem>>[vector<16xi32>], vector<16xf32>,
        %parallel_loop3A_1425 = tpu.vector_load_idx %arg9[%parallel_loop3A_1409] : memref<10880xf32, #tpu.memory_space<vmem>>[vector<16xi32>], vector<16xf32>,
        %parallel_loop3A_1426 = tpu.vector_load_idx %arg9[%parallel_loop3A_1410] : memref<10880xf32, #tpu.memory_space<vmem>>[vector<16xi32>], vector<16xf32>,
        %parallel_loop3A_1427 = tpu.vector_load_idx %arg9[%parallel_loop3A_1411] : memref<10880xf32, #tpu.memory_space<vmem>>[vector<16xi32>], vector<16xf32>,
        %parallel_loop3A_1428 = tpu.vector_load_idx %arg9[%parallel_loop3A_1412] : memref<10880xf32, #tpu.memory_space<vmem>>[vector<16xi32>], vector<16xf32>,
        %parallel_loop3A_1429 = tpu.vector_load_idx %arg9[%parallel_loop3A_1413] : memref<10880xf32, #tpu.memory_space<vmem>>[vector<16xi32>], vector<16xf32>,
        %parallel_loop3A_1430 = tpu.vector_load_idx %arg9[%parallel_loop3A_1414] : memref<10880xf32, #tpu.memory_space<vmem>>[vector<16xi32>], vector<16xf32>,
        %parallel_loop3A_1431 = tpu.vector_load_idx %arg9[%parallel_loop3A_1415] : memref<10880xf32, #tpu.memory_space<vmem>>[vector<16xi32>], vector<16xf32>,
        %parallel_loop3A_1432 = arith.addi %mul3A_33, %parallel_loop3A_1416 : vector<16xi32>
        %parallel_loop3A_1433 = tpu.vector_load_idx %arg7[%parallel_loop3A_1432] : memref<32896xf32, #tpu.memory_space<vmem>>[vector<16xi32>], vector<16xf32>,
        %parallel_loop3A_1434 = arith.addi %mul3A_39, %parallel_loop3A_1417 : vector<16xi32>
        %parallel_loop3A_1435 = tpu.vector_load_idx %arg7[%parallel_loop3A_1434] : memref<32896xf32, #tpu.memory_space<vmem>>[vector<16xi32>], vector<16xf32>,
        %parallel_loop3A_1436 = arith.addi %mul3A_45, %parallel_loop3A_1418 : vector<16xi32>
        %parallel_loop3A_1437 = tpu.vector_load_idx %arg7[%parallel_loop3A_1436] : memref<32896xf32, #tpu.memory_space<vmem>>[vector<16xi32>], vector<16xf32>,
        %parallel_loop3A_1438 = arith.addi %mul3A_51, %parallel_loop3A_1419 : vector<16xi32>
        %parallel_loop3A_1439 = tpu.vector_load_idx %arg7[%parallel_loop3A_1438] : memref<32896xf32, #tpu.memory_space<vmem>>[vector<16xi32>], vector<16xf32>,
        %parallel_loop3A_1440 = arith.addi %mul3A_57, %parallel_loop3A_1420 : vector<16xi32>
        %parallel_loop3A_1441 = tpu.vector_load_idx %arg7[%parallel_loop3A_1440] : memref<32896xf32, #tpu.memory_space<vmem>>[vector<16xi32>], vector<16xf32>,
        %parallel_loop3A_1442 = arith.addi %mul3A_63, %parallel_loop3A_1421 : vector<16xi32>
        %parallel_loop3A_1443 = tpu.vector_load_idx %arg7[%parallel_loop3A_1442] : memref<32896xf32, #tpu.memory_space<vmem>>[vector<16xi32>], vector<16xf32>,
        %parallel_loop3A_1444 = arith.addi %mul3A_69, %parallel_loop3A_1422 : vector<16xi32>
        %parallel_loop3A_1445 = tpu.vector_load_idx %arg7[%parallel_loop3A_1444] : memref<32896xf32, #tpu.memory_space<vmem>>[vector<16xi32>], vector<16xf32>,
        %parallel_loop3A_1446 = arith.addi %mul3A_75, %parallel_loop3A_1423 : vector<16xi32>
        %parallel_loop3A_1447 = tpu.vector_load_idx %arg7[%parallel_loop3A_1446] : memref<32896xf32, #tpu.memory_space<vmem>>[vector<16xi32>], vector<16xf32>,
        %parallel_loop3A_1448 = arith.addi %parallel_loop3A_1379, %parallel_loop3A_1379 : vector<16xi32>
        %parallel_loop3A_1449 = arith.cmpf ogt, %parallel_loop3A_1433, %parallel_loop3A_1424 : vector<16xf32>
        %parallel_loop3A_1450 = arith.select %parallel_loop3A_1449, %parallel_loop3A_185, %parallel_loop3A_183 : vector<16xi1>, vector<16xi32>
        %parallel_loop3A_1451 = arith.addi %parallel_loop3A_1448, %parallel_loop3A_1450 : vector<16xi32>
        %parallel_loop3A_1452 = arith.addi %parallel_loop3A_1383, %parallel_loop3A_1383 : vector<16xi32>
        %parallel_loop3A_1453 = arith.cmpf ogt, %parallel_loop3A_1435, %parallel_loop3A_1425 : vector<16xf32>
        %parallel_loop3A_1454 = arith.select %parallel_loop3A_1453, %parallel_loop3A_185, %parallel_loop3A_183 : vector<16xi1>, vector<16xi32>
        %parallel_loop3A_1455 = arith.addi %parallel_loop3A_1452, %parallel_loop3A_1454 : vector<16xi32>
        %parallel_loop3A_1456 = arith.addi %parallel_loop3A_1387, %parallel_loop3A_1387 : vector<16xi32>
        %parallel_loop3A_1457 = arith.cmpf ogt, %parallel_loop3A_1437, %parallel_loop3A_1426 : vector<16xf32>
        %parallel_loop3A_1458 = arith.select %parallel_loop3A_1457, %parallel_loop3A_185, %parallel_loop3A_183 : vector<16xi1>, vector<16xi32>
        %parallel_loop3A_1459 = arith.addi %parallel_loop3A_1456, %parallel_loop3A_1458 : vector<16xi32>
        %parallel_loop3A_1460 = arith.addi %parallel_loop3A_1391, %parallel_loop3A_1391 : vector<16xi32>
        %parallel_loop3A_1461 = arith.cmpf ogt, %parallel_loop3A_1439, %parallel_loop3A_1427 : vector<16xf32>
        %parallel_loop3A_1462 = arith.select %parallel_loop3A_1461, %parallel_loop3A_185, %parallel_loop3A_183 : vector<16xi1>, vector<16xi32>
        %parallel_loop3A_1463 = arith.addi %parallel_loop3A_1460, %parallel_loop3A_1462 : vector<16xi32>
        %parallel_loop3A_1464 = arith.addi %parallel_loop3A_1395, %parallel_loop3A_1395 : vector<16xi32>
        %parallel_loop3A_1465 = arith.cmpf ogt, %parallel_loop3A_1441, %parallel_loop3A_1428 : vector<16xf32>
        %parallel_loop3A_1466 = arith.select %parallel_loop3A_1465, %parallel_loop3A_185, %parallel_loop3A_183 : vector<16xi1>, vector<16xi32>
        %parallel_loop3A_1467 = arith.addi %parallel_loop3A_1464, %parallel_loop3A_1466 : vector<16xi32>
        %parallel_loop3A_1468 = arith.addi %parallel_loop3A_1399, %parallel_loop3A_1399 : vector<16xi32>
        %parallel_loop3A_1469 = arith.cmpf ogt, %parallel_loop3A_1443, %parallel_loop3A_1429 : vector<16xf32>
        %parallel_loop3A_1470 = arith.select %parallel_loop3A_1469, %parallel_loop3A_185, %parallel_loop3A_183 : vector<16xi1>, vector<16xi32>
        %parallel_loop3A_1471 = arith.addi %parallel_loop3A_1468, %parallel_loop3A_1470 : vector<16xi32>
        %parallel_loop3A_1472 = arith.addi %parallel_loop3A_1403, %parallel_loop3A_1403 : vector<16xi32>
        %parallel_loop3A_1473 = arith.cmpf ogt, %parallel_loop3A_1445, %parallel_loop3A_1430 : vector<16xf32>
        %parallel_loop3A_1474 = arith.select %parallel_loop3A_1473, %parallel_loop3A_185, %parallel_loop3A_183 : vector<16xi1>, vector<16xi32>
        %parallel_loop3A_1475 = arith.addi %parallel_loop3A_1472, %parallel_loop3A_1474 : vector<16xi32>
        %parallel_loop3A_1476 = arith.addi %parallel_loop3A_1407, %parallel_loop3A_1407 : vector<16xi32>
        %parallel_loop3A_1477 = arith.cmpf ogt, %parallel_loop3A_1447, %parallel_loop3A_1431 : vector<16xf32>
        %parallel_loop3A_1478 = arith.select %parallel_loop3A_1477, %parallel_loop3A_185, %parallel_loop3A_183 : vector<16xi1>, vector<16xi32>
        %parallel_loop3A_1479 = arith.addi %parallel_loop3A_1476, %parallel_loop3A_1478 : vector<16xi32>
        %parallel_loop3A_1480 = arith.addi %parallel_loop3A_1451, %parallel_loop3A_193 : vector<16xi32>
        %parallel_loop3A_1481 = tpu.vector_load_idx %arg10[%parallel_loop3A_1480] : memref<10240xf32, #tpu.memory_space<vmem>>[vector<16xi32>], vector<16xf32>,
        %parallel_loop3A_1482 = arith.addi %parallel_loop3A_1455, %parallel_loop3A_193 : vector<16xi32>
        %parallel_loop3A_1483 = tpu.vector_load_idx %arg10[%parallel_loop3A_1482] : memref<10240xf32, #tpu.memory_space<vmem>>[vector<16xi32>], vector<16xf32>,
        %parallel_loop3A_1484 = arith.addi %parallel_loop3A_1459, %parallel_loop3A_193 : vector<16xi32>
        %parallel_loop3A_1485 = tpu.vector_load_idx %arg10[%parallel_loop3A_1484] : memref<10240xf32, #tpu.memory_space<vmem>>[vector<16xi32>], vector<16xf32>,
        %parallel_loop3A_1486 = arith.addi %parallel_loop3A_1463, %parallel_loop3A_193 : vector<16xi32>
        %parallel_loop3A_1487 = tpu.vector_load_idx %arg10[%parallel_loop3A_1486] : memref<10240xf32, #tpu.memory_space<vmem>>[vector<16xi32>], vector<16xf32>,
        %parallel_loop3A_1488 = arith.addi %parallel_loop3A_1467, %parallel_loop3A_193 : vector<16xi32>
        %parallel_loop3A_1489 = tpu.vector_load_idx %arg10[%parallel_loop3A_1488] : memref<10240xf32, #tpu.memory_space<vmem>>[vector<16xi32>], vector<16xf32>,
        %parallel_loop3A_1490 = arith.addi %parallel_loop3A_1471, %parallel_loop3A_193 : vector<16xi32>
        %parallel_loop3A_1491 = tpu.vector_load_idx %arg10[%parallel_loop3A_1490] : memref<10240xf32, #tpu.memory_space<vmem>>[vector<16xi32>], vector<16xf32>,
        %parallel_loop3A_1492 = arith.addi %parallel_loop3A_1475, %parallel_loop3A_193 : vector<16xi32>
        %parallel_loop3A_1493 = tpu.vector_load_idx %arg10[%parallel_loop3A_1492] : memref<10240xf32, #tpu.memory_space<vmem>>[vector<16xi32>], vector<16xf32>,
        %parallel_loop3A_1494 = arith.addi %parallel_loop3A_1479, %parallel_loop3A_193 : vector<16xi32>
        %parallel_loop3A_1495 = tpu.vector_load_idx %arg10[%parallel_loop3A_1494] : memref<10240xf32, #tpu.memory_space<vmem>>[vector<16xi32>], vector<16xf32>,
        %parallel_loop3A_1496 = arith.addi %mul3A_81, %parallel_loop3A_197 : vector<16xi32>
        %parallel_loop3A_1497 = arith.constant 0.000000e+00 : f32
        %parallel_loop3A_1498 = vector.broadcast %parallel_loop3A_1497 : f32 to vector<16xf32>
        %parallel_loop3A_1499 = arith.maximumf %parallel_loop3A_1481, %parallel_loop3A_1498 : vector<16xf32>
        tpu.vector_store_idx %arg11[%parallel_loop3A_1496], %parallel_loop3A_1499 : memref<64000xf32, #tpu.memory_space<vmem>>[vector<16xi32>], vector<16xf32>,
        %parallel_loop3A_1500 = arith.addi %mul3A_87, %parallel_loop3A_197 : vector<16xi32>
        %parallel_loop3A_1501 = arith.constant 0.000000e+00 : f32
        %parallel_loop3A_1502 = vector.broadcast %parallel_loop3A_1501 : f32 to vector<16xf32>
        %parallel_loop3A_1503 = arith.maximumf %parallel_loop3A_1483, %parallel_loop3A_1502 : vector<16xf32>
        tpu.vector_store_idx %arg11[%parallel_loop3A_1500], %parallel_loop3A_1503 : memref<64000xf32, #tpu.memory_space<vmem>>[vector<16xi32>], vector<16xf32>,
        %parallel_loop3A_1504 = arith.addi %mul3A_93, %parallel_loop3A_197 : vector<16xi32>
        %parallel_loop3A_1505 = arith.constant 0.000000e+00 : f32
        %parallel_loop3A_1506 = vector.broadcast %parallel_loop3A_1505 : f32 to vector<16xf32>
        %parallel_loop3A_1507 = arith.maximumf %parallel_loop3A_1485, %parallel_loop3A_1506 : vector<16xf32>
        tpu.vector_store_idx %arg11[%parallel_loop3A_1504], %parallel_loop3A_1507 : memref<64000xf32, #tpu.memory_space<vmem>>[vector<16xi32>], vector<16xf32>,
        %parallel_loop3A_1508 = arith.addi %mul3A_99, %parallel_loop3A_197 : vector<16xi32>
        %parallel_loop3A_1509 = arith.constant 0.000000e+00 : f32
        %parallel_loop3A_1510 = vector.broadcast %parallel_loop3A_1509 : f32 to vector<16xf32>
        %parallel_loop3A_1511 = arith.maximumf %parallel_loop3A_1487, %parallel_loop3A_1510 : vector<16xf32>
        tpu.vector_store_idx %arg11[%parallel_loop3A_1508], %parallel_loop3A_1511 : memref<64000xf32, #tpu.memory_space<vmem>>[vector<16xi32>], vector<16xf32>,
        %parallel_loop3A_1512 = arith.addi %mul3A_105, %parallel_loop3A_197 : vector<16xi32>
        %parallel_loop3A_1513 = arith.constant 0.000000e+00 : f32
        %parallel_loop3A_1514 = vector.broadcast %parallel_loop3A_1513 : f32 to vector<16xf32>
        %parallel_loop3A_1515 = arith.maximumf %parallel_loop3A_1489, %parallel_loop3A_1514 : vector<16xf32>
        tpu.vector_store_idx %arg11[%parallel_loop3A_1512], %parallel_loop3A_1515 : memref<64000xf32, #tpu.memory_space<vmem>>[vector<16xi32>], vector<16xf32>,
        %parallel_loop3A_1516 = arith.addi %mul3A_111, %parallel_loop3A_197 : vector<16xi32>
        %parallel_loop3A_1517 = arith.constant 0.000000e+00 : f32
        %parallel_loop3A_1518 = vector.broadcast %parallel_loop3A_1517 : f32 to vector<16xf32>
        %parallel_loop3A_1519 = arith.maximumf %parallel_loop3A_1491, %parallel_loop3A_1518 : vector<16xf32>
        tpu.vector_store_idx %arg11[%parallel_loop3A_1516], %parallel_loop3A_1519 : memref<64000xf32, #tpu.memory_space<vmem>>[vector<16xi32>], vector<16xf32>,
        %parallel_loop3A_1520 = arith.addi %mul3A_117, %parallel_loop3A_197 : vector<16xi32>
        %parallel_loop3A_1521 = arith.constant 0.000000e+00 : f32
        %parallel_loop3A_1522 = vector.broadcast %parallel_loop3A_1521 : f32 to vector<16xf32>
        %parallel_loop3A_1523 = arith.maximumf %parallel_loop3A_1493, %parallel_loop3A_1522 : vector<16xf32>
        tpu.vector_store_idx %arg11[%parallel_loop3A_1520], %parallel_loop3A_1523 : memref<64000xf32, #tpu.memory_space<vmem>>[vector<16xi32>], vector<16xf32>,
        %parallel_loop3A_1524 = arith.addi %mul3A_123, %parallel_loop3A_197 : vector<16xi32>
        %parallel_loop3A_1525 = arith.constant 0.000000e+00 : f32
        %parallel_loop3A_1526 = vector.broadcast %parallel_loop3A_1525 : f32 to vector<16xf32>
        %parallel_loop3A_1527 = arith.maximumf %parallel_loop3A_1495, %parallel_loop3A_1526 : vector<16xf32>
        tpu.vector_store_idx %arg11[%parallel_loop3A_1524], %parallel_loop3A_1527 : memref<64000xf32, #tpu.memory_space<vmem>>[vector<16xi32>], vector<16xf32>,
      } {sc.loop_unroll_factor = 2 : i64, sc.parallel_access}
    }
    %scan3A_127 = arith.constant 25 : i32
    %mul3A_128 = arith.constant 500 : i32
    %mul3A_129 = arith.muli %mul3A_2, %mul3A_128 : i32
    "tpu.region"() ({
      %run_scoped3A = tpu.sem_alloc : memref<!tpu.dma_semaphore, #tpu.memory_space<semaphore_mem>>
      %dma_start3A_130 = tpu.memref_slice %arg6[%mul3A_129] : memref<2048000xf32, #tpu.memory_space<hbm>> -> memref<64000xf32, #tpu.memory_space<hbm>>
      %dma_start3A_131 = tpu.memref_slice %arg6[%mul3A_129] : memref<2048000xf32, #tpu.memory_space<hbm>> -> memref<64000xf32, #tpu.memory_space<hbm>>
      tpu.enqueue_dma source(%arg11 : memref<64000xf32, #tpu.memory_space<vmem>>) target(%dma_start3A_131 : memref<64000xf32, #tpu.memory_space<hbm>>) target_semaphore(%run_scoped3A : memref<!tpu.dma_semaphore, #tpu.memory_space<semaphore_mem>>)
      %dma_wait3A = tpu.memref_slice %arg6[%mul3A_129] : memref<2048000xf32, #tpu.memory_space<hbm>> -> memref<64000xf32, #tpu.memory_space<hbm>>
      %dma_wait3A_132 = tpu.memref_slice %arg6[%mul3A_129] : memref<2048000xf32, #tpu.memory_space<hbm>> -> memref<64000xf32, #tpu.memory_space<hbm>>
      tpu.wait_dma2 semaphore(%run_scoped3A : memref<!tpu.dma_semaphore, #tpu.memory_space<semaphore_mem>>) src(%arg11 : memref<64000xf32, #tpu.memory_space<vmem>>) dst(%dma_wait3A_132 : memref<64000xf32, #tpu.memory_space<hbm>>)
      tpu.yield
    }) : () -> ()
    return
  }
}

</mosaic_0001>

<sc_bundles>
// kernel: _forest_sc.3.cloned.1.call-start
scs
__scs_entry_jumppad:
0x0: {  	(pc) =	sbr.rel $0x88, $3  }
0x1: {  	(tag) =	ssettag $0x0;
	lr =	simm.s32 $0x1  }
0x2: {  	[smem:$0x3F9D] =	sst lr;
	_ =	strace $0xD0000000  }
0x3: {  	_ = 	snop  }
0x4: {  	_ = 	snop  }
0x5: {  	_ = 	snop  }
0x6: {  	_ = 	snop  }
0x7: {  	_ = 	snop  }
__scs_overlays_trampoline_lowered:
0x8: {  	[smem:$0x3FAC] =	sst s0  }
0x9: {  	[smem:$0x3FAD] =	sst s1  }
0xa: {  	[smem:$0x3FAE] =	sst s2  }
0xb: {  	[smem:$0x3FAF] =	sst s3  }
0xc: {  	[smem:$0x3FB0] =	sst s4  }
0xd: {  	[smem:$0x3FB1] =	sst s5  }
0xe: {  	[smem:$0x3FB2] =	sst s6  }
0xf: {  	[smem:$0x3FB3] =	sst s7  }
0x10: {  	[smem:$0x3FB4] =	sst s8  }
0x11: {  	[smem:$0x3FB5] =	sst s9;
	s0 =	simm.s32 @!p0 $0x0  }
0x12: {  	s1 =	sld [smem:$0x3F9B];
	s0 =	simm.s32 @p0 $0x1  }
0x13: {  	[smem:$0x3FB6] =	sst s0;
	s0 =	simm.s32 @!p1 $0x0  }
0x14: {  	s2 =	sld [smem:$0x3F9A];
	s0 =	simm.s32 @p1 $0x1  }
0x15: {  	[smem:$0x3FB7] =	sst s0;
	s0 =	simm.s32 @!p2 $0x0  }
0x16: {  	s3 =	sld [smem:$0x3FDB];
	s0 =	simm.s32 @p2 $0x1  }
0x17: {  	s4 =	simm.s32 $0x1BF5;
	[smem:$0x3FB9] =	sst s0  }
0x18: {  	s0 =	sld [smem:$0x3F9C];
	_ =	swait.ge [sflag:s4], $0x0  }
0x19: {  	s7 =	sld [smem:$0x3F9D]  }
0x1a: {  	s8 =	sadd.s32 $0xFFFFE003, lr  }
0x1b: {  	s9 =	sadd.s32 $0xFFFFFEF7, lr;
	s5 =	simm.s32 $0xFFFFFFFF;
	p2 =	slt.u32 s8, $0xFFFFF086  }
0x1c: {  	p1 =	slt.u32 s9, $0xF7A;
	s5 =	simm.s32 @!p2 $0x0  }
0x1d: {  	s5 =	simm.s32 @p1 $0x1;
	p0 =	seq.s32 s7, s2  }
0x1e: {  	s7 =	smul.u32 @!p0 $0xF7A, s2;
	p2 =	seq.s32 @!p0 s5, $0x0  }
0x1f: {  	s9 =	smul.u32 $0xF7A, s1;
	s8 =	simm.s32 @!p0 $0x1BF5;
	p2 =	por !p2, p0  }
0x20: {  	[sflag:s8] =	ssyncset.s32 @!p0 $0xFFFFF086;
	s6 =	sadd.s32 @!p0 s3, s7;
	s7 =	simm.s32 @!p0 $0x108  }
0x21: {  	s3 =	sadd.s32 s3, s9;
	s6 =	sadd.s32 @!p0 $0x88, s6;
	s7 =	simm.s32 @p2 $0x1082  }
0x22: {  	[simem:s7], [sflag:s8] =	dma.local @!p0 [hbm:s6], $0xF7A  }
0x23: {  	s9 =	sor.u32 $0xD0000000, s2;
	s6 =	simm.s32 $0x108;
	_ =	swait.ge @!p0 [sflag:s8], $0x0  }
0x24: {  	s3 =	sadd.s32 $0x88, s3;
	s6 =	simm.s32 @!p1 $0x1082;
	[sflag:s4] =	ssyncset.s32 $0xFFFFF086  }
0x25: {  	[simem:s6], [sflag:s4] =	dma.local [hbm:s3], $0xF7A  }
0x26: {  	[smem:$0x3F9D] =	sst s1;
	(tag) =	ssettag s2;
	_ =	strace s9  }
0x27: {  	s1 =	sld [smem:$0x3FAD]  }
0x28: {  	s2 =	sld [smem:$0x3FAE]  }
0x29: {  	s4 =	sld [smem:$0x3FB0]  }
0x2a: {  	p0 =	seq.s32 s5, $0x0;
	s5 =	sld [smem:$0x3FB1]  }
0x2b: {  	s6 =	sld [smem:$0x3FB2]  }
0x2c: {  	s7 =	sld [smem:$0x3FB3]  }
0x2d: {  	s3 =	simm.s32 $0x108;
	s8 =	sld [smem:$0x3FB4]  }
0x2e: {  	s3 =	simm.s32 @!p0 $0x1082;
	s9 =	sld [smem:$0x3FB5]  }
0x2f: {  	lr =	sadd.s32 s0, s3;
	s0 =	sld [smem:$0x3FAC]  }
0x30: {  	s3 =	sld [smem:$0x3FAF]  }
0x31: {  	[smem:$0x3FB8] =	sst s10  }
0x32: {  	s10 =	sld [smem:$0x3FB6];
	_ =	sdelay $0x3  }
0x33: {  	p0 =	seq.s32 s10, $0x1;
	s10 =	sld [smem:$0x3FB8];
	_ =	sdelay $0x3  }
0x34: {  	[smem:$0x3FB8] =	sst s10  }
0x35: {  	s10 =	sld [smem:$0x3FB7];
	_ =	sdelay $0x3  }
0x36: {  	p1 =	seq.s32 s10, $0x1;
	s10 =	sld [smem:$0x3FB8];
	_ =	sdelay $0x3  }
0x37: {  	[smem:$0x3FB8] =	sst s10  }
0x38: {  	s10 =	sld [smem:$0x3FB9]  }
0x39: {  	_ = 	snop;
	(pc) =	sbr.ind lr, $3  }
0x3a: {  	_ = 	snop  }
0x3b: {  	_ = 	snop  }
0x3c: {  	p2 =	seq.s32 s10, $0x1;
	s10 =	sld [smem:$0x3FB8]  }
0x3d: {  	_ =	shalt  }
0x3e: {  	_ =	shalt  }
0x3f: {  	_ =	shalt  }
0x40: {  	_ =	shalt  }
0x41: {  	_ =	shalt  }
0x42: {  	_ =	shalt  }
0x43: {  	_ =	shalt  }
0x44: {  	_ =	shalt  }
0x45: {  	_ =	shalt  }
0x46: {  	_ =	shalt  }
0x47: {  	_ =	shalt  }
0x48: {  	_ =	shalt  }
0x49: {  	_ =	shalt  }
0x4a: {  	_ =	shalt  }
0x4b: {  	_ =	shalt  }
0x4c: {  	_ =	shalt  }
0x4d: {  	_ =	shalt  }
0x4e: {  	_ =	shalt  }
0x4f: {  	_ =	shalt  }
0x50: {  	_ =	shalt  }
0x51: {  	_ =	shalt  }
0x52: {  	_ =	shalt  }
0x53: {  	_ =	shalt  }
0x54: {  	_ =	shalt  }
0x55: {  	_ =	shalt  }
0x56: {  	_ =	shalt  }
0x57: {  	_ =	shalt  }
0x58: {  	_ =	shalt  }
0x59: {  	_ =	shalt  }
0x5a: {  	_ =	shalt  }
0x5b: {  	_ =	shalt  }
0x5c: {  	_ =	shalt  }
0x5d: {  	_ =	shalt  }
0x5e: {  	_ =	shalt  }
0x5f: {  	_ =	shalt  }
0x60: {  	_ =	shalt  }
0x61: {  	_ =	shalt  }
0x62: {  	_ =	shalt  }
0x63: {  	_ =	shalt  }
0x64: {  	_ =	shalt  }
0x65: {  	_ =	shalt  }
0x66: {  	_ =	shalt  }
0x67: {  	_ =	shalt  }
0x68: {  	_ =	shalt  }
0x69: {  	_ =	shalt  }
0x6a: {  	_ =	shalt  }
0x6b: {  	_ =	shalt  }
0x6c: {  	_ =	shalt  }
0x6d: {  	_ =	shalt  }
0x6e: {  	_ =	shalt  }
0x6f: {  	_ =	shalt  }
0x70: {  	_ =	shalt  }
0x71: {  	_ =	shalt  }
0x72: {  	_ =	shalt  }
0x73: {  	_ =	shalt  }
0x74: {  	_ =	shalt  }
0x75: {  	_ =	shalt  }
0x76: {  	_ =	shalt  }
0x77: {  	_ =	shalt  }
0x78: {  	_ =	shalt  }
0x79: {  	_ =	shalt  }
0x7a: {  	_ =	shalt  }
0x7b: {  	_ =	shalt  }
0x7c: {  	_ =	shalt  }
0x7d: {  	_ =	shalt  }
0x7e: {  	_ =	shalt  }
0x7f: {  	_ =	shalt  }
0x80: {  	_ =	shalt  }
0x81: {  	_ =	shalt  }
0x82: {  	_ =	shalt  }
0x83: {  	_ =	shalt  }
0x84: {  	_ =	shalt  }
0x85: {  	_ =	shalt  }
0x86: {  	_ =	shalt  }
0x87: {  	_ =	shalt  }
.Lfunc_end0:
.L_simem_size_0:
called_computation_lowered:
.L_overlay_start_0:
0x88: {  	s2 =	sld [smem:$0x3FD9]  }
0x89: {  	s3 =	sld [smem:$0x3FFE];
	_ =	sdelay $0x1  }
0x8a: {  	s1 =	srdreg.scid  }
0x8b: {  	s0 =	sand.u32 $0x1, s1  }
0x8c: {  	s18 =	sshll.u32 s0, $0xA;
	s2 =	sadd.s32 s3, s2  }
0x8d: {  	s2 =	sadd.s32 s2, s18  }
0x8e: {  	[smem:$0x3FC4] =	sst s2  }
0x8f: {  	_ = 	snop  }
0x90: {  	s2 =	sld [smem:$0x3FC9]  }
0x91: {  	s19 =	sld [smem:$0x3FC8]  }
0x92: {  	s4 =	sld [smem:$0x3FC7]  }
0x93: {  	s5 =	sld [smem:$0x3FC6]  }
0x94: {  	s6 =	sld [smem:$0x3FD0];
	(tm) =	ssettm $0x1  }
0x95: {  	s7 =	sld [smem:$0x3FFB];
	_ =	sdelay $0x3  }
0x96: {  	_ =	strace s7  }
0x97: {  	s7 =	sld [smem:$0x3FFC];
	_ =	sdelay $0x3  }
0x98: {  	_ =	strace s7  }
0x99: {  	s7 =	sld [smem:$0x3FFD];
	_ =	sdelay $0x3  }
0x9a: {  	_ =	strace s7  }
0x9b: {  	_ =	strace $0x8FFFFFFF  }
0x9c: {  	s20 =	sld [smem:$0x3FDB];
	_ =	sdelay $0x1  }
0x9d: {  	s8 =	simm.s32 $_scs_section_size  }
0x9e: {  	s9 =	simm.s32 $_size__tile_overlayer_lowered;
	s10 =	simm.s32 $_tile_overlayer_lowered  }
0x9f: {  	s23 =	simm.s32 $0x1BFF;
	s22 =	sshll.u32 s10, $0x1;
	s7 =	sadd.s32 s8, s20  }
0xa0: {  	s11 =	simm.s32 $0x0;
	s21 =	sshll.u32 s9, $0x1;
	s9 =	sadd.s32 s22, s7  }
0xa1: {  	[timem:s11], [sflag:s23] =	dma.local [hbm:s9], s21  }
0xa2: {  	_ =	swait.ge [sflag:s23], s21  }
0xa3: {  	s8 =	ssub.s32 $0x0, s21;
	[sflag:s23] =	ssyncset.done $0x0  }
0xa4: {  	[sflag:s23] =	ssyncadd.s32 s8;
	_ =	sdelay $0x1  }
0xa5: {  	s24 =	simm.s32 $0x1B8B  }
0xa6: {  	_ =	swait.ge [sflag:s24], $0x1  }
0xa7: {  	[sflag:s24] =	ssyncset.done $0x0  }
0xa8: {  	s25 =	simm.s32 $0x1B8E;
	[sflag:s24] =	ssyncadd.s32 $0xFFFFFFFF  }
0xa9: {  	s26 =	simm.s32 $execute0_lowered;
	[smem:$0x3FD2] =	sst s25  }
0xaa: {  	s8 =	sshll.u32 s26, $0x1;
	_ =	strace $0x80000046;
	[dreg:$0x1] =	wrdreg $0xFFFFFFFF  }
0xab: {  	s28 =	simm.s32 $_size_execute0_lowered;
	s7 =	sadd.s32 s7, s8;
	[dreg:$0x0] =	wrdreg $0x0  }
0xac: {  	s8 =	sshll.u32 s28, $0x1;
	[dreg:$0x2] =	wrdreg s7  }
0xad: {  	[dreg:$0x3] =	wrdreg s8  }
0xae: {  	[dreg:$0x4] =	wrdreg $0xC0  }
0xaf: {  	_ =	task [dreg:s11], $0x5FFFF  }
0xb0: {  	[dreg:$0x1] =	wrdreg $0xFFFFFFFF  }
0xb1: {  	[dreg:$0x0] =	wrdreg $0x60  }
0xb2: {  	[dreg:$0x2] =	wrdreg s2  }
0xb3: {  	[dreg:$0x3] =	wrdreg s19  }
0xb4: {  	[dreg:$0x4] =	wrdreg s4  }
0xb5: {  	[dreg:$0x5] =	wrdreg s5  }
0xb6: {  	[dreg:$0x6] =	wrdreg s6  }
0xb7: {  	[dreg:$0x7] =	wrdreg $0x9  }
0xb8: {  	_ =	task.clear_ibuf [dreg:s11], $0x8FFFF;
	_ =	strace $0x90000046  }
0xb9: {  	s29 =	simm.s32 $0x9;
	_ =	strace $0x80000048  }
0xba: {  	_ =	swait.ge [sflag:s29], $0x1  }
0xbb: {  	[sflag:s29] =	ssyncadd.s32 $0xFFFFFFFF  }
0xbc: {  	_ =	strace $0x90000048  }
0xbd: {  	_ =	sfence  }
0xbe: {  	s30 =	sld [smem:$0x0];
	_ =	sdelay $0x2  }
0xbf: {  	s31 =	sshll.u32 s1, $0xD;
	s1 =	sshrl.u32 s1, $0x2  }
0xc0: {  	s3 =	sand.u32 $0x4000, s31;
	s1 =	sadd.s32 s1, s30  }
0xc1: {  	s0 =	sor.u32 s3, s0;
	s1 =	sshll.u32 s1, $0x11  }
0xc2: {  	s0 =	sor.u32 s1, s0  }
0xc3: {  	s0 =	sadd.s32 $0x8F2B, s0  }
0xc4: {  	[sflag:s0] =	ssyncadd.remote.s32 $0x1  }
0xc5: {  	_ =	sfence.sel $0xFFFF  }
0xc6: {  	[dreg:$0x0] =	wrdreg $0xFFFFFFFF;
	(pc) =	sbr.abs _section_cstart, $3  }
0xc7: {  	[dreg:$0x1] =	wrdreg $0xFFFFFFFF  }
0xc8: {  	_ =	task.clear_ibuf [dreg:s11], $0x2FFFF;
	_ =	strace $0x9FFFFFFF  }
0xc9: {  	(tm) =	ssettm $0x7FFFFFFF  }
tec
execute0_lowered:
.L_overlay_start_1:
0x0: {  	(tag) =	ssettag $0x1  }
0x1: {  	s6 =	rddreg [dreg:$0x0]  }
0x2: {  	s0 =	rddreg [dreg:$0x1]  }
0x3: {  	s1 =	rddreg [dreg:$0x2]  }
0x4: {  	s3 =	rddreg [dreg:$0x3]  }
0x5: {  	s2 =	srdreg.scid;
	s8 =	rddreg [dreg:$0x4]  }
0x6: {  	v6 =	vlaneseq.u32;
	s4 =	rddreg [dreg:$0x5];
	s7 =	sand.u32 $0x1, s2  }
0x7: {  	s12 =	simm.s32 $0xD580;
	s2 =	stileid.u32;
	v0 =	vmul.u32 $0x101, v6;
	s5 =	sshll.u32 s7, $0x4  }
0x8: {  	v1 =	vimm.s32 $0x0;
	v10 =	vimm.s32 $0x1;
	s13 =	simm.s32 $0x1;
	s14 =	simm.s32 $0xFD80;
	v45 =	vmul.u32 $0x1F4, v6;
	s9 =	sor.u32 s2, s5  }
0x9: {  	v11 =	vimm.s32 $0x2;
	s7 =	ssub.s32 $0x2, s7;
	s5 =	simm.s32 $0x0;
	v2 =	vadd.s32 $0x1010, v0;
	v3 =	vadd.s32 $0x2020, v0;
	s10 =	smul.u32 $0x1010, s9  }
0xa: {  	s11 =	sshrl.u32 s7, $0x1;
	v4 =	vadd.s32 $0x3030, v0;
	v5 =	vadd.s32 $0x4040, v0;
	v18 =	vadd.s32 $0x9C40, v45;
	[smem:$0x7FF] =	sst s5;
	s9 =	smul.u32 $0x1F40, s9  }
0xb: {  	s15 =	simm.s32 $0x0;
	v7 =	vadd.s32 $0x5050, v0;
	v8 =	vadd.s32 $0x6060, v0;
	v43 =	vadd.s32 $0xBB80, v45;
	s11 =	ssub.s32 s7, s11;
	_ =	strace $0x80000047;
	[tilespmem:$0x1FFD0] =	vst v18  }
0xc: {  	v9 =	vadd.s32 $0x7070, v0;
	v14 =	vadd.s32 $0x1F40, v45;
	v33 =	vadd.s32 $0xDAC0, v45;
	[tilespmem:$0x1FFE0] =	vst v43;
	s6 =	sadd.s32 s6, s10;
	s7 =	sadd.s32 s8, s9;
	s8 =	smax.u32 s11, $0x1  }
0xd: {  	v15 =	vadd.s32 $0x3E80, v45;
	v16 =	vadd.s32 $0x5DC0, v45;
	v17 =	vadd.s32 $0x7D00, v45;
	[tilespmem:$0x1FFF0] =	vst v33;
	s9 =	simm.s32 $0x2;
	s10 =	simm.s32 $0x8080;
	s11 =	simm.s32 $0xAB00  }
.LBB2_1:
0xe: {  	[tilespmem:s5], [sflag:$0x2] =	stream.linear.gather [hbm4b:s6+s5], $0x8080, $0x38;
	[tilespmem:$0x1F780] =	vst v63  }
0xf: {  	_ =	swait.ge [sflag:s9], $0x8080  }
0x10: {  	[sflag:s9] =	ssyncset.done $0x0  }
0x11: {  	[sflag:s9] =	ssyncadd.s32 $0xFFFF7F80  }
0x12: {  	[tilespmem:s10], [sflag:$0x1] =	stream.linear.gather [hbm4b:s0+s5], $0x1540, $0x38;
	[tilespmem:$0x1F780] =	vst v63  }
0x13: {  	_ = 	snop  }
0x14: {  	[tilespmem:s11], [sflag:$0x1] =	stream.linear.gather [hbm4b:s1+s5], $0x1540, $0x38;
	[tilespmem:$0x1F780] =	vst v63  }
0x15: {  	s16 =	simm.s32 $0x0;
	s17 =	simm.s32 $0x0  }
0x16: {  	[tilespmem:s12], [sflag:$0x1] =	stream.linear.gather [hbm4b:s3+s5], $0x1400, $0x38;
	[tilespmem:$0x1F780] =	vst v63  }
.LBB2_3:
0x17: {  	_ =	swait.ge [sflag:s13], $0x1540  }
0x18: {  	[sflag:s13] =	ssyncset.done $0x0  }
0x19: {  	[sflag:s13] =	ssyncadd.s32 $0xFFFFEAC0  }
0x1a: {  	s18 =	smov.u32 s17;
	_ =	swait.ge [sflag:s13], $0x1540  }
0x1b: {  	s17 =	sadd.s32 $0x1, s17;
	p0 =	seq.s32 s18, $0x18;
	[sflag:s13] =	ssyncset.done $0x0  }
0x1c: {  	s19 =	sand.u32 @!p0 $0x1, s17;
	s21 =	smul.u32 @!p0 $0x2A8, s17;
	[sflag:s13] =	ssyncadd.s32 $0xFFFFEAC0  }
0x1d: {  	s20 =	smul.u32 @!p0 $0x1540, s19;
	_ =	swait.ge [sflag:s13], $0x1400  }
0x1e: {  	s24 =	simm.s32 @!p0 $0x0;
	[sflag:s13] =	ssyncset.done $0x0  }
0x1f: {  	s23 =	sadd.s32 @!p0 s0, s21;
	s22 =	sadd.s32 @!p0 $0x8080, s20;
	[sflag:s13] =	ssyncadd.s32 $0xFFFFEC00  }
0x20: {  	[tilespmem:s22], [sflag:$0x1] =	stream.linear.gather @!p0 [hbm4b:s23+s24], $0x1540, $0x38;
	[tilespmem:$0x1F780] =	vst v63  }
0x21: {  	s19 =	smul.u32 @!p0 $0x5000, s19;
	s21 =	sadd.s32 @!p0 s1, s21;
	s20 =	sadd.s32 @!p0 $0xAB00, s20  }
0x22: {  	[tilespmem:s20], [sflag:$0x1] =	stream.linear.gather @!p0 [hbm4b:s21+s24], $0x1540, $0x38;
	[tilespmem:$0x1F780] =	vst v63  }
0x23: {  	s20 =	smul.u32 @!p0 $0x280, s17  }
0x24: {  	s19 =	sshrl.u32 @!p0 s19, $0x2  }
0x25: {  	s18 =	sand.u32 $0x1, s18;
	s19 =	sadd.s32 @!p0 $0xD580, s19;
	s20 =	sadd.s32 @!p0 s3, s20  }
0x26: {  	[tilespmem:s19], [sflag:$0x1] =	stream.linear.gather @!p0 [hbm4b:s20+s24], $0x1400, $0x38;
	[tilespmem:$0x1F780] =	vst v63  }
0x27: {  	p0 =	seq.s32 s18, $0x1;
	s18 =	simm.s32 $0x14  }
0x28: {  	s18 =	simm.s32 @!p0 $0x0  }
0x29: {  	s30 =	smul.u32 $0x440, s18  }
0x2a: {  	s29 =	smul.u32 $0x110, s18;
	s18 =	sshll.u32 s18, $0x8  }
0x2b: {  	s22 =	simm.s32 $0xFFFFFFFE;
	s18 =	sor.u32 $0x1, s18;
	s31 =	sshrl.u32 s30, $0x2  }
0x2c: {  	s19 =	sadd.s32 $0x111, s29;
	s20 =	sadd.s32 $0x81A0, s31;
	s21 =	sadd.s32 $0xAC20, s31  }
.LBB2_4:
0x2d: {  	v20 =	vld [tilespmem:s20+$0xFFFFFEE0];
	_ =	sdelay $0x4  }
0x2e: {  	v21 =	vperm.xlane v20, v1;
	_ =	sdelay $0x1  }
0x2f: {  	v22 =	vadd.s32 v0, v21  }
0x30: {  	v23 =	vadd.s32 v2, v21  }
0x31: {  	v24 =	vadd.s32 v3, v21  }
0x32: {  	v25 =	vadd.s32 v4, v21  }
0x33: {  	v19 =	vld [tilespmem:s21+$0xFFFFFEE0];
	v26 =	vadd.s32 v5, v21  }
0x34: {  	v27 =	vadd.s32 v7, v21;
	v22 =	vld.idx.msk [tilespmem:v22+s5+$0x0], $0xffff  }
0x35: {  	v28 =	vadd.s32 v8, v21;
	v23 =	vld.idx.msk [tilespmem:v23+s5+$0x0], $0xffff  }
0x36: {  	v24 =	vld.idx.msk [tilespmem:v24+s5+$0x0], $0xffff  }
0x37: {  	v25 =	vld.idx.msk [tilespmem:v25+s5+$0x0], $0xffff  }
0x38: {  	v26 =	vld.idx.msk [tilespmem:v26+s5+$0x0], $0xffff  }
0x39: {  	v27 =	vld.idx.msk [tilespmem:v27+s5+$0x0], $0xffff  }
0x3a: {  	v29 =	vperm.xlane v19, v1;
	v21 =	vadd.s32 v9, v21;
	v41 =	vld.idx.msk [tilespmem:v28+s5+$0x0], $0xffff;
	_ =	sdelay $0x1  }
0x3b: {  	vm7 =	vgt.f32 v22, v29;
	vm5 =	vgt.f32 v23, v29;
	vm6 =	vgt.f32 v24, v29  }
0x3c: {  	vm2 =	vgt.f32 v25, v29;
	vm4 =	vgt.f32 v26, v29;
	v42 =	vsel vm7, $0x2, v10  }
0x3d: {  	vm1 =	vgt.f32 v27, v29;
	v43 =	vsel vm5, $0x2, v10;
	v44 =	vperm.xlane v20, v42  }
0x3e: {  	v21 =	vld.idx.msk [tilespmem:v21+s5+$0x0], $0xffff;
	vm3 =	vgt.f32 v41, v29;
	v46 =	vsel vm6, $0x2, v10;
	v31 =	vperm.xlane v20, v43  }
0x3f: {  	v30 =	vsel vm2, $0x2, v10;
	v47 =	vperm.xlane v20, v46;
	v24 =	vadd.s32 v0, v44  }
0x40: {  	v32 =	vsel vm4, $0x2, v10;
	v33 =	vperm.xlane v20, v30;
	v48 =	vadd.s32 v2, v31  }
0x41: {  	v49 =	vsel vm1, $0x2, v10;
	v50 =	vperm.xlane v20, v32;
	v26 =	vadd.s32 v3, v47  }
0x42: {  	v22 =	vsel vm3, $0x2, v10;
	v34 =	vperm.xlane v20, v49;
	v33 =	vadd.s32 v4, v33  }
0x43: {  	vm0 =	vgt.f32 v21, v29;
	v35 =	vperm.xlane v20, v22;
	v21 =	vadd.s32 v5, v50  }
0x44: {  	v34 =	vadd.s32 v7, v34;
	v24 =	vld.idx.msk [tilespmem:v24+s5+$0x0], $0xffff  }
0x45: {  	v35 =	vadd.s32 v8, v35;
	v27 =	vld.idx.msk [tilespmem:v48+s5+$0x0], $0xffff  }
0x46: {  	v26 =	vld.idx.msk [tilespmem:v26+s5+$0x0], $0xffff  }
0x47: {  	v29 =	vsel vm0, $0x2, v10;
	v33 =	vld.idx.msk [tilespmem:v33+s5+$0x0], $0xffff  }
0x48: {  	v37 =	vsel vm7, $0x4, v11;
	v54 =	vsel vm5, $0x4, v11;
	v36 =	vperm.xlane v20, v29;
	v21 =	vld.idx.msk [tilespmem:v21+s5+$0x0], $0xffff  }
0x49: {  	v56 =	vsel vm6, $0x4, v11;
	v23 =	vperm.xlane v19, v42;
	v28 =	vperm.xlane v19, v43;
	v34 =	vld.idx.msk [tilespmem:v34+s5+$0x0], $0xffff  }
0x4a: {  	v60 =	vsel vm2, $0x4, v11;
	v25 =	vperm.xlane v19, v46;
	v30 =	vperm.xlane v19, v30;
	v59 =	vld.idx.msk [tilespmem:v35+s5+$0x0], $0xffff  }
0x4b: {  	v62 =	vsel vm4, $0x4, v11;
	v32 =	vperm.xlane v19, v32;
	v22 =	vperm.xlane v19, v22  }
0x4c: {  	v39 =	vsel vm3, $0x4, v11;
	v51 =	vperm.xlane v19, v29;
	v31 =	vperm.xlane v19, v49  }
0x4d: {  	v52 =	vadd.s32 v9, v36;
	vm11 =	vgt.f32 v24, v23;
	vm12 =	vgt.f32 v27, v28  }
0x4e: {  	vm13 =	vgt.f32 v26, v25;
	vm14 =	vgt.f32 v33, v30;
	vm15 =	vgt.f32 v21, v32  }
0x4f: {  	vm5 =	vgt.f32 v34, v31;
	vm6 =	vgt.f32 v59, v22;
	v53 =	vsel vm11, $0x2, v10  }
0x50: {  	v55 =	vsel vm12, $0x2, v10;
	v57 =	vsel vm13, $0x2, v10;
	v61 =	vsel vm14, $0x2, v10  }
0x51: {  	v32 =	vsel vm15, $0x2, v10;
	v31 =	vsel vm5, $0x2, v10;
	v58 =	vadd.s32 v37, v53  }
0x52: {  	v43 =	vsel vm6, $0x2, v10;
	v25 =	vadd.s32 v54, v55;
	v38 =	vperm.xlane v20, v58  }
0x53: {  	v26 =	vadd.s32 v56, v57;
	v21 =	vadd.s32 v60, v61;
	v40 =	vperm.xlane v20, v25  }
0x54: {  	v24 =	vld.idx.msk [tilespmem:v52+s5+$0x0], $0xffff;
	v37 =	vsel vm1, $0x4, v11;
	v41 =	vperm.xlane v20, v26;
	v42 =	vadd.s32 v0, v38  }
0x55: {  	v30 =	vadd.s32 v37, v31;
	v44 =	vperm.xlane v20, v21;
	v33 =	vadd.s32 v2, v40  }
0x56: {  	v31 =	vadd.s32 v39, v43;
	v49 =	vperm.xlane v20, v30;
	v22 =	vadd.s32 v3, v41  }
0x57: {  	v63 =	vadd.s32 v62, v32;
	v50 =	vperm.xlane v20, v31;
	v47 =	vadd.s32 v4, v44  }
0x58: {  	v46 =	vsel vm0, $0x4, v11;
	v48 =	vperm.xlane v20, v63;
	v34 =	vadd.s32 v7, v49  }
0x59: {  	v37 =	vperm.xlane v19, v58;
	vm7 =	vgt.f32 v24, v51;
	v35 =	vadd.s32 v8, v50;
	v27 =	vld.idx.msk [tilespmem:v42+s5+$0x0], $0xffff  }
0x5a: {  	v39 =	vperm.xlane v19, v26;
	v52 =	vshll.u32 v58, $0x1;
	v24 =	vsel vm7, $0x2, v10;
	v33 =	vld.idx.msk [tilespmem:v33+s5+$0x0], $0xffff  }
0x5b: {  	v26 =	vshll.u32 v26, $0x1;
	v23 =	vadd.s32 v46, v24;
	v24 =	vadd.s32 v5, v48;
	v22 =	vld.idx.msk [tilespmem:v22+s5+$0x0], $0xffff  }
0x5c: {  	v57 =	vshll.u32 v63, $0x1;
	v43 =	vperm.xlane v19, v31;
	v38 =	vperm.xlane v19, v25;
	v32 =	vld.idx.msk [tilespmem:v47+s5+$0x0], $0xffff  }
0x5d: {  	v31 =	vshll.u32 v31, $0x1;
	v40 =	vperm.xlane v19, v21;
	v41 =	vperm.xlane v19, v63;
	v54 =	vld.idx.msk [tilespmem:v34+s5+$0x0], $0xffff  }
0x5e: {  	v25 =	vshll.u32 v25, $0x1;
	v21 =	vshll.u32 v21, $0x1;
	v51 =	vperm.xlane v20, v23;
	v56 =	vld.idx.msk [tilespmem:v35+s5+$0x0], $0xffff  }
0x5f: {  	v44 =	vperm.xlane v19, v23;
	v23 =	vshll.u32 v23, $0x1;
	v42 =	vperm.xlane v19, v30  }
0x60: {  	v36 =	vadd.s32 v9, v51;
	v30 =	vshll.u32 v30, $0x1;
	v24 =	vld.idx.msk [tilespmem:v24+s5+$0x0], $0xffff;
	vm8 =	vgt.f32 v27, v37  }
0x61: {  	vm9 =	vgt.f32 v33, v38;
	vm10 =	vgt.f32 v22, v39;
	vm11 =	vgt.f32 v32, v40  }
0x62: {  	v53 =	vsel vm8, $0x2, v10;
	v55 =	vsel vm9, $0x2, v10;
	v22 =	vsel vm10, $0x2, v10  }
0x63: {  	v32 =	vsel vm11, $0x2, v10;
	vm13 =	vgt.f32 v54, v42;
	vm14 =	vgt.f32 v56, v43  }
0x64: {  	v27 =	vadd.s32 v52, v53;
	v25 =	vadd.s32 v25, v55;
	v22 =	vadd.s32 v26, v22  }
0x65: {  	v21 =	vadd.s32 v21, v32;
	vm12 =	vgt.f32 v24, v41;
	v58 =	vperm.xlane v20, v27  }
0x66: {  	v61 =	vsel vm13, $0x2, v10;
	v43 =	vsel vm14, $0x2, v10;
	v62 =	vperm.xlane v20, v25  }
0x67: {  	v60 =	vsel vm12, $0x2, v10;
	v41 =	vperm.xlane v20, v22;
	v24 =	vadd.s32 v0, v58  }
0x68: {  	v59 =	vld.idx.msk [tilespmem:v36+s5+$0x0], $0xffff;
	v63 =	vadd.s32 v30, v61;
	v46 =	vperm.xlane v20, v21;
	v42 =	vadd.s32 v2, v62  }
0x69: {  	v31 =	vadd.s32 v31, v43;
	v49 =	vperm.xlane v20, v63;
	v30 =	vadd.s32 v3, v41  }
0x6a: {  	v26 =	vadd.s32 v57, v60;
	v50 =	vperm.xlane v20, v31;
	v34 =	vadd.s32 v4, v46  }
0x6b: {  	v51 =	vperm.xlane v19, v27;
	v47 =	vperm.xlane v20, v26;
	v33 =	vadd.s32 v7, v49  }
0x6c: {  	v52 =	vperm.xlane v19, v25;
	v53 =	vperm.xlane v19, v22;
	v35 =	vadd.s32 v8, v50;
	v24 =	vld.idx.msk [tilespmem:v24+s5+$0x0], $0xffff  }
0x6d: {  	v54 =	vperm.xlane v19, v21;
	vm15 =	vgt.f32 v59, v44;
	v28 =	vadd.s32 v5, v47;
	v32 =	vld.idx.msk [tilespmem:v42+s5+$0x0], $0xffff  }
0x6e: {  	v27 =	vshll.u32 v27, $0x1;
	v25 =	vshll.u32 v25, $0x1;
	v48 =	vsel vm15, $0x2, v10;
	v30 =	vld.idx.msk [tilespmem:v30+s5+$0x0], $0xffff  }
0x6f: {  	v22 =	vshll.u32 v22, $0x1;
	v56 =	vperm.xlane v19, v63;
	v23 =	vadd.s32 v23, v48;
	v34 =	vld.idx.msk [tilespmem:v34+s5+$0x0], $0xffff  }
0x70: {  	v21 =	vshll.u32 v21, $0x1;
	v57 =	vperm.xlane v19, v31;
	v20 =	vperm.xlane v20, v23;
	v33 =	vld.idx.msk [tilespmem:v33+s5+$0x0], $0xffff  }
0x71: {  	v61 =	vshll.u32 v63, $0x1;
	v55 =	vperm.xlane v19, v26;
	v26 =	vshll.u32 v26, $0x1;
	v58 =	vld.idx.msk [tilespmem:v35+s5+$0x0], $0xffff  }
0x72: {  	v44 =	vshll.u32 v31, $0x1;
	v19 =	vperm.xlane v19, v23;
	v20 =	vadd.s32 v9, v20;
	v28 =	vld.idx.msk [tilespmem:v28+s5+$0x0], $0xffff  }
0x73: {  	vm4 =	vgt.f32 v24, v51;
	vm5 =	vgt.f32 v32, v52;
	vm6 =	vgt.f32 v30, v53  }
0x74: {  	vm7 =	vgt.f32 v34, v54;
	v36 =	vsel vm4, $0x2, v10;
	v32 =	vsel vm5, $0x2, v10  }
0x75: {  	v59 =	vsel vm6, $0x2, v10;
	v60 =	vsel vm7, $0x2, v10;
	v27 =	vadd.s32 v27, v36;
	v36 =	vld [tilespmem:s20+$0xFFFFFEF0]  }
0x76: {  	vm9 =	vgt.f32 v33, v56;
	vm10 =	vgt.f32 v58, v57;
	v25 =	vadd.s32 v25, v32  }
0x77: {  	v20 =	vld.idx.msk [tilespmem:v20+s5+$0x0], $0xffff;
	v22 =	vadd.s32 v22, v59;
	vm8 =	vgt.f32 v28, v55;
	v21 =	vadd.s32 v21, v60  }
0x78: {  	v62 =	vsel vm9, $0x2, v10;
	v46 =	vsel vm10, $0x2, v10;
	v28 =	vsel vm8, $0x2, v10  }
0x79: {  	v63 =	vadd.s32 $0xFFFFFFF1, v27;
	v29 =	vadd.s32 v44, v46;
	v48 =	vadd.s32 $0xFFFFFFF1, v25  }
0x7a: {  	v50 =	vadd.s32 $0xFFFFFFF1, v22;
	v53 =	vadd.s32 $0xFFFFFFF1, v21;
	v47 =	vperm.xlane v36, v63  }
0x7b: {  	v26 =	vadd.s32 v26, v28;
	v28 =	vadd.s32 v61, v62;
	v49 =	vperm.xlane v36, v48  }
0x7c: {  	vm11 =	vgt.f32 v20, v19;
	v19 =	vperm.xlane v36, v50;
	v32 =	vadd.s32 v0, v47  }
0x7d: {  	v55 =	vadd.s32 $0xFFFFFFF1, v26;
	v54 =	vperm.xlane v36, v53;
	v31 =	vadd.s32 v2, v49  }
0x7e: {  	v57 =	vadd.s32 $0xFFFFFFF1, v28;
	v56 =	vperm.xlane v36, v55;
	v19 =	vadd.s32 v3, v19  }
0x7f: {  	v51 =	vld [tilespmem:s21+$0xFFFFFEF0];
	v59 =	vadd.s32 $0xFFFFFFF1, v29;
	v58 =	vperm.xlane v36, v57;
	v37 =	vadd.s32 v4, v54  }
0x80: {  	v60 =	vperm.xlane v36, v59;
	v34 =	vadd.s32 v5, v56  }
0x81: {  	v40 =	vadd.s32 v7, v58;
	v32 =	vld.idx.msk [tilespmem:v32+s5+$0x0], $0xffff  }
0x82: {  	v23 =	vshll.u32 v23, $0x1;
	v42 =	vadd.s32 v8, v60;
	v31 =	vld.idx.msk [tilespmem:v31+s5+$0x0], $0xffff  }
0x83: {  	v27 =	vshll.u32 v27, $0x1;
	v25 =	vshll.u32 v25, $0x1;
	v22 =	vshll.u32 v22, $0x1;
	v19 =	vld.idx.msk [tilespmem:v19+s5+$0x0], $0xffff  }
0x84: {  	v21 =	vshll.u32 v21, $0x1;
	v24 =	vperm.xlane v51, v63;
	v52 =	vsel vm11, $0x2, v10;
	v37 =	vld.idx.msk [tilespmem:v37+s5+$0x0], $0xffff  }
0x85: {  	v30 =	vperm.xlane v51, v48;
	v33 =	vperm.xlane v51, v50;
	v23 =	vadd.s32 v23, v52;
	v63 =	vld.idx.msk [tilespmem:v34+s5+$0x0], $0xffff  }
0x86: {  	v35 =	vperm.xlane v51, v53;
	v62 =	vperm.xlane v51, v59;
	v61 =	vadd.s32 $0xFFFFFFF1, v23;
	v43 =	vld.idx.msk [tilespmem:v40+s5+$0x0], $0xffff  }
0x87: {  	v29 =	vshll.u32 v29, $0x1;
	v38 =	vperm.xlane v51, v55;
	v36 =	vperm.xlane v36, v61;
	v46 =	vld.idx.msk [tilespmem:v42+s5+$0x0], $0xffff  }
0x88: {  	v28 =	vshll.u32 v28, $0x1;
	v39 =	vperm.xlane v51, v57;
	v20 =	vperm.xlane v51, v61  }
0x89: {  	v49 =	vshll.u32 v26, $0x1;
	v36 =	vadd.s32 v9, v36;
	vm12 =	vgt.f32 v32, v24  }
0x8a: {  	vm13 =	vgt.f32 v31, v30;
	vm14 =	vgt.f32 v19, v33;
	vm15 =	vgt.f32 v37, v35  }
0x8b: {  	vm4 =	vgt.f32 v63, v38;
	vm5 =	vgt.f32 v43, v39;
	v41 =	vsel vm12, $0x2, v10  }
0x8c: {  	s23 =	sadd.s32 $0xFFFFFEF0, s19;
	vm6 =	vgt.f32 v46, v62;
	v19 =	vsel vm13, $0x2, v10;
	v27 =	vadd.s32 v27, v41  }
0x8d: {  	v44 =	vsel vm14, $0x2, v10;
	v19 =	vadd.s32 v25, v19;
	v51 =	vadd.s32 s23, v27  }
0x8e: {  	v47 =	vsel vm15, $0x2, v10;
	v22 =	vadd.s32 v22, v44;
	v53 =	vadd.s32 s23, v19  }
0x8f: {  	v50 =	vsel vm4, $0x2, v10;
	v21 =	vadd.s32 v21, v47;
	v54 =	vadd.s32 s23, v22  }
0x90: {  	v52 =	vsel vm5, $0x2, v10;
	v25 =	vadd.s32 v49, v50;
	v55 =	vadd.s32 s23, v21  }
0x91: {  	v48 =	vld.idx.msk [tilespmem:v36+s5+$0x0], $0xffff;
	v31 =	vsel vm6, $0x2, v10;
	v28 =	vadd.s32 v28, v52;
	v56 =	vadd.s32 s23, v25  }
0x92: {  	v29 =	vadd.s32 v29, v31;
	v57 =	vadd.s32 s23, v28;
	v58 =	vld.idx.msk [tilespmem:v51+s10+$0x0], $0xffff  }
0x93: {  	v59 =	vadd.s32 s23, v29;
	v60 =	vld.idx.msk [tilespmem:v53+s10+$0x0], $0xffff  }
0x94: {  	v62 =	vld.idx.msk [tilespmem:v54+s10+$0x0], $0xffff  }
0x95: {  	v63 =	vld.idx.msk [tilespmem:v55+s10+$0x0], $0xffff  }
0x96: {  	v46 =	vld.idx.msk [tilespmem:v56+s10+$0x0], $0xffff  }
0x97: {  	v47 =	vld.idx.msk [tilespmem:v57+s10+$0x0], $0xffff  }
0x98: {  	vm7 =	vgt.f32 v48, v20;
	v48 =	vld.idx.msk [tilespmem:v59+s10+$0x0], $0xffff  }
0x99: {  	v23 =	vshll.u32 v23, $0x1;
	v30 =	vsel vm7, $0x2, v10;
	v26 =	vld.idx.msk [tilespmem:v51+s11+$0x0], $0xffff  }
0x9a: {  	v23 =	vadd.s32 v23, v30;
	v33 =	vld.idx.msk [tilespmem:v53+s11+$0x0], $0xffff  }
0x9b: {  	v61 =	vadd.s32 s23, v23;
	v24 =	vld.idx.msk [tilespmem:v54+s11+$0x0], $0xffff  }
0x9c: {  	v32 =	vld.idx.msk [tilespmem:v55+s11+$0x0], $0xffff;
	v34 =	vadd.s32 v0, v58  }
0x9d: {  	v20 =	vld.idx.msk [tilespmem:v56+s11+$0x0], $0xffff;
	v35 =	vadd.s32 v2, v60  }
0x9e: {  	v31 =	vld.idx.msk [tilespmem:v57+s11+$0x0], $0xffff;
	v37 =	vadd.s32 v3, v62  }
0x9f: {  	v53 =	vld.idx.msk [tilespmem:v59+s11+$0x0], $0xffff;
	v38 =	vadd.s32 v4, v63  }
0xa0: {  	v49 =	vld.idx.msk [tilespmem:v61+s10+$0x0], $0xffff;
	v39 =	vadd.s32 v5, v46  }
0xa1: {  	v40 =	vadd.s32 v7, v47;
	v34 =	vld.idx.msk [tilespmem:v34+s5+$0x0], $0xffff  }
0xa2: {  	v41 =	vadd.s32 v8, v48;
	v35 =	vld.idx.msk [tilespmem:v35+s5+$0x0], $0xffff  }
0xa3: {  	v37 =	vld.idx.msk [tilespmem:v37+s5+$0x0], $0xffff  }
0xa4: {  	v38 =	vld.idx.msk [tilespmem:v38+s5+$0x0], $0xffff  }
0xa5: {  	v50 =	vld.idx.msk [tilespmem:v39+s5+$0x0], $0xffff  }
0xa6: {  	v52 =	vld.idx.msk [tilespmem:v40+s5+$0x0], $0xffff  }
0xa7: {  	v27 =	vshll.u32 v27, $0x1;
	v19 =	vshll.u32 v19, $0x1;
	v22 =	vshll.u32 v22, $0x1;
	v56 =	vld.idx.msk [tilespmem:v41+s5+$0x0], $0xffff  }
0xa8: {  	v21 =	vshll.u32 v21, $0x1;
	v25 =	vshll.u32 v25, $0x1;
	v43 =	vshll.u32 v29, $0x1  }
0xa9: {  	v60 =	vshll.u32 v28, $0x1;
	v51 =	vadd.s32 v9, v49;
	vm8 =	vgt.f32 v34, v26  }
0xaa: {  	vm9 =	vgt.f32 v35, v33;
	vm10 =	vgt.f32 v37, v24;
	vm11 =	vgt.f32 v38, v32  }
0xab: {  	vm12 =	vgt.f32 v50, v20;
	vm13 =	vgt.f32 v52, v31;
	v34 =	vsel vm8, $0x2, v10  }
0xac: {  	vm14 =	vgt.f32 v56, v53;
	v54 =	vsel vm9, $0x2, v10;
	v27 =	vadd.s32 v27, v34  }
0xad: {  	v55 =	vsel vm10, $0x2, v10;
	v19 =	vadd.s32 v19, v54;
	v59 =	vadd.s32 s23, v27  }
0xae: {  	v32 =	vsel vm11, $0x2, v10;
	v22 =	vadd.s32 v22, v55;
	v62 =	vadd.s32 s23, v19  }
0xaf: {  	v57 =	vld.idx.msk [tilespmem:v61+s11+$0x0], $0xffff;
	v26 =	vsel vm12, $0x2, v10;
	v21 =	vadd.s32 v21, v32;
	v63 =	vadd.s32 s23, v22  }
0xb0: {  	v58 =	vld.idx.msk [tilespmem:v51+s5+$0x0], $0xffff;
	v61 =	vsel vm13, $0x2, v10;
	v33 =	vadd.s32 v25, v26;
	v32 =	vadd.s32 s23, v21  }
0xb1: {  	v31 =	vld [tilespmem:s20+$0xFFFFFFF0];
	v44 =	vsel vm14, $0x2, v10;
	v28 =	vadd.s32 v60, v61;
	v46 =	vadd.s32 s23, v33  }
0xb2: {  	v29 =	vadd.s32 v43, v44;
	v48 =	vadd.s32 s23, v28;
	v49 =	vld.idx.msk [tilespmem:v59+s10+$0x0], $0xffff  }
0xb3: {  	v50 =	vadd.s32 s23, v29;
	v51 =	vld.idx.msk [tilespmem:v62+s10+$0x0], $0xffff  }
0xb4: {  	v52 =	vld.idx.msk [tilespmem:v63+s10+$0x0], $0xffff  }
0xb5: {  	v53 =	vld.idx.msk [tilespmem:v32+s10+$0x0], $0xffff  }
0xb6: {  	v54 =	vld.idx.msk [tilespmem:v46+s10+$0x0], $0xffff  }
0xb7: {  	vm15 =	vgt.f32 v58, v57;
	v55 =	vld.idx.msk [tilespmem:v48+s10+$0x0], $0xffff  }
0xb8: {  	v23 =	vshll.u32 v23, $0x1;
	v47 =	vsel vm15, $0x2, v10;
	v56 =	vld.idx.msk [tilespmem:v50+s10+$0x0], $0xffff  }
0xb9: {  	v35 =	vadd.s32 v23, v47;
	v25 =	vld.idx.msk [tilespmem:v59+s11+$0x0], $0xffff  }
0xba: {  	v36 =	vadd.s32 s23, v35;
	v58 =	vld.idx.msk [tilespmem:v62+s11+$0x0], $0xffff  }
0xbb: {  	v24 =	vld.idx.msk [tilespmem:v63+s11+$0x0], $0xffff  }
0xbc: {  	v32 =	vld.idx.msk [tilespmem:v32+s11+$0x0], $0xffff;
	v34 =	vadd.s32 v0, v49  }
0xbd: {  	v44 =	vld.idx.msk [tilespmem:v46+s11+$0x0], $0xffff;
	v26 =	vadd.s32 v2, v51  }
0xbe: {  	v30 =	vld.idx.msk [tilespmem:v48+s11+$0x0], $0xffff;
	v37 =	vadd.s32 v3, v52  }
0xbf: {  	v57 =	vld.idx.msk [tilespmem:v36+s10+$0x0], $0xffff;
	v60 =	vadd.s32 v4, v53  }
0xc0: {  	v42 =	vld.idx.msk [tilespmem:v50+s11+$0x0], $0xffff;
	v61 =	vadd.s32 v5, v54  }
0xc1: {  	v62 =	vadd.s32 v7, v55;
	v59 =	vld.idx.msk [tilespmem:v34+s5+$0x0], $0xffff  }
0xc2: {  	v63 =	vadd.s32 v8, v56;
	v26 =	vld.idx.msk [tilespmem:v26+s5+$0x0], $0xffff  }
0xc3: {  	v37 =	vld.idx.msk [tilespmem:v37+s5+$0x0], $0xffff  }
0xc4: {  	v46 =	vadd.s32 v9, v57;
	v34 =	vld.idx.msk [tilespmem:v60+s5+$0x0], $0xffff  }
0xc5: {  	v49 =	vld.idx.msk [tilespmem:v61+s5+$0x0], $0xffff  }
0xc6: {  	v51 =	vperm.xlane v31, v1;
	v39 =	vld.idx.msk [tilespmem:v62+s5+$0x0], $0xffff  }
0xc7: {  	v19 =	vshll.u32 v19, $0x1;
	v28 =	vshll.u32 v28, $0x1;
	v47 =	vshll.u32 v27, $0x1;
	v55 =	vld.idx.msk [tilespmem:v63+s5+$0x0], $0xffff  }
0xc8: {  	v54 =	vadd.s32 v0, v51;
	v56 =	vadd.s32 v2, v51;
	v38 =	vadd.s32 v9, v51  }
0xc9: {  	v60 =	vadd.s32 v4, v51;
	v63 =	vadd.s32 v5, v51;
	v57 =	vld.idx.msk [tilespmem:v46+s5+$0x0], $0xffff;
	v46 =	vadd.s32 v7, v51  }
0xca: {  	vm4 =	vgt.f32 v59, v25;
	vm5 =	vgt.f32 v26, v58;
	vm6 =	vgt.f32 v37, v24  }
0xcb: {  	vm7 =	vgt.f32 v34, v32;
	v59 =	vadd.s32 v3, v51;
	vm8 =	vgt.f32 v49, v44  }
0xcc: {  	v52 =	vld.idx.msk [tilespmem:v36+s11+$0x0], $0xffff;
	vm9 =	vgt.f32 v39, v30;
	vm10 =	vgt.f32 v55, v42;
	v49 =	vadd.s32 v8, v51  }
0xcd: {  	v62 =	vld.idx.msk [tilespmem:v54+s5+$0x0], $0xffff;
	v55 =	vshll.u32 v35, $0x1;
	v48 =	vsel vm4, $0x2, v10;
	v50 =	vsel vm5, $0x2, v10  }
0xce: {  	v32 =	vld [tilespmem:s21+$0xFFFFFFF0];
	v53 =	vsel vm6, $0x2, v10;
	v58 =	vsel vm7, $0x2, v10;
	v61 =	vsel vm8, $0x2, v10  }
0xcf: {  	v38 =	vld.idx.msk [tilespmem:v38+s5+$0x0], $0xffff;
	v30 =	vsel vm9, $0x2, v10;
	v54 =	vsel vm10, $0x2, v10;
	v26 =	vadd.s32 v47, v48  }
0xd0: {  	v44 =	vld.idx.msk [tilespmem:v56+s5+$0x0], $0xffff;
	v25 =	vadd.s32 v19, v50;
	v19 =	vshll.u32 v22, $0x1;
	v47 =	vshll.u32 v29, $0x1  }
0xd1: {  	vm11 =	vgt.f32 v57, v52;
	v57 =	vld.idx.msk [tilespmem:v63+s5+$0x0], $0xffff;
	v23 =	vadd.s32 v19, v53;
	v19 =	vshll.u32 v21, $0x1  }
0xd2: {  	v53 =	vld.idx.msk [tilespmem:v60+s5+$0x0], $0xffff;
	v56 =	vsel vm11, $0x2, v10;
	v24 =	vadd.s32 v47, v54;
	v27 =	vadd.s32 s23, v25  }
0xd3: {  	v20 =	vadd.s32 v19, v58;
	v19 =	vshll.u32 v33, $0x1;
	v50 =	vperm.xlane v32, v1  }
0xd4: {  	v21 =	vadd.s32 v55, v56;
	v22 =	vadd.s32 v19, v61;
	v19 =	vadd.s32 v28, v30  }
0xd5: {  	v33 =	vld.idx.msk [tilespmem:v46+s5+$0x0], $0xffff;
	v28 =	vadd.s32 s23, v26;
	v30 =	vadd.s32 s23, v23;
	vm12 =	vgt.f32 v62, v50  }
0xd6: {  	vm13 =	vgt.f32 v44, v50;
	vm2 =	vgt.f32 v57, v50;
	vm10 =	vgt.f32 v38, v50  }
0xd7: {  	v48 =	vld.idx.msk [tilespmem:v59+s5+$0x0], $0xffff;
	v39 =	vsel vm12, $0x2, v10;
	v59 =	vsel vm13, $0x2, v10;
	vm15 =	vgt.f32 v53, v50  }
0xd8: {  	v52 =	vsel vm2, $0x2, v10;
	v38 =	vsel vm10, $0x2, v10;
	v60 =	vperm.xlane v31, v39  }
0xd9: {  	v58 =	vld.idx.msk [tilespmem:v49+s5+$0x0], $0xffff;
	v49 =	vsel vm12, $0x4, v11;
	v61 =	vperm.xlane v31, v59;
	v63 =	vsel vm15, $0x2, v10  }
0xda: {  	vm3 =	vgt.f32 v33, v50;
	v55 =	vperm.xlane v31, v52;
	v40 =	vadd.s32 v0, v60  }
0xdb: {  	v46 =	vperm.xlane v31, v38;
	v53 =	vperm.xlane v31, v63;
	v29 =	vadd.s32 v2, v61  }
0xdc: {  	vm14 =	vgt.f32 v48, v50;
	v54 =	vsel vm3, $0x2, v10;
	v48 =	vadd.s32 v5, v55  }
0xdd: {  	v18 =	vmovc v17;
	v17 =	vmovc v16;
	v62 =	vsel vm14, $0x2, v10;
	v57 =	vperm.xlane v31, v54;
	v33 =	vadd.s32 v4, v53  }
0xde: {  	v16 =	vmovc v15;
	v39 =	vperm.xlane v32, v39;
	vm9 =	vgt.f32 v58, v50;
	v51 =	vperm.xlane v31, v62  }
0xdf: {  	v15 =	vmovc v14;
	v34 =	vperm.xlane v32, v59;
	v56 =	vsel vm9, $0x2, v10;
	v44 =	vadd.s32 v7, v57;
	v40 =	vld.idx.msk [tilespmem:v40+s5+$0x0], $0xffff  }
0xe0: {  	v42 =	vperm.xlane v32, v52;
	v58 =	vperm.xlane v31, v56;
	v35 =	vadd.s32 v3, v51;
	v47 =	vld.idx.msk [tilespmem:v29+s5+$0x0], $0xffff  }
0xe1: {  	v38 =	vperm.xlane v32, v38;
	v41 =	vperm.xlane v32, v63;
	v60 =	vadd.s32 v9, v46;
	v59 =	vld.idx.msk [tilespmem:v48+s5+$0x0], $0xffff  }
0xe2: {  	v14 =	vmovc v45;
	v52 =	vsel vm3, $0x4, v11;
	v43 =	vperm.xlane v32, v54;
	v45 =	vadd.s32 v8, v58;
	v33 =	vld.idx.msk [tilespmem:v33+s5+$0x0], $0xffff  }
0xe3: {  	v61 =	vsel vm13, $0x4, v11;
	v55 =	vsel vm9, $0x4, v11;
	v37 =	vperm.xlane v32, v62  }
0xe4: {  	v36 =	vperm.xlane v32, v56;
	v62 =	vsel vm14, $0x4, v11;
	v29 =	vadd.s32 s23, v20;
	v44 =	vld.idx.msk [tilespmem:v44+s5+$0x0], $0xffff  }
0xe5: {  	v48 =	vsel vm15, $0x4, v11;
	v35 =	vld.idx.msk [tilespmem:v35+s5+$0x0], $0xffff;
	vm11 =	vgt.f32 v40, v39;
	vm12 =	vgt.f32 v47, v34  }
0xe6: {  	vm15 =	vgt.f32 v59, v42;
	v34 =	vld.idx.msk [tilespmem:v60+s5+$0x0], $0xffff;
	v60 =	vsel vm10, $0x4, v11;
	v40 =	vsel vm11, $0x2, v10  }
0xe7: {  	v63 =	vld.idx.msk [tilespmem:v45+s5+$0x0], $0xffff;
	v47 =	vsel vm12, $0x2, v10;
	vm14 =	vgt.f32 v33, v41;
	v50 =	vsel vm15, $0x2, v10  }
0xe8: {  	v33 =	vadd.s32 s23, v22;
	v40 =	vadd.s32 v49, v40;
	v46 =	vadd.s32 v61, v47  }
0xe9: {  	v41 =	vsel vm14, $0x2, v10;
	v49 =	vsel vm2, $0x4, v11;
	vm7 =	vgt.f32 v44, v43  }
0xea: {  	vm13 =	vgt.f32 v35, v37;
	v37 =	vadd.s32 v48, v41;
	v51 =	vperm.xlane v31, v40  }
0xeb: {  	v39 =	vadd.s32 v49, v50;
	v43 =	vsel vm7, $0x2, v10;
	v53 =	vperm.xlane v31, v46  }
0xec: {  	vm8 =	vgt.f32 v63, v36;
	v50 =	vperm.xlane v32, v40;
	v40 =	vshll.u32 v40, $0x1  }
0xed: {  	v35 =	vsel vm13, $0x2, v10;
	v41 =	vadd.s32 v52, v43;
	v56 =	vsel vm8, $0x2, v10  }
0xee: {  	v57 =	vperm.xlane v31, v37;
	v35 =	vadd.s32 v62, v35;
	v42 =	vadd.s32 v0, v51  }
0xef: {  	v44 =	vadd.s32 v2, v53;
	vm9 =	vgt.f32 v34, v38;
	v54 =	vperm.xlane v31, v35  }
0xf0: {  	v62 =	vperm.xlane v31, v39;
	v59 =	vperm.xlane v31, v41;
	v63 =	vadd.s32 v4, v57  }
0xf1: {  	v36 =	vadd.s32 v55, v56;
	v61 =	vsel vm9, $0x2, v10;
	v58 =	vadd.s32 v3, v54  }
0xf2: {  	v43 =	vadd.s32 v60, v61;
	v60 =	vperm.xlane v31, v36;
	v53 =	vadd.s32 v7, v59  }
0xf3: {  	v51 =	vperm.xlane v32, v46;
	v34 =	vadd.s32 s23, v19;
	v55 =	vperm.xlane v32, v39;
	v42 =	vld.idx.msk [tilespmem:v42+s5+$0x0], $0xffff  }
0xf4: {  	v56 =	vperm.xlane v32, v41;
	v47 =	vadd.s32 v5, v62;
	v62 =	vadd.s32 v8, v60;
	v44 =	vld.idx.msk [tilespmem:v44+s5+$0x0], $0xffff  }
0xf5: {  	v46 =	vshll.u32 v46, $0x1;
	v39 =	vshll.u32 v39, $0x1;
	v61 =	vperm.xlane v31, v43;
	v45 =	vld.idx.msk [tilespmem:v63+s5+$0x0], $0xffff  }
0xf6: {  	v41 =	vshll.u32 v41, $0x1;
	v52 =	vperm.xlane v32, v35;
	v57 =	vperm.xlane v32, v36;
	v38 =	vld.idx.msk [tilespmem:v58+s5+$0x0], $0xffff  }
0xf7: {  	v35 =	vshll.u32 v35, $0x1;
	v36 =	vshll.u32 v36, $0x1;
	v49 =	vadd.s32 v9, v61;
	v58 =	vld.idx.msk [tilespmem:v53+s5+$0x0], $0xffff  }
0xf8: {  	v54 =	vperm.xlane v32, v37;
	v37 =	vshll.u32 v37, $0x1;
	vm10 =	vgt.f32 v42, v50  }
0xf9: {  	v61 =	vld.idx.msk [tilespmem:v62+s5+$0x0], $0xffff;
	v50 =	vperm.xlane v32, v43;
	vm11 =	vgt.f32 v44, v51;
	v43 =	vshll.u32 v43, $0x1  }
0xfa: {  	v63 =	vsel vm10, $0x2, v10;
	v59 =	vsel vm11, $0x2, v10;
	vm13 =	vgt.f32 v45, v54  }
0xfb: {  	v42 =	vld.idx.msk [tilespmem:v47+s5+$0x0], $0xffff;
	v40 =	vadd.s32 v40, v63;
	v45 =	vsel vm13, $0x2, v10;
	vm12 =	vgt.f32 v38, v52  }
0xfc: {  	v62 =	vld.idx.msk [tilespmem:v49+s5+$0x0], $0xffff;
	v38 =	vadd.s32 v46, v59;
	v37 =	vadd.s32 v37, v45;
	vm15 =	vgt.f32 v58, v56  }
0xfd: {  	v49 =	vperm.xlane v31, v40;
	v60 =	vsel vm12, $0x2, v10;
	v51 =	vsel vm15, $0x2, v10  }
0xfe: {  	v52 =	vperm.xlane v31, v38;
	vm4 =	vgt.f32 v61, v57;
	v58 =	vperm.xlane v31, v37  }
0xff: {  	v61 =	vperm.xlane v32, v40;
	v40 =	vshll.u32 v40, $0x1;
	v35 =	vadd.s32 v35, v60  }
0x100: {  	vm14 =	vgt.f32 v42, v55;
	v41 =	vadd.s32 v41, v51;
	v55 =	vsel vm4, $0x2, v10  }
0x101: {  	vm5 =	vgt.f32 v62, v50;
	v62 =	vperm.xlane v32, v38;
	v54 =	vadd.s32 v2, v52  }
0x102: {  	v63 =	vsel vm14, $0x2, v10;
	v53 =	vperm.xlane v31, v35;
	v48 =	vadd.s32 v4, v58  }
0x103: {  	v60 =	vperm.xlane v31, v41;
	v45 =	vadd.s32 v39, v63;
	v39 =	vadd.s32 v0, v49  }
0x104: {  	v38 =	vshll.u32 v38, $0x1;
	v57 =	vsel vm5, $0x2, v10;
	v56 =	vadd.s32 v3, v53  }
0x105: {  	v51 =	vld.idx.msk [tilespmem:v27+s10+$0x0], $0xffff;
	v36 =	vadd.s32 v36, v55;
	v55 =	vperm.xlane v32, v37;
	v47 =	vadd.s32 v7, v60  }
0x106: {  	v58 =	vperm.xlane v32, v41;
	v43 =	vadd.s32 v43, v57;
	v59 =	vperm.xlane v31, v45;
	v44 =	vld.idx.msk [tilespmem:v54+s5+$0x0], $0xffff  }
0x107: {  	v37 =	vshll.u32 v37, $0x1;
	v49 =	vperm.xlane v31, v36;
	v31 =	vperm.xlane v31, v43;
	v48 =	vld.idx.msk [tilespmem:v48+s5+$0x0], $0xffff  }
0x108: {  	v41 =	vshll.u32 v41, $0x1;
	v63 =	vperm.xlane v32, v35;
	v46 =	vadd.s32 v5, v59;
	v50 =	vld.idx.msk [tilespmem:v39+s5+$0x0], $0xffff  }
0x109: {  	v35 =	vshll.u32 v35, $0x1;
	v60 =	vperm.xlane v32, v45;
	v31 =	vadd.s32 v9, v31;
	v42 =	vld.idx.msk [tilespmem:v56+s5+$0x0], $0xffff  }
0x10a: {  	v45 =	vshll.u32 v45, $0x1;
	v49 =	vadd.s32 v8, v49;
	v59 =	vperm.xlane v32, v36;
	v47 =	vld.idx.msk [tilespmem:v47+s5+$0x0], $0xffff  }
0x10b: {  	v32 =	vperm.xlane v32, v43;
	v36 =	vshll.u32 v36, $0x1;
	v51 =	vadd.s32 v2, v51  }
0x10c: {  	v57 =	vld [tilespmem:s20+$0x0];
	v43 =	vshll.u32 v43, $0x1;
	v54 =	vadd.s32 s23, v24;
	v39 =	vadd.s32 s23, v21  }
0x10d: {  	v46 =	vld.idx.msk [tilespmem:v46+s5+$0x0], $0xffff;
	vm7 =	vgt.f32 v44, v62;
	vm9 =	vgt.f32 v48, v55;
	vm6 =	vgt.f32 v50, v61  }
0x10e: {  	v31 =	vld.idx.msk [tilespmem:v31+s5+$0x0], $0xffff;
	v61 =	vsel vm7, $0x2, v10;
	v48 =	vsel vm9, $0x2, v10;
	v50 =	vsel vm6, $0x2, v10  }
0x10f: {  	vm8 =	vgt.f32 v42, v63;
	v42 =	vadd.s32 v38, v61;
	vm11 =	vgt.f32 v47, v58  }
0x110: {  	v51 =	vld.idx.msk [tilespmem:v51+s5+$0x0], $0xffff;
	v48 =	vadd.s32 v37, v48;
	v62 =	vsel vm8, $0x2, v10;
	v40 =	vadd.s32 v40, v50  }
0x111: {  	v63 =	vld.idx.msk [tilespmem:v49+s5+$0x0], $0xffff;
	v37 =	vadd.s32 $0xFFFFFFF1, v42;
	v56 =	vadd.s32 $0xFFFFFFF1, v48;
	v44 =	vadd.s32 v35, v62  }
0x112: {  	v47 =	vld.idx.msk [tilespmem:v28+s10+$0x0], $0xffff;
	v38 =	vadd.s32 $0xFFFFFFF1, v40;
	vm10 =	vgt.f32 v46, v60;
	v62 =	vsel vm11, $0x2, v10  }
0x113: {  	v50 =	vld [tilespmem:s21+$0x0];
	vm13 =	vgt.f32 v31, v32;
	v60 =	vperm.xlane v57, v38;
	v61 =	vsel vm10, $0x2, v10  }
0x114: {  	v55 =	vld.idx.msk [tilespmem:v29+s10+$0x0], $0xffff;
	v41 =	vadd.s32 v41, v62;
	v53 =	vadd.s32 $0xFFFFFFF1, v44;
	v32 =	vsel vm13, $0x2, v10  }
0x115: {  	v49 =	vld.idx.msk [tilespmem:v30+s10+$0x0], $0xffff;
	v45 =	vadd.s32 v45, v61;
	v31 =	vperm.xlane v57, v53;
	v43 =	vadd.s32 v43, v32  }
0x116: {  	v58 =	vld.idx.msk [tilespmem:v33+s10+$0x0], $0xffff;
	v46 =	vadd.s32 v0, v60;
	vm12 =	vgt.f32 v63, v59;
	v63 =	vperm.xlane v57, v37  }
0x117: {  	v61 =	vld.idx.msk [tilespmem:v34+s10+$0x0], $0xffff;
	v59 =	vperm.xlane v57, v56;
	v60 =	vadd.s32 $0xFFFFFFF1, v45;
	v47 =	vadd.s32 v0, v47  }
0x118: {  	v35 =	vsel vm12, $0x2, v10;
	v31 =	vadd.s32 v3, v31;
	v13 =	vperm.xlane v50, v37;
	v37 =	vld.idx.msk [tilespmem:v28+s11+$0x0], $0xffff  }
0x119: {  	v32 =	vperm.xlane v57, v60;
	v52 =	vadd.s32 v2, v63;
	v62 =	vadd.s32 v36, v35;
	v35 =	vld.idx.msk [tilespmem:v54+s10+$0x0], $0xffff  }
0x11a: {  	v63 =	vadd.s32 $0xFFFFFFF1, v41;
	v59 =	vadd.s32 v4, v59;
	v36 =	vld.idx.msk [tilespmem:v39+s10+$0x0], $0xffff  }
0x11b: {  	v1 =	vperm.xlane v57, v63;
	v32 =	vadd.s32 v5, v32;
	v46 =	vld.idx.msk [tilespmem:v46+s5+$0x0], $0xffff  }
0x11c: {  	v47 =	vld.idx.msk [tilespmem:v47+s5+$0x0], $0xffff  }
0x11d: {  	v6 =	vadd.s32 $0xFFFFFFF1, v62;
	v1 =	vadd.s32 v7, v1;
	v31 =	vld.idx.msk [tilespmem:v31+s5+$0x0], $0xffff  }
0x11e: {  	v12 =	vperm.xlane v57, v6;
	v52 =	vld.idx.msk [tilespmem:v52+s5+$0x0], $0xffff  }
0x11f: {  	v38 =	vperm.xlane v50, v38;
	v59 =	vld.idx.msk [tilespmem:v59+s5+$0x0], $0xffff  }
0x120: {  	v12 =	vadd.s32 v8, v12;
	v32 =	vld.idx.msk [tilespmem:v32+s5+$0x0], $0xffff  }
0x121: {  	v42 =	vshll.u32 v42, $0x1;
	v28 =	vperm.xlane v50, v53;
	vm14 =	vgt.f32 v46, v38;
	v38 =	vld.idx.msk [tilespmem:v27+s11+$0x0], $0xffff  }
0x122: {  	v40 =	vshll.u32 v40, $0x1;
	v53 =	vperm.xlane v50, v56;
	v56 =	vperm.xlane v50, v60;
	v1 =	vld.idx.msk [tilespmem:v1+s5+$0x0], $0xffff  }
0x123: {  	v60 =	vperm.xlane v50, v63;
	v6 =	vperm.xlane v50, v6;
	v46 =	vadd.s32 $0xFFFFFFF1, v43;
	v27 =	vld.idx.msk [tilespmem:v30+s11+$0x0], $0xffff  }
0x124: {  	v35 =	vadd.s32 v8, v35;
	v36 =	vadd.s32 v9, v36;
	v30 =	vld.idx.msk [tilespmem:v34+s11+$0x0], $0xffff;
	v57 =	vperm.xlane v57, v46  }
0x125: {  	v63 =	vsel vm14, $0x2, v10;
	v46 =	vperm.xlane v50, v46;
	vm4 =	vgt.f32 v31, v28;
	v12 =	vld.idx.msk [tilespmem:v12+s5+$0x0], $0xffff  }
0x126: {  	v28 =	vld.idx.msk [tilespmem:v29+s11+$0x0], $0xffff;
	v40 =	vadd.s32 v40, v63;
	vm15 =	vgt.f32 v52, v13;
	vm5 =	vgt.f32 v59, v53  }
0x127: {  	v29 =	vld.idx.msk [tilespmem:v33+s11+$0x0], $0xffff;
	v63 =	vshll.u32 v48, $0x1;
	v50 =	vadd.s32 v9, v57;
	v48 =	vsel vm5, $0x2, v10  }
0x128: {  	v31 =	vld.idx.msk [tilespmem:v54+s11+$0x0], $0xffff;
	v48 =	vadd.s32 v63, v48;
	vm7 =	vgt.f32 v1, v60;
	v1 =	vadd.s32 s19, v40  }
0x129: {  	v52 =	vshll.u32 v44, $0x1;
	v53 =	vshll.u32 v45, $0x1;
	v35 =	vld.idx.msk [tilespmem:v35+s5+$0x0], $0xffff;
	v45 =	vadd.s32 s19, v48  }
0x12a: {  	v36 =	vld.idx.msk [tilespmem:v36+s5+$0x0], $0xffff;
	v13 =	vsel vm15, $0x2, v10;
	v57 =	vsel vm4, $0x2, v10;
	vm6 =	vgt.f32 v32, v56  }
0x12b: {  	v32 =	vld.idx.msk [tilespmem:v39+s11+$0x0], $0xffff;
	v13 =	vadd.s32 v42, v13;
	v42 =	vadd.s32 v52, v57;
	v56 =	vsel vm6, $0x2, v10  }
0x12c: {  	v33 =	vadd.s32 v53, v56;
	vm8 =	vgt.f32 v12, v6;
	v6 =	vadd.s32 s19, v42;
	v52 =	vld.idx.msk [tilespmem:v50+s5+$0x0], $0xffff  }
0x12d: {  	v39 =	vadd.s32 s19, v33;
	v50 =	vld.idx.msk [tilespmem:v1+s10+$0x0], $0xffff  }
0x12e: {  	v56 =	vld.idx.msk [tilespmem:v45+s10+$0x0], $0xffff  }
0x12f: {  	v57 =	vshll.u32 v41, $0x1;
	v41 =	vadd.s32 s19, v13;
	v1 =	vld.idx.msk [tilespmem:v1+s11+$0x0], $0xffff  }
0x130: {  	v43 =	vshll.u32 v43, $0x1;
	v59 =	vsel vm7, $0x2, v10;
	v12 =	vshll.u32 v62, $0x1;
	v45 =	vld.idx.msk [tilespmem:v45+s11+$0x0], $0xffff  }
0x131: {  	v34 =	vadd.s32 v57, v59;
	v60 =	vsel vm8, $0x2, v10;
	v54 =	vld.idx.msk [tilespmem:v6+s10+$0x0], $0xffff;
	vm9 =	vgt.f32 v52, v46  }
0x132: {  	v12 =	vadd.s32 v12, v60;
	v57 =	vld.idx.msk [tilespmem:v39+s10+$0x0], $0xffff;
	v46 =	vadd.s32 s19, v34;
	v44 =	vsel vm9, $0x2, v10  }
0x133: {  	v6 =	vld.idx.msk [tilespmem:v6+s11+$0x0], $0xffff;
	v43 =	vadd.s32 v43, v44;
	v44 =	vadd.s32 s19, v12  }
0x134: {  	v52 =	vld.idx.msk [tilespmem:v41+s10+$0x0], $0xffff;
	v50 =	vadd.s32 v0, v50  }
0x135: {  	v39 =	vld.idx.msk [tilespmem:v39+s11+$0x0], $0xffff;
	v56 =	vadd.s32 v4, v56  }
0x136: {  	v41 =	vld.idx.msk [tilespmem:v41+s11+$0x0], $0xffff;
	v54 =	vadd.s32 v3, v54  }
0x137: {  	v59 =	vld.idx.msk [tilespmem:v46+s10+$0x0], $0xffff  }
0x138: {  	v53 =	vadd.s32 s19, v43;
	v60 =	vld.idx.msk [tilespmem:v44+s10+$0x0], $0xffff  }
0x139: {  	v52 =	vadd.s32 v2, v52;
	v50 =	vld.idx.msk [tilespmem:v50+s5+$0x0], $0xffff  }
0x13a: {  	v57 =	vadd.s32 v5, v57;
	v56 =	vld.idx.msk [tilespmem:v56+s5+$0x0], $0xffff  }
0x13b: {  	v54 =	vld.idx.msk [tilespmem:v54+s5+$0x0], $0xffff  }
0x13c: {  	v46 =	vld.idx.msk [tilespmem:v46+s11+$0x0], $0xffff;
	v59 =	vadd.s32 v7, v59  }
0x13d: {  	v49 =	vadd.s32 v3, v49;
	v62 =	vld.idx.msk [tilespmem:v53+s10+$0x0], $0xffff  }
0x13e: {  	v55 =	vadd.s32 v4, v55;
	v40 =	vshll.u32 v40, $0x1;
	v52 =	vld.idx.msk [tilespmem:v52+s5+$0x0], $0xffff  }
0x13f: {  	v60 =	vadd.s32 v8, v60;
	vm10 =	vgt.f32 v50, v1;
	v1 =	vadd.s32 v5, v58;
	v50 =	vld.idx.msk [tilespmem:v57+s5+$0x0], $0xffff  }
0x140: {  	vm13 =	vgt.f32 v56, v45;
	v57 =	vsel vm10, $0x2, v10;
	vm12 =	vgt.f32 v54, v6;
	v6 =	vld.idx.msk [tilespmem:v44+s11+$0x0], $0xffff  }
0x141: {  	v45 =	vsel vm13, $0x2, v10;
	v40 =	vadd.s32 v40, v57;
	v57 =	vld.idx.msk [tilespmem:v59+s5+$0x0], $0xffff;
	v59 =	vshll.u32 v48, $0x1  }
0x142: {  	v58 =	vadd.s32 v7, v61;
	v61 =	vadd.s32 v9, v62;
	v44 =	vadd.s32 v59, v45;
	v45 =	vld.idx.msk [tilespmem:v49+s5+$0x0], $0xffff  }
0x143: {  	v56 =	vld.idx.msk [tilespmem:v53+s11+$0x0], $0xffff  }
0x144: {  	vm11 =	vgt.f32 v52, v41;
	v63 =	vld.idx.msk [tilespmem:v60+s5+$0x0], $0xffff;
	vm14 =	vgt.f32 v50, v39;
	v50 =	vadd.s32 s19, v40  }
0x145: {  	v13 =	vshll.u32 v13, $0x1;
	v33 =	vshll.u32 v33, $0x1;
	v41 =	vsel vm11, $0x2, v10;
	v49 =	vld.idx.msk [tilespmem:v55+s5+$0x0], $0xffff  }
0x146: {  	v13 =	vadd.s32 v13, v41;
	v1 =	vld.idx.msk [tilespmem:v1+s5+$0x0], $0xffff;
	v52 =	vadd.s32 s19, v44;
	vm15 =	vgt.f32 v57, v46  }
0x147: {  	v60 =	vld.idx.msk [tilespmem:v61+s5+$0x0], $0xffff;
	v48 =	vadd.s32 s19, v13;
	v46 =	vsel vm15, $0x2, v10;
	vm15 =	vgt.f32 v45, v27  }
0x148: {  	v45 =	vmovc v14;
	v14 =	vmovc v15;
	v15 =	vmov v16;
	v16 =	vmov v17;
	v17 =	vmov v18;
	v18 =	vld [tilespmem:$0x1FFD0]  }
0x149: {  	v34 =	vshll.u32 v34, $0x1;
	v61 =	vsel vm14, $0x2, v10;
	vm4 =	vgt.f32 v63, v6;
	v63 =	vld.idx.msk [tilespmem:v50+s10+$0x0], $0xffff  }
0x14a: {  	v33 =	vadd.s32 v33, v61;
	v34 =	vadd.s32 v34, v46;
	v46 =	vld.idx.msk [tilespmem:v58+s5+$0x0], $0xffff  }
0x14b: {  	v42 =	vshll.u32 v42, $0x1;
	v62 =	vsel vm12, $0x2, v10;
	v39 =	vadd.s32 s19, v33;
	v50 =	vld.idx.msk [tilespmem:v50+s11+$0x0], $0xffff  }
0x14c: {  	vm6 =	vgt.f32 v47, v37;
	v41 =	vadd.s32 v42, v62;
	v37 =	vld.idx.msk [tilespmem:v52+s11+$0x0], $0xffff;
	vm5 =	vgt.f32 v60, v56  }
0x14d: {  	v43 =	vshll.u32 v43, $0x1;
	v6 =	vadd.s32 s19, v41;
	v55 =	vld.idx.msk [tilespmem:v48+s10+$0x0], $0xffff;
	v58 =	vsel vm5, $0x2, v10  }
0x14e: {  	v43 =	vadd.s32 v43, v58;
	v58 =	vld.idx.msk [tilespmem:v52+s10+$0x0], $0xffff  }
0x14f: {  	v12 =	vshll.u32 v12, $0x1;
	v62 =	vsel vm4, $0x2, v10;
	v54 =	vadd.s32 s19, v34;
	v48 =	vld.idx.msk [tilespmem:v48+s11+$0x0], $0xffff  }
0x150: {  	v12 =	vadd.s32 v12, v62;
	v59 =	vld.idx.msk [tilespmem:v39+s10+$0x0], $0xffff;
	v42 =	vadd.s32 v0, v63  }
0x151: {  	v53 =	vadd.s32 s19, v12;
	v39 =	vld.idx.msk [tilespmem:v39+s11+$0x0], $0xffff  }
0x152: {  	v57 =	vld.idx.msk [tilespmem:v6+s10+$0x0], $0xffff  }
0x153: {  	v6 =	vld.idx.msk [tilespmem:v6+s11+$0x0], $0xffff;
	v58 =	vadd.s32 v4, v58  }
0x154: {  	v56 =	vadd.s32 s19, v43;
	v60 =	vld.idx.msk [tilespmem:v54+s10+$0x0], $0xffff  }
0x155: {  	s30 =	sadd.s32 $0xFFFFFF00, s18;
	v26 =	vshll.u32 v26, $0x1;
	v55 =	vadd.s32 v2, v55;
	v42 =	vld.idx.msk [tilespmem:v42+s5+$0x0], $0xffff  }
0x156: {  	v26 =	vadd.s32 s30, v26;
	v61 =	vld.idx.msk [tilespmem:v53+s10+$0x0], $0xffff;
	v47 =	vadd.s32 v5, v59;
	v59 =	vsel vm6, $0x2, v10  }
0x157: {  	v25 =	vshll.u32 v25, $0x1;
	vm7 =	vgt.f32 v51, v38;
	v54 =	vld.idx.msk [tilespmem:v54+s11+$0x0], $0xffff;
	v26 =	vadd.s32 v59, v26  }
0x158: {  	v25 =	vadd.s32 s30, v25;
	v59 =	vsel vm7, $0x2, v10;
	v57 =	vadd.s32 v3, v57;
	v52 =	vld.idx.msk [tilespmem:v58+s5+$0x0], $0xffff  }
0x159: {  	v62 =	vld.idx.msk [tilespmem:v56+s10+$0x0], $0xffff;
	v25 =	vadd.s32 v59, v25  }
0x15a: {  	v51 =	vld.idx.msk [tilespmem:v55+s5+$0x0], $0xffff;
	v63 =	vadd.s32 v7, v60;
	vm8 =	vgt.f32 v42, v50  }
0x15b: {  	v40 =	vshll.u32 v40, $0x1;
	v60 =	vadd.s32 v8, v61;
	v47 =	vld.idx.msk [tilespmem:v47+s5+$0x0], $0xffff;
	v61 =	vsel vm8, $0x2, v10  }
0x15c: {  	v26 =	vld.idx.msk [tilespmem:v26+s12+$0x0], $0xffff;
	v40 =	vadd.s32 v40, v61  }
0x15d: {  	v23 =	vshll.u32 v23, $0x1;
	v38 =	vld.idx.msk [tilespmem:v57+s5+$0x0], $0xffff;
	vm11 =	vgt.f32 v52, v37;
	v37 =	vadd.s32 s19, v40  }
0x15e: {  	v23 =	vadd.s32 s30, v23;
	v20 =	vshll.u32 v20, $0x1;
	v25 =	vld.idx.msk [tilespmem:v25+s12+$0x0], $0xffff  }
0x15f: {  	v20 =	vadd.s32 s30, v20;
	v22 =	vshll.u32 v22, $0x1;
	vm9 =	vgt.f32 v51, v48;
	v42 =	vld.idx.msk [tilespmem:v63+s5+$0x0], $0xffff  }
0x160: {  	v13 =	vshll.u32 v13, $0x1;
	v57 =	vadd.s32 v9, v62;
	v48 =	vsel vm9, $0x2, v10;
	v58 =	vld.idx.msk [tilespmem:v60+s5+$0x0], $0xffff  }
0x161: {  	v33 =	vshll.u32 v33, $0x1;
	v13 =	vadd.s32 v13, v48;
	vm12 =	vgt.f32 v47, v39;
	v47 =	vld.idx.msk [tilespmem:v56+s11+$0x0], $0xffff  }
0x162: {  	v63 =	vshll.u32 v41, $0x1;
	v61 =	vsel vm12, $0x2, v10;
	v41 =	vadd.s32 s19, v13;
	v62 =	vld.idx.msk [tilespmem:v37+s10+$0x0], $0xffff  }
0x163: {  	v56 =	vshll.u32 v43, $0x1;
	v43 =	vld [tilespmem:$0x1FFE0];
	vm10 =	vgt.f32 v38, v6;
	v33 =	vadd.s32 v33, v61  }
0x164: {  	v22 =	vadd.s32 s30, v22;
	v6 =	vld.idx.msk [tilespmem:v53+s11+$0x0], $0xffff;
	v53 =	vsel vm10, $0x2, v10;
	v50 =	vadd.s32 s19, v33  }
0x165: {  	v34 =	vshll.u32 v34, $0x1;
	v51 =	vld.idx.msk [tilespmem:v57+s5+$0x0], $0xffff;
	vm13 =	vgt.f32 v42, v54;
	v38 =	vadd.s32 v63, v53  }
0x166: {  	v59 =	vshll.u32 v44, $0x1;
	v42 =	vsel vm13, $0x2, v10;
	v44 =	vadd.s32 s19, v38;
	v37 =	vld.idx.msk [tilespmem:v37+s11+$0x0], $0xffff  }
0x167: {  	v60 =	vsel vm11, $0x2, v10;
	v34 =	vadd.s32 v34, v42;
	v53 =	vld.idx.msk [tilespmem:v41+s10+$0x0], $0xffff;
	v42 =	vadd.s32 v0, v62  }
0x168: {  	v19 =	vshll.u32 v19, $0x1;
	v39 =	vadd.s32 v59, v60;
	vm10 =	vgt.f32 v1, v29;
	v1 =	vld.idx.msk [tilespmem:v41+s11+$0x0], $0xffff  }
0x169: {  	v19 =	vadd.s32 s30, v19;
	vm14 =	vgt.f32 v58, v6;
	v6 =	vadd.s32 s19, v39;
	v60 =	vld.idx.msk [tilespmem:v50+s10+$0x0], $0xffff  }
0x16a: {  	v12 =	vshll.u32 v12, $0x1;
	vm11 =	vgt.f32 v46, v30;
	v48 =	vsel vm14, $0x2, v10;
	v30 =	vld.idx.msk [tilespmem:v50+s11+$0x0], $0xffff  }
0x16b: {  	v24 =	vshll.u32 v24, $0x1;
	v12 =	vadd.s32 v12, v48;
	v48 =	vadd.s32 s19, v34;
	v63 =	vld.idx.msk [tilespmem:v44+s10+$0x0], $0xffff  }
0x16c: {  	vm14 =	vgt.f32 v51, v47;
	v47 =	vsel vm15, $0x2, v10;
	v53 =	vadd.s32 v2, v53;
	v42 =	vld.idx.msk [tilespmem:v42+s5+$0x0], $0xffff  }
0x16d: {  	v21 =	vshll.u32 v21, $0x1;
	v24 =	vadd.s32 s30, v24;
	v23 =	vadd.s32 v47, v23;
	v27 =	vld.idx.msk [tilespmem:v44+s11+$0x0], $0xffff  }
0x16e: {  	v21 =	vadd.s32 s30, v21;
	vm9 =	vgt.f32 v49, v28;
	v52 =	vadd.s32 s19, v12;
	v55 =	vld.idx.msk [tilespmem:v6+s10+$0x0], $0xffff  }
0x16f: {  	vm12 =	vgt.f32 v35, v31;
	v13 =	vshll.u32 v13, $0x1;
	v57 =	vsel vm14, $0x2, v10;
	v6 =	vld.idx.msk [tilespmem:v6+s11+$0x0], $0xffff  }
0x170: {  	v25 =	vmax.f32 v25, $0.0e+00;
	v13 =	vadd.s32 s18, v13;
	v41 =	vadd.s32 v56, v57;
	v61 =	vld.idx.msk [tilespmem:v48+s10+$0x0], $0xffff  }
0x171: {  	s31 =	sadd.s32 s22, s16;
	v33 =	vshll.u32 v33, $0x1;
	v50 =	vld.idx.msk [tilespmem:v53+s5+$0x0], $0xffff;
	vm15 =	vgt.f32 v42, v37;
	v42 =	vadd.s32 s19, v41  }
0x172: {  	s24 =	sadd.s32 $0x2, s31;
	vm13 =	vgt.f32 v36, v32;
	v33 =	vadd.s32 s18, v33;
	v23 =	vld.idx.msk [tilespmem:v23+s12+$0x0], $0xffff;
	v63 =	vadd.s32 v3, v63  }
0x173: {  	v34 =	vshll.u32 v34, $0x1;
	v57 =	vadd.s32 s24, v17;
	v51 =	vadd.s32 v5, v60;
	v62 =	vld.idx.msk [tilespmem:v52+s10+$0x0], $0xffff  }
0x174: {  	v12 =	vshll.u32 v12, $0x1;
	v54 =	vld.idx.msk [tilespmem:v48+s11+$0x0], $0xffff;
	v53 =	vsel vm9, $0x2, v10;
	v49 =	vadd.s32 v4, v55  }
0x175: {  	v12 =	vadd.s32 s18, v12;
	v48 =	vsel vm12, $0x2, v10;
	v59 =	vld.idx.msk [tilespmem:v52+s11+$0x0], $0xffff;
	v20 =	vadd.s32 v53, v20  }
0x176: {  	v24 =	vadd.s32 v48, v24;
	v55 =	vadd.s32 v7, v61;
	vm9 =	vgt.f32 v50, v1;
	v50 =	vld.idx.msk [tilespmem:v42+s10+$0x0], $0xffff  }
0x177: {  	v48 =	vadd.s32 s18, v34;
	v61 =	vsel vm10, $0x2, v10;
	v23 =	vmax.f32 v23, $0.0e+00;
	v28 =	vld.idx.msk [tilespmem:v63+s5+$0x0], $0xffff  }
0x178: {  	v60 =	vadd.s32 v8, v62;
	v22 =	vadd.s32 v61, v22;
	v62 =	vsel vm11, $0x2, v10;
	v1 =	vld.idx.msk [tilespmem:v51+s5+$0x0], $0xffff  }
0x179: {  	v19 =	vadd.s32 v62, v19;
	v51 =	vshll.u32 v40, $0x1;
	v52 =	vsel vm15, $0x2, v10;
	v31 =	vld.idx.msk [tilespmem:v49+s5+$0x0], $0xffff  }
0x17a: {  	v62 =	vadd.s32 s24, v43;
	v49 =	vsel vm13, $0x2, v10;
	v20 =	vld.idx.msk [tilespmem:v20+s12+$0x0], $0xffff;
	v53 =	vsel vm9, $0x2, v10  }
0x17b: {  	v21 =	vadd.s32 v49, v21;
	v13 =	vadd.s32 v53, v13;
	v63 =	vld.idx.msk [tilespmem:v55+s5+$0x0], $0xffff;
	v29 =	vadd.s32 v9, v50  }
0x17c: {  	v24 =	vld.idx.msk [tilespmem:v24+s12+$0x0], $0xffff;
	vm10 =	vgt.f32 v28, v27;
	v27 =	vadd.s32 s24, v15;
	v28 =	vadd.s32 s18, v51  }
0x17d: {  	v44 =	vld.idx.msk [tilespmem:v60+s5+$0x0], $0xffff;
	v60 =	vadd.s32 s24, v18;
	vm12 =	vgt.f32 v1, v30;
	v1 =	vadd.s32 s24, v45  }
0x17e: {  	v22 =	vld.idx.msk [tilespmem:v22+s12+$0x0], $0xffff;
	v28 =	vadd.s32 v52, v28;
	v30 =	vadd.s32 s24, v16;
	v55 =	vsel vm10, $0x2, v10  }
0x17f: {  	v58 =	vld.idx.msk [tilespmem:v42+s11+$0x0], $0xffff;
	vm11 =	vgt.f32 v31, v6;
	v6 =	vmax.f32 v26, $0.0e+00;
	v26 =	vadd.s32 s24, v14  }
0x180: {  	v20 =	vmax.f32 v20, $0.0e+00;
	vm13 =	vgt.f32 v63, v54;
	v54 =	vshll.u32 v38, $0x1;
	v29 =	vld.idx.msk [tilespmem:v29+s5+$0x0], $0xffff  }
0x181: {  	v61 =	vsel vm11, $0x2, v10;
	v63 =	vsel vm12, $0x2, v10;
	v56 =	vadd.s32 s18, v54;
	v50 =	vld [tilespmem:$0x1FFF0]  }
0x182: {  	v19 =	vld.idx.msk [tilespmem:v19+s12+$0x0], $0xffff;
	vm14 =	vgt.f32 v44, v59;
	v59 =	vshll.u32 v39, $0x1;
	v31 =	vadd.s32 v55, v56  }
0x183: {  	v21 =	vld.idx.msk [tilespmem:v21+s12+$0x0], $0xffff;
	v46 =	vsel vm13, $0x2, v10;
	v37 =	vadd.s32 s18, v59;
	[tilespmem:v1+s14+$0x0] =	vst.idx.msk $0xffff, v6;
	v6 =	vadd.s32 v63, v33  }
0x184: {  	v13 =	vld.idx.msk [tilespmem:v13+s12+$0x0], $0xffff;
	v47 =	vsel vm14, $0x2, v10;
	v49 =	vadd.s32 v46, v48;
	v37 =	vadd.s32 v61, v37  }
0x185: {  	v1 =	vshll.u32 v41, $0x1;
	[tilespmem:v26+s14+$0x0] =	vst.idx.msk $0xffff, v25;
	v12 =	vadd.s32 v47, v12;
	vm15 =	vgt.f32 v29, v58  }
0x186: {  	s23 =	sadd.s32 $0x3, s31;
	v28 =	vld.idx.msk [tilespmem:v28+s12+$0x0], $0xffff;
	v1 =	vadd.s32 s18, v1;
	[tilespmem:v27+s14+$0x0] =	vst.idx.msk $0xffff, v23;
	v52 =	vadd.s32 s24, v50;
	v51 =	vsel vm15, $0x2, v10  }
0x187: {  	v54 =	vmax.f32 v22, $0.0e+00;
	v56 =	vadd.s32 s23, v45;
	[tilespmem:v30+s14+$0x0] =	vst.idx.msk $0xffff, v20;
	v53 =	vld.idx.msk [tilespmem:v31+s12+$0x0], $0xffff;
	v1 =	vadd.s32 v51, v1  }
0x188: {  	v19 =	vmax.f32 v19, $0.0e+00;
	[tilespmem:v57+s14+$0x0] =	vst.idx.msk $0xffff, v54;
	v57 =	vadd.s32 s23, v14;
	v6 =	vld.idx.msk [tilespmem:v6+s12+$0x0], $0xffff  }
0x189: {  	v59 =	vadd.s32 s23, v15;
	[tilespmem:v60+s14+$0x0] =	vst.idx.msk $0xffff, v19;
	v19 =	vmax.f32 v24, $0.0e+00;
	v55 =	vld.idx.msk [tilespmem:v37+s12+$0x0], $0xffff  }
0x18a: {  	v60 =	vadd.s32 s23, v16;
	[tilespmem:v62+s14+$0x0] =	vst.idx.msk $0xffff, v19;
	v19 =	vmax.f32 v21, $0.0e+00;
	v12 =	vld.idx.msk [tilespmem:v12+s12+$0x0], $0xffff  }
0x18b: {  	v61 =	vadd.s32 s23, v17;
	v58 =	vld.idx.msk [tilespmem:v49+s12+$0x0], $0xffff;
	[tilespmem:v52+s14+$0x0] =	vst.idx.msk $0xffff, v19;
	v19 =	vmax.f32 v28, $0.0e+00  }
0x18c: {  	v13 =	vmax.f32 v13, $0.0e+00;
	v1 =	vld.idx.msk [tilespmem:v1+s12+$0x0], $0xffff;
	[tilespmem:v56+s14+$0x0] =	vst.idx.msk $0xffff, v19;
	v19 =	vadd.s32 s23, v18  }
0x18d: {  	s22 =	sadd.s32 $0x2, s22;
	v62 =	vadd.s32 s23, v43;
	[tilespmem:v57+s14+$0x0] =	vst.idx.msk $0xffff, v13;
	v13 =	vmax.f32 v53, $0.0e+00  }
0x18e: {  	p0 =	slt.u32 s22, $0x12;
	v63 =	vadd.s32 s23, v50;
	[tilespmem:v59+s14+$0x0] =	vst.idx.msk $0xffff, v13;
	v13 =	vmax.f32 v55, $0.0e+00  }
.Ltmp0:
0x18f: {  	v6 =	vmax.f32 v6, $0.0e+00;
	[tilespmem:v60+s14+$0x0] =	vst.idx.msk $0xffff, v13;
	(pc) =	sbr.rel @p0 .LBB2_4-.Ltmp0, $4  }
0x190: {  	[tilespmem:v61+s14+$0x0] =	vst.idx.msk $0xffff, v6;
	v6 =	vmax.f32 v58, $0.0e+00  }
0x191: {  	[tilespmem:v19+s14+$0x0] =	vst.idx.msk $0xffff, v6;
	v6 =	vmax.f32 v12, $0.0e+00  }
0x192: {  	s20 =	sadd.s32 $0x220, s20;
	v1 =	vmax.f32 v1, $0.0e+00;
	[tilespmem:v62+s14+$0x0] =	vst.idx.msk $0xffff, v6  }
0x193: {  	s21 =	sadd.s32 $0x220, s21;
	s19 =	sadd.s32 $0x220, s19;
	s18 =	sadd.s32 $0x200, s18;
	[tilespmem:v63+s14+$0x0] =	vst.idx.msk $0xffff, v1;
	v1 =	vimm.s32 $0x0  }
0x194: {  	p0 =	seq.s32 s17, $0x19  }
.Ltmp1:
0x195: {  	_ = 	snop;
	(pc) =	sbr.rel @!p0 .LBB2_3-.Ltmp1, $2  }
0x196: {  	_ =	sdelay $0x2  }
0x197: {  	s16 =	sadd.s32 $0x14, s16  }
0x198: {  	s15 =	sadd.s32 $0x1, s15  }
0x199: {  	p0 =	sne.s32 s15, s8  }
.Ltmp2:
0x19a: {  	_ = 	snop;
	(pc) =	sbr.rel @p0 .LBB2_1-.Ltmp2, $4  }
0x19b: {  	[hbm4b:s7+s5] =	stream.linear.scatter [tilespmem:s14], [sflag:$0x2], $0xFA00, $0x38;
	[tilespmem:$0x1F780] =	vst v63  }
0x19c: {  	_ =	swait.ge [sflag:s9], $0xFA00  }
0x19d: {  	[sflag:s9] =	ssyncset.done $0x0  }
0x19e: {  	[sflag:s9] =	ssyncadd.s32 $0xFFFF0600  }
0x19f: {  	_ =	sfence.sel $0x180000  }
0x1a0: {  	[bflag:$0x0] =	sbarrier.arrive $0xFFFF  }
0x1a1: {  	p0 =	sne.s32 s2, $0x0;
	_ =	strace $0x90000047  }
0x1a2: {  	s0 =	sadd.s32 @!p0 $0x100000, s4;
	[bflag:$0x2] =	sbarrier.arrive $0xFFFF  }
0x1a3: {  	[sflag:s0] =	ssyncadd.tile.s32 @!p0 $0x1;
	_ =	shalt  }
.Lfunc_end2:
_tile_overlayer_lowered:
.L_overlay_start_2:
0x1a4: {  	(tag) =	ssettag $0x2  }
0x1a5: {  	s0 =	rddreg [dreg:$0x0];
	s2 =	stileid.u32  }
0x1a6: {  	s1 =	rddreg [dreg:$0x1];
	p0 =	sne.s32 s2, $0x0  }
0x1a7: {  	s3 =	rddreg [dreg:$0x2];
	[bflag:$0x3] =	sbarrier.arrive $0xFFFF;
	s2 =	simm.s32 @!p0 $0x1C02  }
0x1a8: {  	[timem:s3], [sflag:s2] =	dma.local @!p0 [hbm:s0], s1  }
0x1a9: {  	s0 =	simm.s32 @!p0 $0x2  }
0x1aa: {  	_ =	swait.ge @!p0 [sflag:s0], s1  }
0x1ab: {  	s1 =	ssub.s32 @!p0 $0x0, s1;
	[sflag:s0] =	ssyncset.done @!p0 $0x0  }
0x1ac: {  	[sflag:s0] =	ssyncadd.s32 @!p0 s1  }
0x1ad: {  	[bflag:$0x3] =	sbarrier.arrive $0xFFFF  }
0x1ae: {  	_ =	shalt  }

</sc_bundles>
